<compile_context>
chip_gen: v7x
topology: tpu7x:2x2x1
jax: 0.10.2.dev20260603
libtpu: 0.0.44.dev20260713+nightly
codegen_flags: <defaults>
</compile_context>

<pallas_src>
import functools

import jax
import jax.numpy as jnp
from jax import lax
from jax.experimental import pallas as pl
from jax.experimental.pallas import tpu as pltpu
from jax.experimental.pallas import tpu_sc as plsc

B, NQ, N, DIM_G, DIM_INP, DIM, K = 4, 1024, 1024, 256, 128, 256, 16
MQ = 128
QB = NQ // MQ
XW = 8
RT = B * NQ * K
BIG = 3.0e38



def _topk(xyzq_ref, xyzT_ref, xyz8_ref, idx_ref, dv_ref):
    f32 = jnp.float32
    b = pl.program_id(0)
    xq = xyzq_ref[0]
    xt = xyzT_ref[0]
    x8 = xyz8_ref[0]
    xq8 = jnp.concatenate([xq, jnp.zeros((MQ, XW - 3), f32)], axis=1)

    d = jnp.zeros((MQ, N), f32)
    for j in range(3):
        t = xq[:, j:j + 1] - xt[j:j + 1, :]
        d = d + t * t

    iota = jax.lax.broadcasted_iota(jnp.int32, (MQ, N), 1).astype(f32)
    for k in range(K):
        m = jnp.min(d, axis=1, keepdims=True)
        idx = jnp.min(jnp.where(d == m, iota, float(N)), axis=1, keepdims=True)
        sel = iota == idx
        d = jnp.where(sel, BIG, d)
        xk = jnp.dot(sel.astype(f32), x8, preferred_element_type=f32)
        dv_ref[0, 0, :, k * XW:(k + 1) * XW] = xq8 - xk
        idx_ref[0, 0, :, k:k + 1] = idx.astype(jnp.int32) + b * N



_SC_CHUNK = 128


def _sc_gather(table_flat, idx_flat):
    info = plsc.get_sparse_core_info()
    nw = info.num_cores * info.num_subcores
    n_rows = idx_flat.shape[0]
    per_w = n_rows // nw
    n_chunks = per_w // _SC_CHUNK
    mesh = plsc.VectorSubcoreMesh(core_axis_name="c", subcore_axis_name="s")

    @functools.partial(
        pl.kernel, mesh=mesh,
        out_type=jax.ShapeDtypeStruct((n_rows, DIM_INP), jnp.float32),
        scratch_types=[
            pltpu.VMEM((_SC_CHUNK,), jnp.int32),
            pltpu.VMEM((_SC_CHUNK, DIM_INP), jnp.float32),
            pltpu.SemaphoreType.DMA,
        ],
    )
    def gather_k(table_hbm, idx_hbm, out_hbm, idx_v, rows_v, sem):
        wid = lax.axis_index("s") * info.num_cores + lax.axis_index("c")
        w_base = wid * per_w

        def body(c, carry):
            base = w_base + c * _SC_CHUNK
            pltpu.sync_copy(idx_hbm.at[pl.ds(base, _SC_CHUNK)], idx_v)
            pltpu.async_copy(table_hbm.at[idx_v], rows_v, sem).wait()
            pltpu.sync_copy(rows_v, out_hbm.at[pl.ds(base, _SC_CHUNK)])
            return carry

        lax.fori_loop(0, n_chunks, body, 0)

    return gather_k(table_flat, idx_flat)




def _attn(gath_ref, dv_ref, lat_ref,
          wd1_ref, bd1_ref, wd2_ref, bd2_ref,
          wg1_ref, bg1_ref, wg2_ref, bg2_ref,
          wkg_ref, wvg_ref, wqs_ref, wkv_ref,
          out_ref):
    f32 = jnp.float32
    bf16 = jnp.bfloat16
    R = K * MQ

    gp = gath_ref[0]
    kv = jnp.dot(gp.astype(bf16), wkv_ref[...].astype(bf16),
                 preferred_element_type=f32)
    kloc = kv[:, :DIM]
    vloc = kv[:, DIM:]

    dvb = dv_ref[0]
    dv = jnp.concatenate(
        [dvb[None, :, k * XW:(k + 1) * XW] for k in range(K)], axis=0
    ).reshape(R, XW)
    h = jnp.maximum(
        jnp.dot(dv, wd1_ref[...], preferred_element_type=f32) + bd1_ref[...], 0.0)
    pos = jnp.dot(h.astype(bf16), wd2_ref[...].astype(bf16),
                  preferred_element_type=f32) + bd2_ref[...]

    lr = lat_ref[0]
    qg = jnp.dot(lr, wqs_ref[...], preferred_element_type=f32)
    kg = jnp.dot(lr, wkg_ref[...], preferred_element_type=f32)
    vg = jnp.dot(lr, wvg_ref[...], preferred_element_type=f32)

    ain = qg - kloc + pos
    t1 = jnp.maximum(
        jnp.dot(ain.astype(bf16), wg1_ref[...].astype(bf16),
                preferred_element_type=f32) + bg1_ref[...], 0.0)
    a = jnp.dot(t1.astype(bf16), wg2_ref[...].astype(bf16),
                preferred_element_type=f32) + bg2_ref[...]

    gt = jnp.maximum(
        jnp.dot(qg - kg, wg1_ref[...], preferred_element_type=f32) + bg1_ref[...], 0.0)
    glog = jnp.dot(gt, wg2_ref[...], preferred_element_type=f32) + bg2_ref[...]

    a3 = a.reshape(K, MQ, DIM)
    vpp3 = (vloc + pos).reshape(K, MQ, DIM)
    m = jnp.maximum(jnp.max(a3, axis=0), glog)
    e3 = jnp.exp(a3 - m[None])
    s = jnp.sum(e3, axis=0)
    num = jnp.sum(e3 * vpp3, axis=0)
    eg = jnp.exp(glog - m)
    s = s + eg
    num = num + eg * vg
    out_ref[...] = num / s




def kernel(xyz_q, lat_rep, xyz, points, W_delta1, b_delta1, W_delta2, b_delta2,
           W_gamma1, b_gamma1, W_gamma2, b_gamma2, W_kg, W_vg, W_qs, W_ks, W_vs):
    f32 = jnp.float32
    xyzT = jnp.swapaxes(xyz, 1, 2)
    xyz8 = jnp.concatenate([xyz, jnp.zeros((B, N, XW - 3), f32)], axis=-1)
    wkv = jnp.concatenate([W_ks.T, W_vs.T], axis=1)
    wd1 = jnp.concatenate([W_delta1.T, jnp.zeros((XW - 3, DIM), f32)], axis=0)

    idx, dv = pl.pallas_call(
        _topk,
        grid=(B, QB),
        in_specs=[
            pl.BlockSpec((1, MQ, 3), lambda b, q: (b, q, 0)),
            pl.BlockSpec((1, 3, N), lambda b, q: (b, 0, 0)),
            pl.BlockSpec((1, N, XW), lambda b, q: (b, 0, 0)),
        ],
        out_specs=(
            pl.BlockSpec((1, 1, MQ, K), lambda b, q: (b, q, 0, 0)),
            pl.BlockSpec((1, 1, MQ, K * XW), lambda b, q: (b, q, 0, 0)),
        ),
        out_shape=(
            jax.ShapeDtypeStruct((B, QB, MQ, K), jnp.int32),
            jax.ShapeDtypeStruct((B, QB, MQ, K * XW), f32),
        ),
    )(xyz_q, xyzT, xyz8)

    table_flat = points.reshape(B * N, DIM_INP)

    full = lambda shape: pl.BlockSpec(shape, lambda q: tuple(0 for _ in shape))
    row = lambda: pl.BlockSpec((1, DIM), lambda q: (0, 0))

    attn_call = pl.pallas_call(
        _attn,
        grid=(QB,),
        in_specs=[
            pl.BlockSpec((1, K * MQ, DIM_INP), lambda q: (q, 0, 0)),
            pl.BlockSpec((1, MQ, K * XW), lambda q: (q, 0, 0)),
            pl.BlockSpec((1, 1, DIM_G), lambda q: (0, 0, 0)),
            full((XW, DIM)),
            row(),
            full((DIM, DIM)),
            row(),
            full((DIM, DIM)),
            row(),
            full((DIM, DIM)),
            row(),
            full((DIM_G, DIM)),
            full((DIM_G, DIM)),
            full((DIM_G, DIM)),
            full((DIM_INP, 2 * DIM)),
        ],
        out_specs=pl.BlockSpec((MQ, DIM), lambda q: (q, 0)),
        out_shape=jax.ShapeDtypeStruct((NQ, DIM), f32),
    )

    outs = []
    for b in range(B):
        idx_b = jnp.transpose(idx[b], (0, 2, 1)).reshape(NQ * K)
        gath_b = _sc_gather(table_flat, idx_b)
        outs.append(attn_call(
            gath_b.reshape(QB, K * MQ, DIM_INP), dv[b],
            lat_rep[b].reshape(1, 1, DIM_G),
            wd1, b_delta1.reshape(1, DIM),
            W_delta2.T, b_delta2.reshape(1, DIM),
            W_gamma1.T, b_gamma1.reshape(1, DIM),
            W_gamma2.T, b_gamma2.reshape(1, DIM),
            W_kg.T, W_vg.T, W_qs.T, wkv))
    return jnp.stack(outs, axis=0)

# --- scband reference (transcript-rebuilt; emitter-appended) ---
"""Pipeline reference for scband-cross-transformer-block-21603685499516 (READ-ONLY COPY).

The authoritative reference and input builder live on the scoring server;
editing this copy changes nothing except your own understanding.
"""

import jax, jax.numpy as jnp
import numpy as np

B, NQ, N, DIM_G, DIM_INP, DIM, K = 4, 1024, 1024, 256, 128, 256, 16


def setup_inputs(seed: int = 0) -> dict:
    key = jax.random.key(seed)
    ks = jax.random.split(key, 16)
    inp = {
        "xyz_q": jax.random.normal(ks[0], (B, NQ, 3), dtype=jnp.float32),
        "lat_rep": jax.random.normal(ks[1], (B, DIM_G), dtype=jnp.float32),
        "xyz": jax.random.normal(ks[2], (B, N, 3), dtype=jnp.float32),
        "points": jax.random.normal(ks[3], (B, N, DIM_INP), dtype=jnp.float32),
        "W_delta1": jax.random.normal(ks[4], (DIM, 3), dtype=jnp.float32) * 0.1,
        "b_delta1": jnp.zeros((DIM,), dtype=jnp.float32),
        "W_delta2": jax.random.normal(ks[5], (DIM, DIM), dtype=jnp.float32) * 0.05,
        "b_delta2": jnp.zeros((DIM,), dtype=jnp.float32),
        "W_gamma1": jax.random.normal(ks[6], (DIM, DIM), dtype=jnp.float32) * 0.05,
        "b_gamma1": jnp.zeros((DIM,), dtype=jnp.float32),
        "W_gamma2": jax.random.normal(ks[7], (DIM, DIM), dtype=jnp.float32) * 0.05,
        "b_gamma2": jnp.zeros((DIM,), dtype=jnp.float32),
        "W_kg": jax.random.normal(ks[8], (DIM, DIM_G), dtype=jnp.float32) * 0.05,
        "W_vg": jax.random.normal(ks[9], (DIM, DIM_G), dtype=jnp.float32) * 0.05,
        "W_qs": jax.random.normal(ks[10], (DIM, DIM_G), dtype=jnp.float32) * 0.05,
        "W_ks": jax.random.normal(ks[11], (DIM, DIM_INP), dtype=jnp.float32) * 0.05,
        "W_vs": jax.random.normal(ks[12], (DIM, DIM_INP), dtype=jnp.float32) * 0.05,
    }
    return inp


def reference(xyz_q, lat_rep, xyz, points, W_delta1, b_delta1, W_delta2, b_delta2,
              W_gamma1, b_gamma1, W_gamma2, b_gamma2, W_kg, W_vg, W_qs, W_ks, W_vs):
    b, nQ = xyz_q.shape[0], xyz_q.shape[1]
    # square_distance + argsort kNN (torch.no_grad block; indices are ints -> no grad path)
    dists = jnp.sum((xyz_q[:, :, None, :] - xyz[:, None, :, :]) ** 2, axis=-1)  # [B, nQ, N]
    knn_idx = jnp.argsort(dists, axis=-1)[:, :, :K]  # [B, nQ, K]
    batch = jnp.arange(b)[:, None, None]

    # lat_rep is 2D: expand over queries
    q_attn = jnp.broadcast_to((lat_rep @ W_qs.T)[:, None, :], (b, nQ, DIM))
    k_global = jnp.broadcast_to((lat_rep @ W_kg.T)[:, None, :], (b, nQ, DIM))[:, :, None, :]
    v_global = jnp.broadcast_to((lat_rep @ W_vg.T)[:, None, :], (b, nQ, DIM))[:, :, None, :]

    ks_all = points @ W_ks.T  # [B, N, DIM]
    vs_all = points @ W_vs.T  # [B, N, DIM]
    k_attn = ks_all[batch, knn_idx]  # gather: [B, nQ, K, DIM]
    k_attn = jnp.concatenate([k_attn, k_global], axis=2)  # [B, nQ, K+1, DIM]
    v_attn = vs_all[batch, knn_idx]
    v_attn = jnp.concatenate([v_attn, v_global], axis=2)

    xyz_knn = xyz[batch, knn_idx]  # [B, nQ, K, 3]
    d = xyz_q[:, :, None, :] - xyz_knn

    def fc_delta(t):
        return jax.nn.relu(t @ W_delta1.T + b_delta1) @ W_delta2.T + b_delta2

    zeros_pad = jnp.zeros((b, nQ, 1, DIM), dtype=xyz_q.dtype)
    pos_encode = jnp.concatenate([fc_delta(d), zeros_pad], axis=2)
    # separate_delta=True: computed again (same weights)
    pos_encode2 = jnp.concatenate([fc_delta(d), zeros_pad], axis=2)

    def fc_gamma(t):
        return jax.nn.relu(t @ W_gamma1.T + b_gamma1) @ W_gamma2.T + b_gamma2

    attn = fc_gamma(q_attn[:, :, None, :] - k_attn + pos_encode)
    attn = jax.nn.softmax(attn, axis=-2)
    res = jnp.einsum('bmnf,bmnf->bmf', attn, v_attn + pos_encode2)
    return res

if __name__ == "__main__":
    import jax
    _d = setup_inputs()
    print(jax.jit(kernel)(*tuple(_d.values())))

</pallas_src>

<mosaic_0001>
#map = affine_map<(d0, d1) -> (0, 0)>
#map1 = affine_map<(d0, d1) -> (0)>
module attributes {stable_mosaic.version = 14 : i64} {
  func.func @gather_k(%arg0: i32, %arg1: i32, %arg2: memref<4096x128xf32, #tpu.memory_space<hbm>>, %arg3: memref<16384xi32, #tpu.memory_space<hbm>>, %arg4: memref<16384x128xf32, #tpu.memory_space<hbm>>, %arg5: memref<128xi32, #tpu.memory_space<vmem>>, %arg6: memref<128x128xf32, #tpu.memory_space<vmem>>, %arg7: memref<!tpu.dma_semaphore, #tpu.memory_space<semaphore_mem>>) attributes {dimension_semantics = [#tpu.dimension_semantics<core_parallel>, #tpu.dimension_semantics<subcore_parallel>], iteration_bounds = array<i64: 2, 16>, scalar_prefetch = 0 : i64, scratch_operands = 3 : i64, tpu.core_type = #tpu.core_type<sc_vector_subcore>, window_params = [{transform_indices = #map}, {transform_indices = #map1}, {transform_indices = #map}]} {
    %mul3A = arith.constant 2 : i32
    %mul3A_0 = arith.muli %arg1, %mul3A : i32
    %add3A = arith.addi %mul3A_0, %arg0 : i32
    %mul3A_1 = arith.constant 512 : i32
    %mul3A_2 = arith.muli %add3A, %mul3A_1 : i32
    %scan3A = arith.constant 0 : i32
    %scan3A_3 = arith.constant 0 : i32
    %scan3A_4 = arith.constant 4 : i32
    %scan3A_5 = arith.addi %scan3A_3, %scan3A_4 : i32
    %scan3A_6 = arith.constant 1 : i32
    scf.for %scan3A_8 = %scan3A_3 to %scan3A_5 step %scan3A_6  : i32 {
      %mul3A_9 = arith.constant 128 : i32
      %mul3A_10 = arith.muli %scan3A_8, %mul3A_9 : i32
      %add3A_11 = arith.addi %mul3A_2, %mul3A_10 : i32
      "tpu.region"() ({
        %run_scoped3A = tpu.sem_alloc : memref<!tpu.dma_semaphore, #tpu.memory_space<semaphore_mem>>
        %dma_start3A_16 = tpu.memref_slice %arg3[%add3A_11] : memref<16384xi32, #tpu.memory_space<hbm>> -> memref<128xi32, #tpu.memory_space<hbm>>
        %dma_start3A_17 = tpu.memref_slice %arg3[%add3A_11] : memref<16384xi32, #tpu.memory_space<hbm>> -> memref<128xi32, #tpu.memory_space<hbm>>
        tpu.enqueue_dma source(%dma_start3A_17 : memref<128xi32, #tpu.memory_space<hbm>>) target(%arg5 : memref<128xi32, #tpu.memory_space<vmem>>) target_semaphore(%run_scoped3A : memref<!tpu.dma_semaphore, #tpu.memory_space<semaphore_mem>>)
        %dma_wait3A_18 = tpu.memref_slice %arg3[%add3A_11] : memref<16384xi32, #tpu.memory_space<hbm>> -> memref<128xi32, #tpu.memory_space<hbm>>
        %dma_wait3A_19 = tpu.memref_slice %arg3[%add3A_11] : memref<16384xi32, #tpu.memory_space<hbm>> -> memref<128xi32, #tpu.memory_space<hbm>>
        tpu.wait_dma2 semaphore(%run_scoped3A : memref<!tpu.dma_semaphore, #tpu.memory_space<semaphore_mem>>) src(%dma_wait3A_19 : memref<128xi32, #tpu.memory_space<hbm>>) dst(%arg5 : memref<128xi32, #tpu.memory_space<vmem>>)
        tpu.yield
      }) : () -> ()
      %dma_start3A = arith.constant 0 : i32
      %dma_start3A_12 = arith.constant 0 : i32
      %dma_start3A_13 = tpu.memref_slice %arg2[%dma_start3A, %dma_start3A_12] : memref<4096x128xf32, #tpu.memory_space<hbm>> -> memref<4096x128xf32, #tpu.memory_space<hbm>>
      tpu.enqueue_indirect_dma source(%dma_start3A_13 : memref<4096x128xf32, #tpu.memory_space<hbm>>) target(%arg6 : memref<128x128xf32, #tpu.memory_space<vmem>>) offsets(%arg5 : memref<128xi32, #tpu.memory_space<vmem>>) semaphore(%arg7 : memref<!tpu.dma_semaphore, #tpu.memory_space<semaphore_mem>>)
      %dma_wait3A = arith.constant 0 : i32
      %dma_wait3A_14 = arith.constant 0 : i32
      %dma_wait3A_15 = tpu.memref_slice %arg2[%dma_wait3A, %dma_wait3A_14] : memref<4096x128xf32, #tpu.memory_space<hbm>> -> memref<4096x128xf32, #tpu.memory_space<hbm>>
      tpu.wait_indirect_dma semaphore(%arg7 : memref<!tpu.dma_semaphore, #tpu.memory_space<semaphore_mem>>) src(%dma_wait3A_15 : memref<4096x128xf32, #tpu.memory_space<hbm>>) dst(%arg6 : memref<128x128xf32, #tpu.memory_space<vmem>>)
      "tpu.region"() ({
        %run_scoped3A = tpu.sem_alloc : memref<!tpu.dma_semaphore, #tpu.memory_space<semaphore_mem>>
        %dma_start3A_16 = arith.constant 0 : i32
        %dma_start3A_17 = tpu.memref_slice %arg4[%add3A_11, %dma_start3A_16] : memref<16384x128xf32, #tpu.memory_space<hbm>> -> memref<128x128xf32, #tpu.memory_space<hbm>>
        %dma_start3A_18 = arith.constant 0 : i32
        %dma_start3A_19 = tpu.memref_slice %arg4[%add3A_11, %dma_start3A_18] : memref<16384x128xf32, #tpu.memory_space<hbm>> -> memref<128x128xf32, #tpu.memory_space<hbm>>
        tpu.enqueue_dma source(%arg6 : memref<128x128xf32, #tpu.memory_space<vmem>>) target(%dma_start3A_19 : memref<128x128xf32, #tpu.memory_space<hbm>>) target_semaphore(%run_scoped3A : memref<!tpu.dma_semaphore, #tpu.memory_space<semaphore_mem>>)
        %dma_wait3A_20 = arith.constant 0 : i32
        %dma_wait3A_21 = tpu.memref_slice %arg4[%add3A_11, %dma_wait3A_20] : memref<16384x128xf32, #tpu.memory_space<hbm>> -> memref<128x128xf32, #tpu.memory_space<hbm>>
        %dma_wait3A_22 = arith.constant 0 : i32
        %dma_wait3A_23 = tpu.memref_slice %arg4[%add3A_11, %dma_wait3A_22] : memref<16384x128xf32, #tpu.memory_space<hbm>> -> memref<128x128xf32, #tpu.memory_space<hbm>>
        tpu.wait_dma2 semaphore(%run_scoped3A : memref<!tpu.dma_semaphore, #tpu.memory_space<semaphore_mem>>) src(%arg6 : memref<128x128xf32, #tpu.memory_space<vmem>>) dst(%dma_wait3A_23 : memref<128x128xf32, #tpu.memory_space<hbm>>)
        tpu.yield
      }) : () -> ()
    }
    %scan3A_7 = arith.constant 4 : i32
    return
  }
}

#map = affine_map<(d0, d1) -> (0, 0)>
#map1 = affine_map<(d0, d1) -> (0)>
module attributes {stable_mosaic.version = 14 : i64} {
  func.func @gather_k(%arg0: i32, %arg1: i32, %arg2: memref<4096x128xf32, #tpu.memory_space<hbm>>, %arg3: memref<16384xi32, #tpu.memory_space<hbm>>, %arg4: memref<16384x128xf32, #tpu.memory_space<hbm>>, %arg5: memref<128xi32, #tpu.memory_space<vmem>>, %arg6: memref<128x128xf32, #tpu.memory_space<vmem>>, %arg7: memref<!tpu.dma_semaphore, #tpu.memory_space<semaphore_mem>>) attributes {dimension_semantics = [#tpu.dimension_semantics<core_parallel>, #tpu.dimension_semantics<subcore_parallel>], iteration_bounds = array<i64: 2, 16>, scalar_prefetch = 0 : i64, scratch_operands = 3 : i64, tpu.core_type = #tpu.core_type<sc_vector_subcore>, window_params = [{transform_indices = #map}, {transform_indices = #map1}, {transform_indices = #map}]} {
    %mul3A = arith.constant 2 : i32
    %mul3A_0 = arith.muli %arg1, %mul3A : i32
    %add3A = arith.addi %mul3A_0, %arg0 : i32
    %mul3A_1 = arith.constant 512 : i32
    %mul3A_2 = arith.muli %add3A, %mul3A_1 : i32
    %scan3A = arith.constant 0 : i32
    %scan3A_3 = arith.constant 0 : i32
    %scan3A_4 = arith.constant 4 : i32
    %scan3A_5 = arith.addi %scan3A_3, %scan3A_4 : i32
    %scan3A_6 = arith.constant 1 : i32
    scf.for %scan3A_8 = %scan3A_3 to %scan3A_5 step %scan3A_6  : i32 {
      %mul3A_9 = arith.constant 128 : i32
      %mul3A_10 = arith.muli %scan3A_8, %mul3A_9 : i32
      %add3A_11 = arith.addi %mul3A_2, %mul3A_10 : i32
      "tpu.region"() ({
        %run_scoped3A = tpu.sem_alloc : memref<!tpu.dma_semaphore, #tpu.memory_space<semaphore_mem>>
        %dma_start3A_16 = tpu.memref_slice %arg3[%add3A_11] : memref<16384xi32, #tpu.memory_space<hbm>> -> memref<128xi32, #tpu.memory_space<hbm>>
        %dma_start3A_17 = tpu.memref_slice %arg3[%add3A_11] : memref<16384xi32, #tpu.memory_space<hbm>> -> memref<128xi32, #tpu.memory_space<hbm>>
        tpu.enqueue_dma source(%dma_start3A_17 : memref<128xi32, #tpu.memory_space<hbm>>) target(%arg5 : memref<128xi32, #tpu.memory_space<vmem>>) target_semaphore(%run_scoped3A : memref<!tpu.dma_semaphore, #tpu.memory_space<semaphore_mem>>)
        %dma_wait3A_18 = tpu.memref_slice %arg3[%add3A_11] : memref<16384xi32, #tpu.memory_space<hbm>> -> memref<128xi32, #tpu.memory_space<hbm>>
        %dma_wait3A_19 = tpu.memref_slice %arg3[%add3A_11] : memref<16384xi32, #tpu.memory_space<hbm>> -> memref<128xi32, #tpu.memory_space<hbm>>
        tpu.wait_dma2 semaphore(%run_scoped3A : memref<!tpu.dma_semaphore, #tpu.memory_space<semaphore_mem>>) src(%dma_wait3A_19 : memref<128xi32, #tpu.memory_space<hbm>>) dst(%arg5 : memref<128xi32, #tpu.memory_space<vmem>>)
        tpu.yield
      }) : () -> ()
      %dma_start3A = arith.constant 0 : i32
      %dma_start3A_12 = arith.constant 0 : i32
      %dma_start3A_13 = tpu.memref_slice %arg2[%dma_start3A, %dma_start3A_12] : memref<4096x128xf32, #tpu.memory_space<hbm>> -> memref<4096x128xf32, #tpu.memory_space<hbm>>
      tpu.enqueue_indirect_dma source(%dma_start3A_13 : memref<4096x128xf32, #tpu.memory_space<hbm>>) target(%arg6 : memref<128x128xf32, #tpu.memory_space<vmem>>) offsets(%arg5 : memref<128xi32, #tpu.memory_space<vmem>>) semaphore(%arg7 : memref<!tpu.dma_semaphore, #tpu.memory_space<semaphore_mem>>)
      %dma_wait3A = arith.constant 0 : i32
      %dma_wait3A_14 = arith.constant 0 : i32
      %dma_wait3A_15 = tpu.memref_slice %arg2[%dma_wait3A, %dma_wait3A_14] : memref<4096x128xf32, #tpu.memory_space<hbm>> -> memref<4096x128xf32, #tpu.memory_space<hbm>>
      tpu.wait_indirect_dma semaphore(%arg7 : memref<!tpu.dma_semaphore, #tpu.memory_space<semaphore_mem>>) src(%dma_wait3A_15 : memref<4096x128xf32, #tpu.memory_space<hbm>>) dst(%arg6 : memref<128x128xf32, #tpu.memory_space<vmem>>)
      "tpu.region"() ({
        %run_scoped3A = tpu.sem_alloc : memref<!tpu.dma_semaphore, #tpu.memory_space<semaphore_mem>>
        %dma_start3A_16 = arith.constant 0 : i32
        %dma_start3A_17 = tpu.memref_slice %arg4[%add3A_11, %dma_start3A_16] : memref<16384x128xf32, #tpu.memory_space<hbm>> -> memref<128x128xf32, #tpu.memory_space<hbm>>
        %dma_start3A_18 = arith.constant 0 : i32
        %dma_start3A_19 = tpu.memref_slice %arg4[%add3A_11, %dma_start3A_18] : memref<16384x128xf32, #tpu.memory_space<hbm>> -> memref<128x128xf32, #tpu.memory_space<hbm>>
        tpu.enqueue_dma source(%arg6 : memref<128x128xf32, #tpu.memory_space<vmem>>) target(%dma_start3A_19 : memref<128x128xf32, #tpu.memory_space<hbm>>) target_semaphore(%run_scoped3A : memref<!tpu.dma_semaphore, #tpu.memory_space<semaphore_mem>>)
        %dma_wait3A_20 = arith.constant 0 : i32
        %dma_wait3A_21 = tpu.memref_slice %arg4[%add3A_11, %dma_wait3A_20] : memref<16384x128xf32, #tpu.memory_space<hbm>> -> memref<128x128xf32, #tpu.memory_space<hbm>>
        %dma_wait3A_22 = arith.constant 0 : i32
        %dma_wait3A_23 = tpu.memref_slice %arg4[%add3A_11, %dma_wait3A_22] : memref<16384x128xf32, #tpu.memory_space<hbm>> -> memref<128x128xf32, #tpu.memory_space<hbm>>
        tpu.wait_dma2 semaphore(%run_scoped3A : memref<!tpu.dma_semaphore, #tpu.memory_space<semaphore_mem>>) src(%arg6 : memref<128x128xf32, #tpu.memory_space<vmem>>) dst(%dma_wait3A_23 : memref<128x128xf32, #tpu.memory_space<hbm>>)
        tpu.yield
      }) : () -> ()
    }
    %scan3A_7 = arith.constant 4 : i32
    return
  }
}

#map = affine_map<(d0, d1) -> (0, 0)>
#map1 = affine_map<(d0, d1) -> (0)>
module attributes {stable_mosaic.version = 14 : i64} {
  func.func @gather_k(%arg0: i32, %arg1: i32, %arg2: memref<4096x128xf32, #tpu.memory_space<hbm>>, %arg3: memref<16384xi32, #tpu.memory_space<hbm>>, %arg4: memref<16384x128xf32, #tpu.memory_space<hbm>>, %arg5: memref<128xi32, #tpu.memory_space<vmem>>, %arg6: memref<128x128xf32, #tpu.memory_space<vmem>>, %arg7: memref<!tpu.dma_semaphore, #tpu.memory_space<semaphore_mem>>) attributes {dimension_semantics = [#tpu.dimension_semantics<core_parallel>, #tpu.dimension_semantics<subcore_parallel>], iteration_bounds = array<i64: 2, 16>, scalar_prefetch = 0 : i64, scratch_operands = 3 : i64, tpu.core_type = #tpu.core_type<sc_vector_subcore>, window_params = [{transform_indices = #map}, {transform_indices = #map1}, {transform_indices = #map}]} {
    %mul3A = arith.constant 2 : i32
    %mul3A_0 = arith.muli %arg1, %mul3A : i32
    %add3A = arith.addi %mul3A_0, %arg0 : i32
    %mul3A_1 = arith.constant 512 : i32
    %mul3A_2 = arith.muli %add3A, %mul3A_1 : i32
    %scan3A = arith.constant 0 : i32
    %scan3A_3 = arith.constant 0 : i32
    %scan3A_4 = arith.constant 4 : i32
    %scan3A_5 = arith.addi %scan3A_3, %scan3A_4 : i32
    %scan3A_6 = arith.constant 1 : i32
    scf.for %scan3A_8 = %scan3A_3 to %scan3A_5 step %scan3A_6  : i32 {
      %mul3A_9 = arith.constant 128 : i32
      %mul3A_10 = arith.muli %scan3A_8, %mul3A_9 : i32
      %add3A_11 = arith.addi %mul3A_2, %mul3A_10 : i32
      "tpu.region"() ({
        %run_scoped3A = tpu.sem_alloc : memref<!tpu.dma_semaphore, #tpu.memory_space<semaphore_mem>>
        %dma_start3A_16 = tpu.memref_slice %arg3[%add3A_11] : memref<16384xi32, #tpu.memory_space<hbm>> -> memref<128xi32, #tpu.memory_space<hbm>>
        %dma_start3A_17 = tpu.memref_slice %arg3[%add3A_11] : memref<16384xi32, #tpu.memory_space<hbm>> -> memref<128xi32, #tpu.memory_space<hbm>>
        tpu.enqueue_dma source(%dma_start3A_17 : memref<128xi32, #tpu.memory_space<hbm>>) target(%arg5 : memref<128xi32, #tpu.memory_space<vmem>>) target_semaphore(%run_scoped3A : memref<!tpu.dma_semaphore, #tpu.memory_space<semaphore_mem>>)
        %dma_wait3A_18 = tpu.memref_slice %arg3[%add3A_11] : memref<16384xi32, #tpu.memory_space<hbm>> -> memref<128xi32, #tpu.memory_space<hbm>>
        %dma_wait3A_19 = tpu.memref_slice %arg3[%add3A_11] : memref<16384xi32, #tpu.memory_space<hbm>> -> memref<128xi32, #tpu.memory_space<hbm>>
        tpu.wait_dma2 semaphore(%run_scoped3A : memref<!tpu.dma_semaphore, #tpu.memory_space<semaphore_mem>>) src(%dma_wait3A_19 : memref<128xi32, #tpu.memory_space<hbm>>) dst(%arg5 : memref<128xi32, #tpu.memory_space<vmem>>)
        tpu.yield
      }) : () -> ()
      %dma_start3A = arith.constant 0 : i32
      %dma_start3A_12 = arith.constant 0 : i32
      %dma_start3A_13 = tpu.memref_slice %arg2[%dma_start3A, %dma_start3A_12] : memref<4096x128xf32, #tpu.memory_space<hbm>> -> memref<4096x128xf32, #tpu.memory_space<hbm>>
      tpu.enqueue_indirect_dma source(%dma_start3A_13 : memref<4096x128xf32, #tpu.memory_space<hbm>>) target(%arg6 : memref<128x128xf32, #tpu.memory_space<vmem>>) offsets(%arg5 : memref<128xi32, #tpu.memory_space<vmem>>) semaphore(%arg7 : memref<!tpu.dma_semaphore, #tpu.memory_space<semaphore_mem>>)
      %dma_wait3A = arith.constant 0 : i32
      %dma_wait3A_14 = arith.constant 0 : i32
      %dma_wait3A_15 = tpu.memref_slice %arg2[%dma_wait3A, %dma_wait3A_14] : memref<4096x128xf32, #tpu.memory_space<hbm>> -> memref<4096x128xf32, #tpu.memory_space<hbm>>
      tpu.wait_indirect_dma semaphore(%arg7 : memref<!tpu.dma_semaphore, #tpu.memory_space<semaphore_mem>>) src(%dma_wait3A_15 : memref<4096x128xf32, #tpu.memory_space<hbm>>) dst(%arg6 : memref<128x128xf32, #tpu.memory_space<vmem>>)
      "tpu.region"() ({
        %run_scoped3A = tpu.sem_alloc : memref<!tpu.dma_semaphore, #tpu.memory_space<semaphore_mem>>
        %dma_start3A_16 = arith.constant 0 : i32
        %dma_start3A_17 = tpu.memref_slice %arg4[%add3A_11, %dma_start3A_16] : memref<16384x128xf32, #tpu.memory_space<hbm>> -> memref<128x128xf32, #tpu.memory_space<hbm>>
        %dma_start3A_18 = arith.constant 0 : i32
        %dma_start3A_19 = tpu.memref_slice %arg4[%add3A_11, %dma_start3A_18] : memref<16384x128xf32, #tpu.memory_space<hbm>> -> memref<128x128xf32, #tpu.memory_space<hbm>>
        tpu.enqueue_dma source(%arg6 : memref<128x128xf32, #tpu.memory_space<vmem>>) target(%dma_start3A_19 : memref<128x128xf32, #tpu.memory_space<hbm>>) target_semaphore(%run_scoped3A : memref<!tpu.dma_semaphore, #tpu.memory_space<semaphore_mem>>)
        %dma_wait3A_20 = arith.constant 0 : i32
        %dma_wait3A_21 = tpu.memref_slice %arg4[%add3A_11, %dma_wait3A_20] : memref<16384x128xf32, #tpu.memory_space<hbm>> -> memref<128x128xf32, #tpu.memory_space<hbm>>
        %dma_wait3A_22 = arith.constant 0 : i32
        %dma_wait3A_23 = tpu.memref_slice %arg4[%add3A_11, %dma_wait3A_22] : memref<16384x128xf32, #tpu.memory_space<hbm>> -> memref<128x128xf32, #tpu.memory_space<hbm>>
        tpu.wait_dma2 semaphore(%run_scoped3A : memref<!tpu.dma_semaphore, #tpu.memory_space<semaphore_mem>>) src(%arg6 : memref<128x128xf32, #tpu.memory_space<vmem>>) dst(%dma_wait3A_23 : memref<128x128xf32, #tpu.memory_space<hbm>>)
        tpu.yield
      }) : () -> ()
    }
    %scan3A_7 = arith.constant 4 : i32
    return
  }
}

#map = affine_map<(d0, d1) -> (0, 0)>
#map1 = affine_map<(d0, d1) -> (0)>
module attributes {stable_mosaic.version = 14 : i64} {
  func.func @gather_k(%arg0: i32, %arg1: i32, %arg2: memref<4096x128xf32, #tpu.memory_space<hbm>>, %arg3: memref<16384xi32, #tpu.memory_space<hbm>>, %arg4: memref<16384x128xf32, #tpu.memory_space<hbm>>, %arg5: memref<128xi32, #tpu.memory_space<vmem>>, %arg6: memref<128x128xf32, #tpu.memory_space<vmem>>, %arg7: memref<!tpu.dma_semaphore, #tpu.memory_space<semaphore_mem>>) attributes {dimension_semantics = [#tpu.dimension_semantics<core_parallel>, #tpu.dimension_semantics<subcore_parallel>], iteration_bounds = array<i64: 2, 16>, scalar_prefetch = 0 : i64, scratch_operands = 3 : i64, tpu.core_type = #tpu.core_type<sc_vector_subcore>, window_params = [{transform_indices = #map}, {transform_indices = #map1}, {transform_indices = #map}]} {
    %mul3A = arith.constant 2 : i32
    %mul3A_0 = arith.muli %arg1, %mul3A : i32
    %add3A = arith.addi %mul3A_0, %arg0 : i32
    %mul3A_1 = arith.constant 512 : i32
    %mul3A_2 = arith.muli %add3A, %mul3A_1 : i32
    %scan3A = arith.constant 0 : i32
    %scan3A_3 = arith.constant 0 : i32
    %scan3A_4 = arith.constant 4 : i32
    %scan3A_5 = arith.addi %scan3A_3, %scan3A_4 : i32
    %scan3A_6 = arith.constant 1 : i32
    scf.for %scan3A_8 = %scan3A_3 to %scan3A_5 step %scan3A_6  : i32 {
      %mul3A_9 = arith.constant 128 : i32
      %mul3A_10 = arith.muli %scan3A_8, %mul3A_9 : i32
      %add3A_11 = arith.addi %mul3A_2, %mul3A_10 : i32
      "tpu.region"() ({
        %run_scoped3A = tpu.sem_alloc : memref<!tpu.dma_semaphore, #tpu.memory_space<semaphore_mem>>
        %dma_start3A_16 = tpu.memref_slice %arg3[%add3A_11] : memref<16384xi32, #tpu.memory_space<hbm>> -> memref<128xi32, #tpu.memory_space<hbm>>
        %dma_start3A_17 = tpu.memref_slice %arg3[%add3A_11] : memref<16384xi32, #tpu.memory_space<hbm>> -> memref<128xi32, #tpu.memory_space<hbm>>
        tpu.enqueue_dma source(%dma_start3A_17 : memref<128xi32, #tpu.memory_space<hbm>>) target(%arg5 : memref<128xi32, #tpu.memory_space<vmem>>) target_semaphore(%run_scoped3A : memref<!tpu.dma_semaphore, #tpu.memory_space<semaphore_mem>>)
        %dma_wait3A_18 = tpu.memref_slice %arg3[%add3A_11] : memref<16384xi32, #tpu.memory_space<hbm>> -> memref<128xi32, #tpu.memory_space<hbm>>
        %dma_wait3A_19 = tpu.memref_slice %arg3[%add3A_11] : memref<16384xi32, #tpu.memory_space<hbm>> -> memref<128xi32, #tpu.memory_space<hbm>>
        tpu.wait_dma2 semaphore(%run_scoped3A : memref<!tpu.dma_semaphore, #tpu.memory_space<semaphore_mem>>) src(%dma_wait3A_19 : memref<128xi32, #tpu.memory_space<hbm>>) dst(%arg5 : memref<128xi32, #tpu.memory_space<vmem>>)
        tpu.yield
      }) : () -> ()
      %dma_start3A = arith.constant 0 : i32
      %dma_start3A_12 = arith.constant 0 : i32
      %dma_start3A_13 = tpu.memref_slice %arg2[%dma_start3A, %dma_start3A_12] : memref<4096x128xf32, #tpu.memory_space<hbm>> -> memref<4096x128xf32, #tpu.memory_space<hbm>>
      tpu.enqueue_indirect_dma source(%dma_start3A_13 : memref<4096x128xf32, #tpu.memory_space<hbm>>) target(%arg6 : memref<128x128xf32, #tpu.memory_space<vmem>>) offsets(%arg5 : memref<128xi32, #tpu.memory_space<vmem>>) semaphore(%arg7 : memref<!tpu.dma_semaphore, #tpu.memory_space<semaphore_mem>>)
      %dma_wait3A = arith.constant 0 : i32
      %dma_wait3A_14 = arith.constant 0 : i32
      %dma_wait3A_15 = tpu.memref_slice %arg2[%dma_wait3A, %dma_wait3A_14] : memref<4096x128xf32, #tpu.memory_space<hbm>> -> memref<4096x128xf32, #tpu.memory_space<hbm>>
      tpu.wait_indirect_dma semaphore(%arg7 : memref<!tpu.dma_semaphore, #tpu.memory_space<semaphore_mem>>) src(%dma_wait3A_15 : memref<4096x128xf32, #tpu.memory_space<hbm>>) dst(%arg6 : memref<128x128xf32, #tpu.memory_space<vmem>>)
      "tpu.region"() ({
        %run_scoped3A = tpu.sem_alloc : memref<!tpu.dma_semaphore, #tpu.memory_space<semaphore_mem>>
        %dma_start3A_16 = arith.constant 0 : i32
        %dma_start3A_17 = tpu.memref_slice %arg4[%add3A_11, %dma_start3A_16] : memref<16384x128xf32, #tpu.memory_space<hbm>> -> memref<128x128xf32, #tpu.memory_space<hbm>>
        %dma_start3A_18 = arith.constant 0 : i32
        %dma_start3A_19 = tpu.memref_slice %arg4[%add3A_11, %dma_start3A_18] : memref<16384x128xf32, #tpu.memory_space<hbm>> -> memref<128x128xf32, #tpu.memory_space<hbm>>
        tpu.enqueue_dma source(%arg6 : memref<128x128xf32, #tpu.memory_space<vmem>>) target(%dma_start3A_19 : memref<128x128xf32, #tpu.memory_space<hbm>>) target_semaphore(%run_scoped3A : memref<!tpu.dma_semaphore, #tpu.memory_space<semaphore_mem>>)
        %dma_wait3A_20 = arith.constant 0 : i32
        %dma_wait3A_21 = tpu.memref_slice %arg4[%add3A_11, %dma_wait3A_20] : memref<16384x128xf32, #tpu.memory_space<hbm>> -> memref<128x128xf32, #tpu.memory_space<hbm>>
        %dma_wait3A_22 = arith.constant 0 : i32
        %dma_wait3A_23 = tpu.memref_slice %arg4[%add3A_11, %dma_wait3A_22] : memref<16384x128xf32, #tpu.memory_space<hbm>> -> memref<128x128xf32, #tpu.memory_space<hbm>>
        tpu.wait_dma2 semaphore(%run_scoped3A : memref<!tpu.dma_semaphore, #tpu.memory_space<semaphore_mem>>) src(%arg6 : memref<128x128xf32, #tpu.memory_space<vmem>>) dst(%dma_wait3A_23 : memref<128x128xf32, #tpu.memory_space<hbm>>)
        tpu.yield
      }) : () -> ()
    }
    %scan3A_7 = arith.constant 4 : i32
    return
  }
}

module attributes {stable_mosaic.version = 14 : i64} {
  func.func @_topk(%arg0: i32, %arg1: i32, %arg2: memref<1x128x3xf32, #tpu.memory_space<vmem>>, %arg3: memref<1x3x1024xf32, #tpu.memory_space<vmem>>, %arg4: memref<1x1024x8xf32, #tpu.memory_space<vmem>>, %arg5: memref<1x1x128x16xi32, #tpu.memory_space<vmem>>, %arg6: memref<1x1x128x128xf32, #tpu.memory_space<vmem>>) attributes {dimension_semantics = [#tpu.dimension_semantics<arbitrary>, #tpu.dimension_semantics<arbitrary>], iteration_bounds = array<i64: 4, 8>, scalar_prefetch = 0 : i64, scratch_operands = 0 : i64, tpu.core_type = #tpu.core_type<tc>, window_params = [{transform_indices = @transform_0, window_bounds = array<i64: 1, 128, 3>}, {transform_indices = @transform_1, window_bounds = array<i64: 1, 3, 1024>}, {transform_indices = @transform_2, window_bounds = array<i64: 1, 1024, 8>}, {transform_indices = @transform_3, window_bounds = array<i64: 1, 1, 128, 16>}, {transform_indices = @transform_4, window_bounds = array<i64: 1, 1, 128, 128>}]} {
    %get3A = arith.constant 0 : index
    %get3A_0 = arith.constant 0 : index
    %get3A_1 = arith.constant 0 : index
    %get3A_2 = vector.load %arg2[%get3A, %get3A_0, %get3A_1] : memref<1x128x3xf32, #tpu.memory_space<vmem>>, vector<1x128x3xf32>
    %get3A_3 = vector.shape_cast %get3A_2 : vector<1x128x3xf32> to vector<128x3xf32>
    %get3A_4 = arith.constant 0 : index
    %get3A_5 = arith.constant 0 : index
    %get3A_6 = arith.constant 0 : index
    %get3A_7 = vector.load %arg3[%get3A_4, %get3A_5, %get3A_6] : memref<1x3x1024xf32, #tpu.memory_space<vmem>>, vector<1x3x1024xf32>
    %get3A_8 = vector.shape_cast %get3A_7 : vector<1x3x1024xf32> to vector<3x1024xf32>
    %get3A_9 = arith.constant 0 : index
    %get3A_10 = arith.constant 0 : index
    %get3A_11 = arith.constant 0 : index
    %get3A_12 = vector.load %arg4[%get3A_9, %get3A_10, %get3A_11] : memref<1x1024x8xf32, #tpu.memory_space<vmem>>, vector<1x1024x8xf32>
    %get3A_13 = vector.shape_cast %get3A_12 : vector<1x1024x8xf32> to vector<1024x8xf32>
    %broadcast_in_dim3A = arith.constant 0.000000e+00 : f32
    %broadcast_in_dim3A_14 = vector.broadcast %broadcast_in_dim3A : f32 to vector<128x5xf32>
    %concatenate3A = tpu.concatenate %get3A_3, %broadcast_in_dim3A_14 in 1 : vector<128x3xf32>, vector<128x5xf32> -> vector<128x8xf32>
    %broadcast_in_dim3A_15 = arith.constant 0.000000e+00 : f32
    %broadcast_in_dim3A_16 = vector.broadcast %broadcast_in_dim3A_15 : f32 to vector<128x1024xf32>
    %slice3A = vector.extract_strided_slice %get3A_3 {offsets = [0, 0], sizes = [128, 1], strides = [1, 1]} : vector<128x3xf32> to vector<128x1xf32>
    %slice3A_17 = vector.extract_strided_slice %get3A_8 {offsets = [0, 0], sizes = [1, 1024], strides = [1, 1]} : vector<3x1024xf32> to vector<1x1024xf32>
    %sub3A = vector.broadcast %slice3A : vector<128x1xf32> to vector<128x1024xf32>
    %sub3A_18 = vector.broadcast %slice3A_17 : vector<1x1024xf32> to vector<128x1024xf32>
    %sub3A_19 = arith.subf %sub3A, %sub3A_18 : vector<128x1024xf32>
    %mul3A = arith.mulf %sub3A_19, %sub3A_19 : vector<128x1024xf32>
    %add3A = arith.addf %broadcast_in_dim3A_16, %mul3A : vector<128x1024xf32>
    %slice3A_20 = vector.extract_strided_slice %get3A_3 {offsets = [0, 1], sizes = [128, 1], strides = [1, 1]} : vector<128x3xf32> to vector<128x1xf32>
    %slice3A_21 = vector.extract_strided_slice %get3A_8 {offsets = [1, 0], sizes = [1, 1024], strides = [1, 1]} : vector<3x1024xf32> to vector<1x1024xf32>
    %sub3A_22 = vector.broadcast %slice3A_20 : vector<128x1xf32> to vector<128x1024xf32>
    %sub3A_23 = vector.broadcast %slice3A_21 : vector<1x1024xf32> to vector<128x1024xf32>
    %sub3A_24 = arith.subf %sub3A_22, %sub3A_23 : vector<128x1024xf32>
    %mul3A_25 = arith.mulf %sub3A_24, %sub3A_24 : vector<128x1024xf32>
    %add3A_26 = arith.addf %add3A, %mul3A_25 : vector<128x1024xf32>
    %slice3A_27 = vector.extract_strided_slice %get3A_3 {offsets = [0, 2], sizes = [128, 1], strides = [1, 1]} : vector<128x3xf32> to vector<128x1xf32>
    %slice3A_28 = vector.extract_strided_slice %get3A_8 {offsets = [2, 0], sizes = [1, 1024], strides = [1, 1]} : vector<3x1024xf32> to vector<1x1024xf32>
    %sub3A_29 = vector.broadcast %slice3A_27 : vector<128x1xf32> to vector<128x1024xf32>
    %sub3A_30 = vector.broadcast %slice3A_28 : vector<1x1024xf32> to vector<128x1024xf32>
    %sub3A_31 = arith.subf %sub3A_29, %sub3A_30 : vector<128x1024xf32>
    %mul3A_32 = arith.mulf %sub3A_31, %sub3A_31 : vector<128x1024xf32>
    %add3A_33 = arith.addf %add3A_26, %mul3A_32 : vector<128x1024xf32>
    %iota3A = tpu.iota {dimensions = array<i32: 1>} : vector<128x1024xi32>
    %convert_element_type3A = arith.sitofp %iota3A : vector<128x1024xi32> to vector<128x1024xf32>
    %reduce_min3A = arith.constant dense<0x7F800000> : vector<128xf32>
    %reduce_min3A_34 = vector.multi_reduction <minimumf>, %add3A_33, %reduce_min3A [1] : vector<128x1024xf32> to vector<128xf32>
    %broadcast_in_dim3A_35 = vector.shape_cast %reduce_min3A_34 : vector<128xf32> to vector<128x1xf32>
    %eq3A = vector.broadcast %broadcast_in_dim3A_35 : vector<128x1xf32> to vector<128x1024xf32>
    %eq3A_36 = arith.cmpf oeq, %add3A_33, %eq3A : vector<128x1024xf32>
    %jit3A = arith.constant 1.024000e+03 : f32
    %broadcast_in_dim3A_37 = vector.broadcast %jit3A : f32 to vector<128x1024xf32>
    %select_n3A = arith.select %eq3A_36, %convert_element_type3A, %broadcast_in_dim3A_37 : vector<128x1024xi1>, vector<128x1024xf32>
    %reduce_min3A_38 = arith.constant dense<0x7F800000> : vector<128xf32>
    %reduce_min3A_39 = vector.multi_reduction <minimumf>, %select_n3A, %reduce_min3A_38 [1] : vector<128x1024xf32> to vector<128xf32>
    %broadcast_in_dim3A_40 = vector.shape_cast %reduce_min3A_39 : vector<128xf32> to vector<128x1xf32>
    %eq3A_41 = vector.broadcast %broadcast_in_dim3A_40 : vector<128x1xf32> to vector<128x1024xf32>
    %eq3A_42 = arith.cmpf oeq, %convert_element_type3A, %eq3A_41 : vector<128x1024xf32>
    %jit3A_43 = arith.constant 3.000000e+38 : f32
    %broadcast_in_dim3A_44 = vector.broadcast %jit3A_43 : f32 to vector<128x1024xf32>
    %select_n3A_45 = arith.select %eq3A_42, %broadcast_in_dim3A_44, %add3A_33 : vector<128x1024xi1>, vector<128x1024xf32>
    %convert_element_type3A_46 = arith.extui %eq3A_42 : vector<128x1024xi1> to vector<128x1024xi32>
    %convert_element_type3A_47 = arith.sitofp %convert_element_type3A_46 : vector<128x1024xi32> to vector<128x1024xf32>
    %dot_general3A = arith.constant dense<0.000000e+00> : vector<128x8xf32>
    %dot_general3A_48 = tpu.matmul %convert_element_type3A_47, %get3A_13, %dot_general3A {dimension_numbers = #tpu.dot_dimension_numbers<[1], [0], [0], [1], [0, 0, 1, 1], [], []>, transpose_lhs_hint = false} : vector<128x1024xf32>, vector<1024x8xf32>, vector<128x8xf32> -> vector<128x8xf32>
    %sub3A_49 = arith.subf %concatenate3A, %dot_general3A_48 : vector<128x8xf32>
    %swap3A = arith.constant 0 : index
    %swap3A_50 = arith.constant 0 : index
    %swap3A_51 = arith.constant 0 : index
    %swap3A_52 = arith.constant 0 : index
    %swap3A_53 = vector.load %arg6[%swap3A, %swap3A_50, %swap3A_51, %swap3A_52] : memref<1x1x128x128xf32, #tpu.memory_space<vmem>>, vector<1x1x128x8xf32>
    %swap3A_54 = vector.shape_cast %swap3A_53 : vector<1x1x128x8xf32> to vector<128x8xf32>
    %swap3A_55 = vector.shape_cast %sub3A_49 : vector<128x8xf32> to vector<1x1x128x8xf32>
    tpu.vector_store %arg6[%swap3A, %swap3A_50, %swap3A_51, %swap3A_52], %swap3A_55 {strides = array<i32>} : memref<1x1x128x128xf32, #tpu.memory_space<vmem>>, vector<1x1x128x8xf32>,
    %convert_element_type3A_56 = arith.fptosi %broadcast_in_dim3A_40 : vector<128x1xf32> to vector<128x1xi32>
    %mul3A_57 = arith.constant 1024 : i32
    %mul3A_58 = arith.muli %arg0, %mul3A_57 : i32
    %add3A_59 = vector.broadcast %mul3A_58 : i32 to vector<128x1xi32>
    %add3A_60 = arith.addi %convert_element_type3A_56, %add3A_59 : vector<128x1xi32>
    %swap3A_61 = arith.constant 0 : index
    %swap3A_62 = arith.constant 0 : index
    %swap3A_63 = arith.constant 0 : index
    %swap3A_64 = arith.constant 0 : index
    %swap3A_65 = vector.load %arg5[%swap3A_61, %swap3A_62, %swap3A_63, %swap3A_64] : memref<1x1x128x16xi32, #tpu.memory_space<vmem>>, vector<1x1x128x1xi32>
    %swap3A_66 = vector.shape_cast %swap3A_65 : vector<1x1x128x1xi32> to vector<128x1xi32>
    %swap3A_67 = vector.shape_cast %add3A_60 : vector<128x1xi32> to vector<1x1x128x1xi32>
    tpu.vector_store %arg5[%swap3A_61, %swap3A_62, %swap3A_63, %swap3A_64], %swap3A_67 {strides = array<i32>} : memref<1x1x128x16xi32, #tpu.memory_space<vmem>>, vector<1x1x128x1xi32>,
    %reduce_min3A_68 = arith.constant dense<0x7F800000> : vector<128xf32>
    %reduce_min3A_69 = vector.multi_reduction <minimumf>, %select_n3A_45, %reduce_min3A_68 [1] : vector<128x1024xf32> to vector<128xf32>
    %broadcast_in_dim3A_70 = vector.shape_cast %reduce_min3A_69 : vector<128xf32> to vector<128x1xf32>
    %eq3A_71 = vector.broadcast %broadcast_in_dim3A_70 : vector<128x1xf32> to vector<128x1024xf32>
    %eq3A_72 = arith.cmpf oeq, %select_n3A_45, %eq3A_71 : vector<128x1024xf32>
    %jit3A_73 = arith.constant 1.024000e+03 : f32
    %broadcast_in_dim3A_74 = vector.broadcast %jit3A_73 : f32 to vector<128x1024xf32>
    %select_n3A_75 = arith.select %eq3A_72, %convert_element_type3A, %broadcast_in_dim3A_74 : vector<128x1024xi1>, vector<128x1024xf32>
    %reduce_min3A_76 = arith.constant dense<0x7F800000> : vector<128xf32>
    %reduce_min3A_77 = vector.multi_reduction <minimumf>, %select_n3A_75, %reduce_min3A_76 [1] : vector<128x1024xf32> to vector<128xf32>
    %broadcast_in_dim3A_78 = vector.shape_cast %reduce_min3A_77 : vector<128xf32> to vector<128x1xf32>
    %eq3A_79 = vector.broadcast %broadcast_in_dim3A_78 : vector<128x1xf32> to vector<128x1024xf32>
    %eq3A_80 = arith.cmpf oeq, %convert_element_type3A, %eq3A_79 : vector<128x1024xf32>
    %jit3A_81 = arith.constant 3.000000e+38 : f32
    %broadcast_in_dim3A_82 = vector.broadcast %jit3A_81 : f32 to vector<128x1024xf32>
    %select_n3A_83 = arith.select %eq3A_80, %broadcast_in_dim3A_82, %select_n3A_45 : vector<128x1024xi1>, vector<128x1024xf32>
    %convert_element_type3A_84 = arith.extui %eq3A_80 : vector<128x1024xi1> to vector<128x1024xi32>
    %convert_element_type3A_85 = arith.sitofp %convert_element_type3A_84 : vector<128x1024xi32> to vector<128x1024xf32>
    %dot_general3A_86 = arith.constant dense<0.000000e+00> : vector<128x8xf32>
    %dot_general3A_87 = tpu.matmul %convert_element_type3A_85, %get3A_13, %dot_general3A_86 {dimension_numbers = #tpu.dot_dimension_numbers<[1], [0], [0], [1], [0, 0, 1, 1], [], []>, transpose_lhs_hint = false} : vector<128x1024xf32>, vector<1024x8xf32>, vector<128x8xf32> -> vector<128x8xf32>
    %sub3A_88 = arith.subf %concatenate3A, %dot_general3A_87 : vector<128x8xf32>
    %swap3A_89 = arith.constant 0 : index
    %swap3A_90 = arith.constant 0 : index
    %swap3A_91 = arith.constant 0 : index
    %swap3A_92 = arith.constant 8 : index
    %swap3A_93 = vector.load %arg6[%swap3A_89, %swap3A_90, %swap3A_91, %swap3A_92] : memref<1x1x128x128xf32, #tpu.memory_space<vmem>>, vector<1x1x128x8xf32>
    %swap3A_94 = vector.shape_cast %swap3A_93 : vector<1x1x128x8xf32> to vector<128x8xf32>
    %swap3A_95 = vector.shape_cast %sub3A_88 : vector<128x8xf32> to vector<1x1x128x8xf32>
    tpu.vector_store %arg6[%swap3A_89, %swap3A_90, %swap3A_91, %swap3A_92], %swap3A_95 {strides = array<i32>} : memref<1x1x128x128xf32, #tpu.memory_space<vmem>>, vector<1x1x128x8xf32>,
    %convert_element_type3A_96 = arith.fptosi %broadcast_in_dim3A_78 : vector<128x1xf32> to vector<128x1xi32>
    %mul3A_97 = arith.constant 1024 : i32
    %mul3A_98 = arith.muli %arg0, %mul3A_97 : i32
    %add3A_99 = vector.broadcast %mul3A_98 : i32 to vector<128x1xi32>
    %add3A_100 = arith.addi %convert_element_type3A_96, %add3A_99 : vector<128x1xi32>
    %swap3A_101 = arith.constant 0 : index
    %swap3A_102 = arith.constant 0 : index
    %swap3A_103 = arith.constant 0 : index
    %swap3A_104 = arith.constant 1 : index
    %swap3A_105 = vector.load %arg5[%swap3A_101, %swap3A_102, %swap3A_103, %swap3A_104] : memref<1x1x128x16xi32, #tpu.memory_space<vmem>>, vector<1x1x128x1xi32>
    %swap3A_106 = vector.shape_cast %swap3A_105 : vector<1x1x128x1xi32> to vector<128x1xi32>
    %swap3A_107 = vector.shape_cast %add3A_100 : vector<128x1xi32> to vector<1x1x128x1xi32>
    tpu.vector_store %arg5[%swap3A_101, %swap3A_102, %swap3A_103, %swap3A_104], %swap3A_107 {strides = array<i32>} : memref<1x1x128x16xi32, #tpu.memory_space<vmem>>, vector<1x1x128x1xi32>,
    %reduce_min3A_108 = arith.constant dense<0x7F800000> : vector<128xf32>
    %reduce_min3A_109 = vector.multi_reduction <minimumf>, %select_n3A_83, %reduce_min3A_108 [1] : vector<128x1024xf32> to vector<128xf32>
    %broadcast_in_dim3A_110 = vector.shape_cast %reduce_min3A_109 : vector<128xf32> to vector<128x1xf32>
    %eq3A_111 = vector.broadcast %broadcast_in_dim3A_110 : vector<128x1xf32> to vector<128x1024xf32>
    %eq3A_112 = arith.cmpf oeq, %select_n3A_83, %eq3A_111 : vector<128x1024xf32>
    %jit3A_113 = arith.constant 1.024000e+03 : f32
    %broadcast_in_dim3A_114 = vector.broadcast %jit3A_113 : f32 to vector<128x1024xf32>
    %select_n3A_115 = arith.select %eq3A_112, %convert_element_type3A, %broadcast_in_dim3A_114 : vector<128x1024xi1>, vector<128x1024xf32>
    %reduce_min3A_116 = arith.constant dense<0x7F800000> : vector<128xf32>
    %reduce_min3A_117 = vector.multi_reduction <minimumf>, %select_n3A_115, %reduce_min3A_116 [1] : vector<128x1024xf32> to vector<128xf32>
    %broadcast_in_dim3A_118 = vector.shape_cast %reduce_min3A_117 : vector<128xf32> to vector<128x1xf32>
    %eq3A_119 = vector.broadcast %broadcast_in_dim3A_118 : vector<128x1xf32> to vector<128x1024xf32>
    %eq3A_120 = arith.cmpf oeq, %convert_element_type3A, %eq3A_119 : vector<128x1024xf32>
    %jit3A_121 = arith.constant 3.000000e+38 : f32
    %broadcast_in_dim3A_122 = vector.broadcast %jit3A_121 : f32 to vector<128x1024xf32>
    %select_n3A_123 = arith.select %eq3A_120, %broadcast_in_dim3A_122, %select_n3A_83 : vector<128x1024xi1>, vector<128x1024xf32>
    %convert_element_type3A_124 = arith.extui %eq3A_120 : vector<128x1024xi1> to vector<128x1024xi32>
    %convert_element_type3A_125 = arith.sitofp %convert_element_type3A_124 : vector<128x1024xi32> to vector<128x1024xf32>
    %dot_general3A_126 = arith.constant dense<0.000000e+00> : vector<128x8xf32>
    %dot_general3A_127 = tpu.matmul %convert_element_type3A_125, %get3A_13, %dot_general3A_126 {dimension_numbers = #tpu.dot_dimension_numbers<[1], [0], [0], [1], [0, 0, 1, 1], [], []>, transpose_lhs_hint = false} : vector<128x1024xf32>, vector<1024x8xf32>, vector<128x8xf32> -> vector<128x8xf32>
    %sub3A_128 = arith.subf %concatenate3A, %dot_general3A_127 : vector<128x8xf32>
    %swap3A_129 = arith.constant 0 : index
    %swap3A_130 = arith.constant 0 : index
    %swap3A_131 = arith.constant 0 : index
    %swap3A_132 = arith.constant 16 : index
    %swap3A_133 = vector.load %arg6[%swap3A_129, %swap3A_130, %swap3A_131, %swap3A_132] : memref<1x1x128x128xf32, #tpu.memory_space<vmem>>, vector<1x1x128x8xf32>
    %swap3A_134 = vector.shape_cast %swap3A_133 : vector<1x1x128x8xf32> to vector<128x8xf32>
    %swap3A_135 = vector.shape_cast %sub3A_128 : vector<128x8xf32> to vector<1x1x128x8xf32>
    tpu.vector_store %arg6[%swap3A_129, %swap3A_130, %swap3A_131, %swap3A_132], %swap3A_135 {strides = array<i32>} : memref<1x1x128x128xf32, #tpu.memory_space<vmem>>, vector<1x1x128x8xf32>,
    %convert_element_type3A_136 = arith.fptosi %broadcast_in_dim3A_118 : vector<128x1xf32> to vector<128x1xi32>
    %mul3A_137 = arith.constant 1024 : i32
    %mul3A_138 = arith.muli %arg0, %mul3A_137 : i32
    %add3A_139 = vector.broadcast %mul3A_138 : i32 to vector<128x1xi32>
    %add3A_140 = arith.addi %convert_element_type3A_136, %add3A_139 : vector<128x1xi32>
    %swap3A_141 = arith.constant 0 : index
    %swap3A_142 = arith.constant 0 : index
    %swap3A_143 = arith.constant 0 : index
    %swap3A_144 = arith.constant 2 : index
    %swap3A_145 = vector.load %arg5[%swap3A_141, %swap3A_142, %swap3A_143, %swap3A_144] : memref<1x1x128x16xi32, #tpu.memory_space<vmem>>, vector<1x1x128x1xi32>
    %swap3A_146 = vector.shape_cast %swap3A_145 : vector<1x1x128x1xi32> to vector<128x1xi32>
    %swap3A_147 = vector.shape_cast %add3A_140 : vector<128x1xi32> to vector<1x1x128x1xi32>
    tpu.vector_store %arg5[%swap3A_141, %swap3A_142, %swap3A_143, %swap3A_144], %swap3A_147 {strides = array<i32>} : memref<1x1x128x16xi32, #tpu.memory_space<vmem>>, vector<1x1x128x1xi32>,
    %reduce_min3A_148 = arith.constant dense<0x7F800000> : vector<128xf32>
    %reduce_min3A_149 = vector.multi_reduction <minimumf>, %select_n3A_123, %reduce_min3A_148 [1] : vector<128x1024xf32> to vector<128xf32>
    %broadcast_in_dim3A_150 = vector.shape_cast %reduce_min3A_149 : vector<128xf32> to vector<128x1xf32>
    %eq3A_151 = vector.broadcast %broadcast_in_dim3A_150 : vector<128x1xf32> to vector<128x1024xf32>
    %eq3A_152 = arith.cmpf oeq, %select_n3A_123, %eq3A_151 : vector<128x1024xf32>
    %jit3A_153 = arith.constant 1.024000e+03 : f32
    %broadcast_in_dim3A_154 = vector.broadcast %jit3A_153 : f32 to vector<128x1024xf32>
    %select_n3A_155 = arith.select %eq3A_152, %convert_element_type3A, %broadcast_in_dim3A_154 : vector<128x1024xi1>, vector<128x1024xf32>
    %reduce_min3A_156 = arith.constant dense<0x7F800000> : vector<128xf32>
    %reduce_min3A_157 = vector.multi_reduction <minimumf>, %select_n3A_155, %reduce_min3A_156 [1] : vector<128x1024xf32> to vector<128xf32>
    %broadcast_in_dim3A_158 = vector.shape_cast %reduce_min3A_157 : vector<128xf32> to vector<128x1xf32>
    %eq3A_159 = vector.broadcast %broadcast_in_dim3A_158 : vector<128x1xf32> to vector<128x1024xf32>
    %eq3A_160 = arith.cmpf oeq, %convert_element_type3A, %eq3A_159 : vector<128x1024xf32>
    %jit3A_161 = arith.constant 3.000000e+38 : f32
    %broadcast_in_dim3A_162 = vector.broadcast %jit3A_161 : f32 to vector<128x1024xf32>
    %select_n3A_163 = arith.select %eq3A_160, %broadcast_in_dim3A_162, %select_n3A_123 : vector<128x1024xi1>, vector<128x1024xf32>
    %convert_element_type3A_164 = arith.extui %eq3A_160 : vector<128x1024xi1> to vector<128x1024xi32>
    %convert_element_type3A_165 = arith.sitofp %convert_element_type3A_164 : vector<128x1024xi32> to vector<128x1024xf32>
    %dot_general3A_166 = arith.constant dense<0.000000e+00> : vector<128x8xf32>
    %dot_general3A_167 = tpu.matmul %convert_element_type3A_165, %get3A_13, %dot_general3A_166 {dimension_numbers = #tpu.dot_dimension_numbers<[1], [0], [0], [1], [0, 0, 1, 1], [], []>, transpose_lhs_hint = false} : vector<128x1024xf32>, vector<1024x8xf32>, vector<128x8xf32> -> vector<128x8xf32>
    %sub3A_168 = arith.subf %concatenate3A, %dot_general3A_167 : vector<128x8xf32>
    %swap3A_169 = arith.constant 0 : index
    %swap3A_170 = arith.constant 0 : index
    %swap3A_171 = arith.constant 0 : index
    %swap3A_172 = arith.constant 24 : index
    %swap3A_173 = vector.load %arg6[%swap3A_169, %swap3A_170, %swap3A_171, %swap3A_172] : memref<1x1x128x128xf32, #tpu.memory_space<vmem>>, vector<1x1x128x8xf32>
    %swap3A_174 = vector.shape_cast %swap3A_173 : vector<1x1x128x8xf32> to vector<128x8xf32>
    %swap3A_175 = vector.shape_cast %sub3A_168 : vector<128x8xf32> to vector<1x1x128x8xf32>
    tpu.vector_store %arg6[%swap3A_169, %swap3A_170, %swap3A_171, %swap3A_172], %swap3A_175 {strides = array<i32>} : memref<1x1x128x128xf32, #tpu.memory_space<vmem>>, vector<1x1x128x8xf32>,
    %convert_element_type3A_176 = arith.fptosi %broadcast_in_dim3A_158 : vector<128x1xf32> to vector<128x1xi32>
    %mul3A_177 = arith.constant 1024 : i32
    %mul3A_178 = arith.muli %arg0, %mul3A_177 : i32
    %add3A_179 = vector.broadcast %mul3A_178 : i32 to vector<128x1xi32>
    %add3A_180 = arith.addi %convert_element_type3A_176, %add3A_179 : vector<128x1xi32>
    %swap3A_181 = arith.constant 0 : index
    %swap3A_182 = arith.constant 0 : index
    %swap3A_183 = arith.constant 0 : index
    %swap3A_184 = arith.constant 3 : index
    %swap3A_185 = vector.load %arg5[%swap3A_181, %swap3A_182, %swap3A_183, %swap3A_184] : memref<1x1x128x16xi32, #tpu.memory_space<vmem>>, vector<1x1x128x1xi32>
    %swap3A_186 = vector.shape_cast %swap3A_185 : vector<1x1x128x1xi32> to vector<128x1xi32>
    %swap3A_187 = vector.shape_cast %add3A_180 : vector<128x1xi32> to vector<1x1x128x1xi32>
    tpu.vector_store %arg5[%swap3A_181, %swap3A_182, %swap3A_183, %swap3A_184], %swap3A_187 {strides = array<i32>} : memref<1x1x128x16xi32, #tpu.memory_space<vmem>>, vector<1x1x128x1xi32>,
    %reduce_min3A_188 = arith.constant dense<0x7F800000> : vector<128xf32>
    %reduce_min3A_189 = vector.multi_reduction <minimumf>, %select_n3A_163, %reduce_min3A_188 [1] : vector<128x1024xf32> to vector<128xf32>
    %broadcast_in_dim3A_190 = vector.shape_cast %reduce_min3A_189 : vector<128xf32> to vector<128x1xf32>
    %eq3A_191 = vector.broadcast %broadcast_in_dim3A_190 : vector<128x1xf32> to vector<128x1024xf32>
    %eq3A_192 = arith.cmpf oeq, %select_n3A_163, %eq3A_191 : vector<128x1024xf32>
    %jit3A_193 = arith.constant 1.024000e+03 : f32
    %broadcast_in_dim3A_194 = vector.broadcast %jit3A_193 : f32 to vector<128x1024xf32>
    %select_n3A_195 = arith.select %eq3A_192, %convert_element_type3A, %broadcast_in_dim3A_194 : vector<128x1024xi1>, vector<128x1024xf32>
    %reduce_min3A_196 = arith.constant dense<0x7F800000> : vector<128xf32>
    %reduce_min3A_197 = vector.multi_reduction <minimumf>, %select_n3A_195, %reduce_min3A_196 [1] : vector<128x1024xf32> to vector<128xf32>
    %broadcast_in_dim3A_198 = vector.shape_cast %reduce_min3A_197 : vector<128xf32> to vector<128x1xf32>
    %eq3A_199 = vector.broadcast %broadcast_in_dim3A_198 : vector<128x1xf32> to vector<128x1024xf32>
    %eq3A_200 = arith.cmpf oeq, %convert_element_type3A, %eq3A_199 : vector<128x1024xf32>
    %jit3A_201 = arith.constant 3.000000e+38 : f32
    %broadcast_in_dim3A_202 = vector.broadcast %jit3A_201 : f32 to vector<128x1024xf32>
    %select_n3A_203 = arith.select %eq3A_200, %broadcast_in_dim3A_202, %select_n3A_163 : vector<128x1024xi1>, vector<128x1024xf32>
    %convert_element_type3A_204 = arith.extui %eq3A_200 : vector<128x1024xi1> to vector<128x1024xi32>
    %convert_element_type3A_205 = arith.sitofp %convert_element_type3A_204 : vector<128x1024xi32> to vector<128x1024xf32>
    %dot_general3A_206 = arith.constant dense<0.000000e+00> : vector<128x8xf32>
    %dot_general3A_207 = tpu.matmul %convert_element_type3A_205, %get3A_13, %dot_general3A_206 {dimension_numbers = #tpu.dot_dimension_numbers<[1], [0], [0], [1], [0, 0, 1, 1], [], []>, transpose_lhs_hint = false} : vector<128x1024xf32>, vector<1024x8xf32>, vector<128x8xf32> -> vector<128x8xf32>
    %sub3A_208 = arith.subf %concatenate3A, %dot_general3A_207 : vector<128x8xf32>
    %swap3A_209 = arith.constant 0 : index
    %swap3A_210 = arith.constant 0 : index
    %swap3A_211 = arith.constant 0 : index
    %swap3A_212 = arith.constant 32 : index
    %swap3A_213 = vector.load %arg6[%swap3A_209, %swap3A_210, %swap3A_211, %swap3A_212] : memref<1x1x128x128xf32, #tpu.memory_space<vmem>>, vector<1x1x128x8xf32>
    %swap3A_214 = vector.shape_cast %swap3A_213 : vector<1x1x128x8xf32> to vector<128x8xf32>
    %swap3A_215 = vector.shape_cast %sub3A_208 : vector<128x8xf32> to vector<1x1x128x8xf32>
    tpu.vector_store %arg6[%swap3A_209, %swap3A_210, %swap3A_211, %swap3A_212], %swap3A_215 {strides = array<i32>} : memref<1x1x128x128xf32, #tpu.memory_space<vmem>>, vector<1x1x128x8xf32>,
    %convert_element_type3A_216 = arith.fptosi %broadcast_in_dim3A_198 : vector<128x1xf32> to vector<128x1xi32>
    %mul3A_217 = arith.constant 1024 : i32
    %mul3A_218 = arith.muli %arg0, %mul3A_217 : i32
    %add3A_219 = vector.broadcast %mul3A_218 : i32 to vector<128x1xi32>
    %add3A_220 = arith.addi %convert_element_type3A_216, %add3A_219 : vector<128x1xi32>
    %swap3A_221 = arith.constant 0 : index
    %swap3A_222 = arith.constant 0 : index
    %swap3A_223 = arith.constant 0 : index
    %swap3A_224 = arith.constant 4 : index
    %swap3A_225 = vector.load %arg5[%swap3A_221, %swap3A_222, %swap3A_223, %swap3A_224] : memref<1x1x128x16xi32, #tpu.memory_space<vmem>>, vector<1x1x128x1xi32>
    %swap3A_226 = vector.shape_cast %swap3A_225 : vector<1x1x128x1xi32> to vector<128x1xi32>
    %swap3A_227 = vector.shape_cast %add3A_220 : vector<128x1xi32> to vector<1x1x128x1xi32>
    tpu.vector_store %arg5[%swap3A_221, %swap3A_222, %swap3A_223, %swap3A_224], %swap3A_227 {strides = array<i32>} : memref<1x1x128x16xi32, #tpu.memory_space<vmem>>, vector<1x1x128x1xi32>,
    %reduce_min3A_228 = arith.constant dense<0x7F800000> : vector<128xf32>
    %reduce_min3A_229 = vector.multi_reduction <minimumf>, %select_n3A_203, %reduce_min3A_228 [1] : vector<128x1024xf32> to vector<128xf32>
    %broadcast_in_dim3A_230 = vector.shape_cast %reduce_min3A_229 : vector<128xf32> to vector<128x1xf32>
    %eq3A_231 = vector.broadcast %broadcast_in_dim3A_230 : vector<128x1xf32> to vector<128x1024xf32>
    %eq3A_232 = arith.cmpf oeq, %select_n3A_203, %eq3A_231 : vector<128x1024xf32>
    %jit3A_233 = arith.constant 1.024000e+03 : f32
    %broadcast_in_dim3A_234 = vector.broadcast %jit3A_233 : f32 to vector<128x1024xf32>
    %select_n3A_235 = arith.select %eq3A_232, %convert_element_type3A, %broadcast_in_dim3A_234 : vector<128x1024xi1>, vector<128x1024xf32>
    %reduce_min3A_236 = arith.constant dense<0x7F800000> : vector<128xf32>
    %reduce_min3A_237 = vector.multi_reduction <minimumf>, %select_n3A_235, %reduce_min3A_236 [1] : vector<128x1024xf32> to vector<128xf32>
    %broadcast_in_dim3A_238 = vector.shape_cast %reduce_min3A_237 : vector<128xf32> to vector<128x1xf32>
    %eq3A_239 = vector.broadcast %broadcast_in_dim3A_238 : vector<128x1xf32> to vector<128x1024xf32>
    %eq3A_240 = arith.cmpf oeq, %convert_element_type3A, %eq3A_239 : vector<128x1024xf32>
    %jit3A_241 = arith.constant 3.000000e+38 : f32
    %broadcast_in_dim3A_242 = vector.broadcast %jit3A_241 : f32 to vector<128x1024xf32>
    %select_n3A_243 = arith.select %eq3A_240, %broadcast_in_dim3A_242, %select_n3A_203 : vector<128x1024xi1>, vector<128x1024xf32>
    %convert_element_type3A_244 = arith.extui %eq3A_240 : vector<128x1024xi1> to vector<128x1024xi32>
    %convert_element_type3A_245 = arith.sitofp %convert_element_type3A_244 : vector<128x1024xi32> to vector<128x1024xf32>
    %dot_general3A_246 = arith.constant dense<0.000000e+00> : vector<128x8xf32>
    %dot_general3A_247 = tpu.matmul %convert_element_type3A_245, %get3A_13, %dot_general3A_246 {dimension_numbers = #tpu.dot_dimension_numbers<[1], [0], [0], [1], [0, 0, 1, 1], [], []>, transpose_lhs_hint = false} : vector<128x1024xf32>, vector<1024x8xf32>, vector<128x8xf32> -> vector<128x8xf32>
    %sub3A_248 = arith.subf %concatenate3A, %dot_general3A_247 : vector<128x8xf32>
    %swap3A_249 = arith.constant 0 : index
    %swap3A_250 = arith.constant 0 : index
    %swap3A_251 = arith.constant 0 : index
    %swap3A_252 = arith.constant 40 : index
    %swap3A_253 = vector.load %arg6[%swap3A_249, %swap3A_250, %swap3A_251, %swap3A_252] : memref<1x1x128x128xf32, #tpu.memory_space<vmem>>, vector<1x1x128x8xf32>
    %swap3A_254 = vector.shape_cast %swap3A_253 : vector<1x1x128x8xf32> to vector<128x8xf32>
    %swap3A_255 = vector.shape_cast %sub3A_248 : vector<128x8xf32> to vector<1x1x128x8xf32>
    tpu.vector_store %arg6[%swap3A_249, %swap3A_250, %swap3A_251, %swap3A_252], %swap3A_255 {strides = array<i32>} : memref<1x1x128x128xf32, #tpu.memory_space<vmem>>, vector<1x1x128x8xf32>,
    %convert_element_type3A_256 = arith.fptosi %broadcast_in_dim3A_238 : vector<128x1xf32> to vector<128x1xi32>
    %mul3A_257 = arith.constant 1024 : i32
    %mul3A_258 = arith.muli %arg0, %mul3A_257 : i32
    %add3A_259 = vector.broadcast %mul3A_258 : i32 to vector<128x1xi32>
    %add3A_260 = arith.addi %convert_element_type3A_256, %add3A_259 : vector<128x1xi32>
    %swap3A_261 = arith.constant 0 : index
    %swap3A_262 = arith.constant 0 : index
    %swap3A_263 = arith.constant 0 : index
    %swap3A_264 = arith.constant 5 : index
    %swap3A_265 = vector.load %arg5[%swap3A_261, %swap3A_262, %swap3A_263, %swap3A_264] : memref<1x1x128x16xi32, #tpu.memory_space<vmem>>, vector<1x1x128x1xi32>
    %swap3A_266 = vector.shape_cast %swap3A_265 : vector<1x1x128x1xi32> to vector<128x1xi32>
    %swap3A_267 = vector.shape_cast %add3A_260 : vector<128x1xi32> to vector<1x1x128x1xi32>
    tpu.vector_store %arg5[%swap3A_261, %swap3A_262, %swap3A_263, %swap3A_264], %swap3A_267 {strides = array<i32>} : memref<1x1x128x16xi32, #tpu.memory_space<vmem>>, vector<1x1x128x1xi32>,
    %reduce_min3A_268 = arith.constant dense<0x7F800000> : vector<128xf32>
    %reduce_min3A_269 = vector.multi_reduction <minimumf>, %select_n3A_243, %reduce_min3A_268 [1] : vector<128x1024xf32> to vector<128xf32>
    %broadcast_in_dim3A_270 = vector.shape_cast %reduce_min3A_269 : vector<128xf32> to vector<128x1xf32>
    %eq3A_271 = vector.broadcast %broadcast_in_dim3A_270 : vector<128x1xf32> to vector<128x1024xf32>
    %eq3A_272 = arith.cmpf oeq, %select_n3A_243, %eq3A_271 : vector<128x1024xf32>
    %jit3A_273 = arith.constant 1.024000e+03 : f32
    %broadcast_in_dim3A_274 = vector.broadcast %jit3A_273 : f32 to vector<128x1024xf32>
    %select_n3A_275 = arith.select %eq3A_272, %convert_element_type3A, %broadcast_in_dim3A_274 : vector<128x1024xi1>, vector<128x1024xf32>
    %reduce_min3A_276 = arith.constant dense<0x7F800000> : vector<128xf32>
    %reduce_min3A_277 = vector.multi_reduction <minimumf>, %select_n3A_275, %reduce_min3A_276 [1] : vector<128x1024xf32> to vector<128xf32>
    %broadcast_in_dim3A_278 = vector.shape_cast %reduce_min3A_277 : vector<128xf32> to vector<128x1xf32>
    %eq3A_279 = vector.broadcast %broadcast_in_dim3A_278 : vector<128x1xf32> to vector<128x1024xf32>
    %eq3A_280 = arith.cmpf oeq, %convert_element_type3A, %eq3A_279 : vector<128x1024xf32>
    %jit3A_281 = arith.constant 3.000000e+38 : f32
    %broadcast_in_dim3A_282 = vector.broadcast %jit3A_281 : f32 to vector<128x1024xf32>
    %select_n3A_283 = arith.select %eq3A_280, %broadcast_in_dim3A_282, %select_n3A_243 : vector<128x1024xi1>, vector<128x1024xf32>
    %convert_element_type3A_284 = arith.extui %eq3A_280 : vector<128x1024xi1> to vector<128x1024xi32>
    %convert_element_type3A_285 = arith.sitofp %convert_element_type3A_284 : vector<128x1024xi32> to vector<128x1024xf32>
    %dot_general3A_286 = arith.constant dense<0.000000e+00> : vector<128x8xf32>
    %dot_general3A_287 = tpu.matmul %convert_element_type3A_285, %get3A_13, %dot_general3A_286 {dimension_numbers = #tpu.dot_dimension_numbers<[1], [0], [0], [1], [0, 0, 1, 1], [], []>, transpose_lhs_hint = false} : vector<128x1024xf32>, vector<1024x8xf32>, vector<128x8xf32> -> vector<128x8xf32>
    %sub3A_288 = arith.subf %concatenate3A, %dot_general3A_287 : vector<128x8xf32>
    %swap3A_289 = arith.constant 0 : index
    %swap3A_290 = arith.constant 0 : index
    %swap3A_291 = arith.constant 0 : index
    %swap3A_292 = arith.constant 48 : index
    %swap3A_293 = vector.load %arg6[%swap3A_289, %swap3A_290, %swap3A_291, %swap3A_292] : memref<1x1x128x128xf32, #tpu.memory_space<vmem>>, vector<1x1x128x8xf32>
    %swap3A_294 = vector.shape_cast %swap3A_293 : vector<1x1x128x8xf32> to vector<128x8xf32>
    %swap3A_295 = vector.shape_cast %sub3A_288 : vector<128x8xf32> to vector<1x1x128x8xf32>
    tpu.vector_store %arg6[%swap3A_289, %swap3A_290, %swap3A_291, %swap3A_292], %swap3A_295 {strides = array<i32>} : memref<1x1x128x128xf32, #tpu.memory_space<vmem>>, vector<1x1x128x8xf32>,
    %convert_element_type3A_296 = arith.fptosi %broadcast_in_dim3A_278 : vector<128x1xf32> to vector<128x1xi32>
    %mul3A_297 = arith.constant 1024 : i32
    %mul3A_298 = arith.muli %arg0, %mul3A_297 : i32
    %add3A_299 = vector.broadcast %mul3A_298 : i32 to vector<128x1xi32>
    %add3A_300 = arith.addi %convert_element_type3A_296, %add3A_299 : vector<128x1xi32>
    %swap3A_301 = arith.constant 0 : index
    %swap3A_302 = arith.constant 0 : index
    %swap3A_303 = arith.constant 0 : index
    %swap3A_304 = arith.constant 6 : index
    %swap3A_305 = vector.load %arg5[%swap3A_301, %swap3A_302, %swap3A_303, %swap3A_304] : memref<1x1x128x16xi32, #tpu.memory_space<vmem>>, vector<1x1x128x1xi32>
    %swap3A_306 = vector.shape_cast %swap3A_305 : vector<1x1x128x1xi32> to vector<128x1xi32>
    %swap3A_307 = vector.shape_cast %add3A_300 : vector<128x1xi32> to vector<1x1x128x1xi32>
    tpu.vector_store %arg5[%swap3A_301, %swap3A_302, %swap3A_303, %swap3A_304], %swap3A_307 {strides = array<i32>} : memref<1x1x128x16xi32, #tpu.memory_space<vmem>>, vector<1x1x128x1xi32>,
    %reduce_min3A_308 = arith.constant dense<0x7F800000> : vector<128xf32>
    %reduce_min3A_309 = vector.multi_reduction <minimumf>, %select_n3A_283, %reduce_min3A_308 [1] : vector<128x1024xf32> to vector<128xf32>
    %broadcast_in_dim3A_310 = vector.shape_cast %reduce_min3A_309 : vector<128xf32> to vector<128x1xf32>
    %eq3A_311 = vector.broadcast %broadcast_in_dim3A_310 : vector<128x1xf32> to vector<128x1024xf32>
    %eq3A_312 = arith.cmpf oeq, %select_n3A_283, %eq3A_311 : vector<128x1024xf32>
    %jit3A_313 = arith.constant 1.024000e+03 : f32
    %broadcast_in_dim3A_314 = vector.broadcast %jit3A_313 : f32 to vector<128x1024xf32>
    %select_n3A_315 = arith.select %eq3A_312, %convert_element_type3A, %broadcast_in_dim3A_314 : vector<128x1024xi1>, vector<128x1024xf32>
    %reduce_min3A_316 = arith.constant dense<0x7F800000> : vector<128xf32>
    %reduce_min3A_317 = vector.multi_reduction <minimumf>, %select_n3A_315, %reduce_min3A_316 [1] : vector<128x1024xf32> to vector<128xf32>
    %broadcast_in_dim3A_318 = vector.shape_cast %reduce_min3A_317 : vector<128xf32> to vector<128x1xf32>
    %eq3A_319 = vector.broadcast %broadcast_in_dim3A_318 : vector<128x1xf32> to vector<128x1024xf32>
    %eq3A_320 = arith.cmpf oeq, %convert_element_type3A, %eq3A_319 : vector<128x1024xf32>
    %jit3A_321 = arith.constant 3.000000e+38 : f32
    %broadcast_in_dim3A_322 = vector.broadcast %jit3A_321 : f32 to vector<128x1024xf32>
    %select_n3A_323 = arith.select %eq3A_320, %broadcast_in_dim3A_322, %select_n3A_283 : vector<128x1024xi1>, vector<128x1024xf32>
    %convert_element_type3A_324 = arith.extui %eq3A_320 : vector<128x1024xi1> to vector<128x1024xi32>
    %convert_element_type3A_325 = arith.sitofp %convert_element_type3A_324 : vector<128x1024xi32> to vector<128x1024xf32>
    %dot_general3A_326 = arith.constant dense<0.000000e+00> : vector<128x8xf32>
    %dot_general3A_327 = tpu.matmul %convert_element_type3A_325, %get3A_13, %dot_general3A_326 {dimension_numbers = #tpu.dot_dimension_numbers<[1], [0], [0], [1], [0, 0, 1, 1], [], []>, transpose_lhs_hint = false} : vector<128x1024xf32>, vector<1024x8xf32>, vector<128x8xf32> -> vector<128x8xf32>
    %sub3A_328 = arith.subf %concatenate3A, %dot_general3A_327 : vector<128x8xf32>
    %swap3A_329 = arith.constant 0 : index
    %swap3A_330 = arith.constant 0 : index
    %swap3A_331 = arith.constant 0 : index
    %swap3A_332 = arith.constant 56 : index
    %swap3A_333 = vector.load %arg6[%swap3A_329, %swap3A_330, %swap3A_331, %swap3A_332] : memref<1x1x128x128xf32, #tpu.memory_space<vmem>>, vector<1x1x128x8xf32>
    %swap3A_334 = vector.shape_cast %swap3A_333 : vector<1x1x128x8xf32> to vector<128x8xf32>
    %swap3A_335 = vector.shape_cast %sub3A_328 : vector<128x8xf32> to vector<1x1x128x8xf32>
    tpu.vector_store %arg6[%swap3A_329, %swap3A_330, %swap3A_331, %swap3A_332], %swap3A_335 {strides = array<i32>} : memref<1x1x128x128xf32, #tpu.memory_space<vmem>>, vector<1x1x128x8xf32>,
    %convert_element_type3A_336 = arith.fptosi %broadcast_in_dim3A_318 : vector<128x1xf32> to vector<128x1xi32>
    %mul3A_337 = arith.constant 1024 : i32
    %mul3A_338 = arith.muli %arg0, %mul3A_337 : i32
    %add3A_339 = vector.broadcast %mul3A_338 : i32 to vector<128x1xi32>
    %add3A_340 = arith.addi %convert_element_type3A_336, %add3A_339 : vector<128x1xi32>
    %swap3A_341 = arith.constant 0 : index
    %swap3A_342 = arith.constant 0 : index
    %swap3A_343 = arith.constant 0 : index
    %swap3A_344 = arith.constant 7 : index
    %swap3A_345 = vector.load %arg5[%swap3A_341, %swap3A_342, %swap3A_343, %swap3A_344] : memref<1x1x128x16xi32, #tpu.memory_space<vmem>>, vector<1x1x128x1xi32>
    %swap3A_346 = vector.shape_cast %swap3A_345 : vector<1x1x128x1xi32> to vector<128x1xi32>
    %swap3A_347 = vector.shape_cast %add3A_340 : vector<128x1xi32> to vector<1x1x128x1xi32>
    tpu.vector_store %arg5[%swap3A_341, %swap3A_342, %swap3A_343, %swap3A_344], %swap3A_347 {strides = array<i32>} : memref<1x1x128x16xi32, #tpu.memory_space<vmem>>, vector<1x1x128x1xi32>,
    %reduce_min3A_348 = arith.constant dense<0x7F800000> : vector<128xf32>
    %reduce_min3A_349 = vector.multi_reduction <minimumf>, %select_n3A_323, %reduce_min3A_348 [1] : vector<128x1024xf32> to vector<128xf32>
    %broadcast_in_dim3A_350 = vector.shape_cast %reduce_min3A_349 : vector<128xf32> to vector<128x1xf32>
    %eq3A_351 = vector.broadcast %broadcast_in_dim3A_350 : vector<128x1xf32> to vector<128x1024xf32>
    %eq3A_352 = arith.cmpf oeq, %select_n3A_323, %eq3A_351 : vector<128x1024xf32>
    %jit3A_353 = arith.constant 1.024000e+03 : f32
    %broadcast_in_dim3A_354 = vector.broadcast %jit3A_353 : f32 to vector<128x1024xf32>
    %select_n3A_355 = arith.select %eq3A_352, %convert_element_type3A, %broadcast_in_dim3A_354 : vector<128x1024xi1>, vector<128x1024xf32>
    %reduce_min3A_356 = arith.constant dense<0x7F800000> : vector<128xf32>
    %reduce_min3A_357 = vector.multi_reduction <minimumf>, %select_n3A_355, %reduce_min3A_356 [1] : vector<128x1024xf32> to vector<128xf32>
    %broadcast_in_dim3A_358 = vector.shape_cast %reduce_min3A_357 : vector<128xf32> to vector<128x1xf32>
    %eq3A_359 = vector.broadcast %broadcast_in_dim3A_358 : vector<128x1xf32> to vector<128x1024xf32>
    %eq3A_360 = arith.cmpf oeq, %convert_element_type3A, %eq3A_359 : vector<128x1024xf32>
    %jit3A_361 = arith.constant 3.000000e+38 : f32
    %broadcast_in_dim3A_362 = vector.broadcast %jit3A_361 : f32 to vector<128x1024xf32>
    %select_n3A_363 = arith.select %eq3A_360, %broadcast_in_dim3A_362, %select_n3A_323 : vector<128x1024xi1>, vector<128x1024xf32>
    %convert_element_type3A_364 = arith.extui %eq3A_360 : vector<128x1024xi1> to vector<128x1024xi32>
    %convert_element_type3A_365 = arith.sitofp %convert_element_type3A_364 : vector<128x1024xi32> to vector<128x1024xf32>
    %dot_general3A_366 = arith.constant dense<0.000000e+00> : vector<128x8xf32>
    %dot_general3A_367 = tpu.matmul %convert_element_type3A_365, %get3A_13, %dot_general3A_366 {dimension_numbers = #tpu.dot_dimension_numbers<[1], [0], [0], [1], [0, 0, 1, 1], [], []>, transpose_lhs_hint = false} : vector<128x1024xf32>, vector<1024x8xf32>, vector<128x8xf32> -> vector<128x8xf32>
    %sub3A_368 = arith.subf %concatenate3A, %dot_general3A_367 : vector<128x8xf32>
    %swap3A_369 = arith.constant 0 : index
    %swap3A_370 = arith.constant 0 : index
    %swap3A_371 = arith.constant 0 : index
    %swap3A_372 = arith.constant 64 : index
    %swap3A_373 = vector.load %arg6[%swap3A_369, %swap3A_370, %swap3A_371, %swap3A_372] : memref<1x1x128x128xf32, #tpu.memory_space<vmem>>, vector<1x1x128x8xf32>
    %swap3A_374 = vector.shape_cast %swap3A_373 : vector<1x1x128x8xf32> to vector<128x8xf32>
    %swap3A_375 = vector.shape_cast %sub3A_368 : vector<128x8xf32> to vector<1x1x128x8xf32>
    tpu.vector_store %arg6[%swap3A_369, %swap3A_370, %swap3A_371, %swap3A_372], %swap3A_375 {strides = array<i32>} : memref<1x1x128x128xf32, #tpu.memory_space<vmem>>, vector<1x1x128x8xf32>,
    %convert_element_type3A_376 = arith.fptosi %broadcast_in_dim3A_358 : vector<128x1xf32> to vector<128x1xi32>
    %mul3A_377 = arith.constant 1024 : i32
    %mul3A_378 = arith.muli %arg0, %mul3A_377 : i32
    %add3A_379 = vector.broadcast %mul3A_378 : i32 to vector<128x1xi32>
    %add3A_380 = arith.addi %convert_element_type3A_376, %add3A_379 : vector<128x1xi32>
    %swap3A_381 = arith.constant 0 : index
    %swap3A_382 = arith.constant 0 : index
    %swap3A_383 = arith.constant 0 : index
    %swap3A_384 = arith.constant 8 : index
    %swap3A_385 = vector.load %arg5[%swap3A_381, %swap3A_382, %swap3A_383, %swap3A_384] : memref<1x1x128x16xi32, #tpu.memory_space<vmem>>, vector<1x1x128x1xi32>
    %swap3A_386 = vector.shape_cast %swap3A_385 : vector<1x1x128x1xi32> to vector<128x1xi32>
    %swap3A_387 = vector.shape_cast %add3A_380 : vector<128x1xi32> to vector<1x1x128x1xi32>
    tpu.vector_store %arg5[%swap3A_381, %swap3A_382, %swap3A_383, %swap3A_384], %swap3A_387 {strides = array<i32>} : memref<1x1x128x16xi32, #tpu.memory_space<vmem>>, vector<1x1x128x1xi32>,
    %reduce_min3A_388 = arith.constant dense<0x7F800000> : vector<128xf32>
    %reduce_min3A_389 = vector.multi_reduction <minimumf>, %select_n3A_363, %reduce_min3A_388 [1] : vector<128x1024xf32> to vector<128xf32>
    %broadcast_in_dim3A_390 = vector.shape_cast %reduce_min3A_389 : vector<128xf32> to vector<128x1xf32>
    %eq3A_391 = vector.broadcast %broadcast_in_dim3A_390 : vector<128x1xf32> to vector<128x1024xf32>
    %eq3A_392 = arith.cmpf oeq, %select_n3A_363, %eq3A_391 : vector<128x1024xf32>
    %jit3A_393 = arith.constant 1.024000e+03 : f32
    %broadcast_in_dim3A_394 = vector.broadcast %jit3A_393 : f32 to vector<128x1024xf32>
    %select_n3A_395 = arith.select %eq3A_392, %convert_element_type3A, %broadcast_in_dim3A_394 : vector<128x1024xi1>, vector<128x1024xf32>
    %reduce_min3A_396 = arith.constant dense<0x7F800000> : vector<128xf32>
    %reduce_min3A_397 = vector.multi_reduction <minimumf>, %select_n3A_395, %reduce_min3A_396 [1] : vector<128x1024xf32> to vector<128xf32>
    %broadcast_in_dim3A_398 = vector.shape_cast %reduce_min3A_397 : vector<128xf32> to vector<128x1xf32>
    %eq3A_399 = vector.broadcast %broadcast_in_dim3A_398 : vector<128x1xf32> to vector<128x1024xf32>
    %eq3A_400 = arith.cmpf oeq, %convert_element_type3A, %eq3A_399 : vector<128x1024xf32>
    %jit3A_401 = arith.constant 3.000000e+38 : f32
    %broadcast_in_dim3A_402 = vector.broadcast %jit3A_401 : f32 to vector<128x1024xf32>
    %select_n3A_403 = arith.select %eq3A_400, %broadcast_in_dim3A_402, %select_n3A_363 : vector<128x1024xi1>, vector<128x1024xf32>
    %convert_element_type3A_404 = arith.extui %eq3A_400 : vector<128x1024xi1> to vector<128x1024xi32>
    %convert_element_type3A_405 = arith.sitofp %convert_element_type3A_404 : vector<128x1024xi32> to vector<128x1024xf32>
    %dot_general3A_406 = arith.constant dense<0.000000e+00> : vector<128x8xf32>
    %dot_general3A_407 = tpu.matmul %convert_element_type3A_405, %get3A_13, %dot_general3A_406 {dimension_numbers = #tpu.dot_dimension_numbers<[1], [0], [0], [1], [0, 0, 1, 1], [], []>, transpose_lhs_hint = false} : vector<128x1024xf32>, vector<1024x8xf32>, vector<128x8xf32> -> vector<128x8xf32>
    %sub3A_408 = arith.subf %concatenate3A, %dot_general3A_407 : vector<128x8xf32>
    %swap3A_409 = arith.constant 0 : index
    %swap3A_410 = arith.constant 0 : index
    %swap3A_411 = arith.constant 0 : index
    %swap3A_412 = arith.constant 72 : index
    %swap3A_413 = vector.load %arg6[%swap3A_409, %swap3A_410, %swap3A_411, %swap3A_412] : memref<1x1x128x128xf32, #tpu.memory_space<vmem>>, vector<1x1x128x8xf32>
    %swap3A_414 = vector.shape_cast %swap3A_413 : vector<1x1x128x8xf32> to vector<128x8xf32>
    %swap3A_415 = vector.shape_cast %sub3A_408 : vector<128x8xf32> to vector<1x1x128x8xf32>
    tpu.vector_store %arg6[%swap3A_409, %swap3A_410, %swap3A_411, %swap3A_412], %swap3A_415 {strides = array<i32>} : memref<1x1x128x128xf32, #tpu.memory_space<vmem>>, vector<1x1x128x8xf32>,
    %convert_element_type3A_416 = arith.fptosi %broadcast_in_dim3A_398 : vector<128x1xf32> to vector<128x1xi32>
    %mul3A_417 = arith.constant 1024 : i32
    %mul3A_418 = arith.muli %arg0, %mul3A_417 : i32
    %add3A_419 = vector.broadcast %mul3A_418 : i32 to vector<128x1xi32>
    %add3A_420 = arith.addi %convert_element_type3A_416, %add3A_419 : vector<128x1xi32>
    %swap3A_421 = arith.constant 0 : index
    %swap3A_422 = arith.constant 0 : index
    %swap3A_423 = arith.constant 0 : index
    %swap3A_424 = arith.constant 9 : index
    %swap3A_425 = vector.load %arg5[%swap3A_421, %swap3A_422, %swap3A_423, %swap3A_424] : memref<1x1x128x16xi32, #tpu.memory_space<vmem>>, vector<1x1x128x1xi32>
    %swap3A_426 = vector.shape_cast %swap3A_425 : vector<1x1x128x1xi32> to vector<128x1xi32>
    %swap3A_427 = vector.shape_cast %add3A_420 : vector<128x1xi32> to vector<1x1x128x1xi32>
    tpu.vector_store %arg5[%swap3A_421, %swap3A_422, %swap3A_423, %swap3A_424], %swap3A_427 {strides = array<i32>} : memref<1x1x128x16xi32, #tpu.memory_space<vmem>>, vector<1x1x128x1xi32>,
    %reduce_min3A_428 = arith.constant dense<0x7F800000> : vector<128xf32>
    %reduce_min3A_429 = vector.multi_reduction <minimumf>, %select_n3A_403, %reduce_min3A_428 [1] : vector<128x1024xf32> to vector<128xf32>
    %broadcast_in_dim3A_430 = vector.shape_cast %reduce_min3A_429 : vector<128xf32> to vector<128x1xf32>
    %eq3A_431 = vector.broadcast %broadcast_in_dim3A_430 : vector<128x1xf32> to vector<128x1024xf32>
    %eq3A_432 = arith.cmpf oeq, %select_n3A_403, %eq3A_431 : vector<128x1024xf32>
    %jit3A_433 = arith.constant 1.024000e+03 : f32
    %broadcast_in_dim3A_434 = vector.broadcast %jit3A_433 : f32 to vector<128x1024xf32>
    %select_n3A_435 = arith.select %eq3A_432, %convert_element_type3A, %broadcast_in_dim3A_434 : vector<128x1024xi1>, vector<128x1024xf32>
    %reduce_min3A_436 = arith.constant dense<0x7F800000> : vector<128xf32>
    %reduce_min3A_437 = vector.multi_reduction <minimumf>, %select_n3A_435, %reduce_min3A_436 [1] : vector<128x1024xf32> to vector<128xf32>
    %broadcast_in_dim3A_438 = vector.shape_cast %reduce_min3A_437 : vector<128xf32> to vector<128x1xf32>
    %eq3A_439 = vector.broadcast %broadcast_in_dim3A_438 : vector<128x1xf32> to vector<128x1024xf32>
    %eq3A_440 = arith.cmpf oeq, %convert_element_type3A, %eq3A_439 : vector<128x1024xf32>
    %jit3A_441 = arith.constant 3.000000e+38 : f32
    %broadcast_in_dim3A_442 = vector.broadcast %jit3A_441 : f32 to vector<128x1024xf32>
    %select_n3A_443 = arith.select %eq3A_440, %broadcast_in_dim3A_442, %select_n3A_403 : vector<128x1024xi1>, vector<128x1024xf32>
    %convert_element_type3A_444 = arith.extui %eq3A_440 : vector<128x1024xi1> to vector<128x1024xi32>
    %convert_element_type3A_445 = arith.sitofp %convert_element_type3A_444 : vector<128x1024xi32> to vector<128x1024xf32>
    %dot_general3A_446 = arith.constant dense<0.000000e+00> : vector<128x8xf32>
    %dot_general3A_447 = tpu.matmul %convert_element_type3A_445, %get3A_13, %dot_general3A_446 {dimension_numbers = #tpu.dot_dimension_numbers<[1], [0], [0], [1], [0, 0, 1, 1], [], []>, transpose_lhs_hint = false} : vector<128x1024xf32>, vector<1024x8xf32>, vector<128x8xf32> -> vector<128x8xf32>
    %sub3A_448 = arith.subf %concatenate3A, %dot_general3A_447 : vector<128x8xf32>
    %swap3A_449 = arith.constant 0 : index
    %swap3A_450 = arith.constant 0 : index
    %swap3A_451 = arith.constant 0 : index
    %swap3A_452 = arith.constant 80 : index
    %swap3A_453 = vector.load %arg6[%swap3A_449, %swap3A_450, %swap3A_451, %swap3A_452] : memref<1x1x128x128xf32, #tpu.memory_space<vmem>>, vector<1x1x128x8xf32>
    %swap3A_454 = vector.shape_cast %swap3A_453 : vector<1x1x128x8xf32> to vector<128x8xf32>
    %swap3A_455 = vector.shape_cast %sub3A_448 : vector<128x8xf32> to vector<1x1x128x8xf32>
    tpu.vector_store %arg6[%swap3A_449, %swap3A_450, %swap3A_451, %swap3A_452], %swap3A_455 {strides = array<i32>} : memref<1x1x128x128xf32, #tpu.memory_space<vmem>>, vector<1x1x128x8xf32>,
    %convert_element_type3A_456 = arith.fptosi %broadcast_in_dim3A_438 : vector<128x1xf32> to vector<128x1xi32>
    %mul3A_457 = arith.constant 1024 : i32
    %mul3A_458 = arith.muli %arg0, %mul3A_457 : i32
    %add3A_459 = vector.broadcast %mul3A_458 : i32 to vector<128x1xi32>
    %add3A_460 = arith.addi %convert_element_type3A_456, %add3A_459 : vector<128x1xi32>
    %swap3A_461 = arith.constant 0 : index
    %swap3A_462 = arith.constant 0 : index
    %swap3A_463 = arith.constant 0 : index
    %swap3A_464 = arith.constant 10 : index
    %swap3A_465 = vector.load %arg5[%swap3A_461, %swap3A_462, %swap3A_463, %swap3A_464] : memref<1x1x128x16xi32, #tpu.memory_space<vmem>>, vector<1x1x128x1xi32>
    %swap3A_466 = vector.shape_cast %swap3A_465 : vector<1x1x128x1xi32> to vector<128x1xi32>
    %swap3A_467 = vector.shape_cast %add3A_460 : vector<128x1xi32> to vector<1x1x128x1xi32>
    tpu.vector_store %arg5[%swap3A_461, %swap3A_462, %swap3A_463, %swap3A_464], %swap3A_467 {strides = array<i32>} : memref<1x1x128x16xi32, #tpu.memory_space<vmem>>, vector<1x1x128x1xi32>,
    %reduce_min3A_468 = arith.constant dense<0x7F800000> : vector<128xf32>
    %reduce_min3A_469 = vector.multi_reduction <minimumf>, %select_n3A_443, %reduce_min3A_468 [1] : vector<128x1024xf32> to vector<128xf32>
    %broadcast_in_dim3A_470 = vector.shape_cast %reduce_min3A_469 : vector<128xf32> to vector<128x1xf32>
    %eq3A_471 = vector.broadcast %broadcast_in_dim3A_470 : vector<128x1xf32> to vector<128x1024xf32>
    %eq3A_472 = arith.cmpf oeq, %select_n3A_443, %eq3A_471 : vector<128x1024xf32>
    %jit3A_473 = arith.constant 1.024000e+03 : f32
    %broadcast_in_dim3A_474 = vector.broadcast %jit3A_473 : f32 to vector<128x1024xf32>
    %select_n3A_475 = arith.select %eq3A_472, %convert_element_type3A, %broadcast_in_dim3A_474 : vector<128x1024xi1>, vector<128x1024xf32>
    %reduce_min3A_476 = arith.constant dense<0x7F800000> : vector<128xf32>
    %reduce_min3A_477 = vector.multi_reduction <minimumf>, %select_n3A_475, %reduce_min3A_476 [1] : vector<128x1024xf32> to vector<128xf32>
    %broadcast_in_dim3A_478 = vector.shape_cast %reduce_min3A_477 : vector<128xf32> to vector<128x1xf32>
    %eq3A_479 = vector.broadcast %broadcast_in_dim3A_478 : vector<128x1xf32> to vector<128x1024xf32>
    %eq3A_480 = arith.cmpf oeq, %convert_element_type3A, %eq3A_479 : vector<128x1024xf32>
    %jit3A_481 = arith.constant 3.000000e+38 : f32
    %broadcast_in_dim3A_482 = vector.broadcast %jit3A_481 : f32 to vector<128x1024xf32>
    %select_n3A_483 = arith.select %eq3A_480, %broadcast_in_dim3A_482, %select_n3A_443 : vector<128x1024xi1>, vector<128x1024xf32>
    %convert_element_type3A_484 = arith.extui %eq3A_480 : vector<128x1024xi1> to vector<128x1024xi32>
    %convert_element_type3A_485 = arith.sitofp %convert_element_type3A_484 : vector<128x1024xi32> to vector<128x1024xf32>
    %dot_general3A_486 = arith.constant dense<0.000000e+00> : vector<128x8xf32>
    %dot_general3A_487 = tpu.matmul %convert_element_type3A_485, %get3A_13, %dot_general3A_486 {dimension_numbers = #tpu.dot_dimension_numbers<[1], [0], [0], [1], [0, 0, 1, 1], [], []>, transpose_lhs_hint = false} : vector<128x1024xf32>, vector<1024x8xf32>, vector<128x8xf32> -> vector<128x8xf32>
    %sub3A_488 = arith.subf %concatenate3A, %dot_general3A_487 : vector<128x8xf32>
    %swap3A_489 = arith.constant 0 : index
    %swap3A_490 = arith.constant 0 : index
    %swap3A_491 = arith.constant 0 : index
    %swap3A_492 = arith.constant 88 : index
    %swap3A_493 = vector.load %arg6[%swap3A_489, %swap3A_490, %swap3A_491, %swap3A_492] : memref<1x1x128x128xf32, #tpu.memory_space<vmem>>, vector<1x1x128x8xf32>
    %swap3A_494 = vector.shape_cast %swap3A_493 : vector<1x1x128x8xf32> to vector<128x8xf32>
    %swap3A_495 = vector.shape_cast %sub3A_488 : vector<128x8xf32> to vector<1x1x128x8xf32>
    tpu.vector_store %arg6[%swap3A_489, %swap3A_490, %swap3A_491, %swap3A_492], %swap3A_495 {strides = array<i32>} : memref<1x1x128x128xf32, #tpu.memory_space<vmem>>, vector<1x1x128x8xf32>,
    %convert_element_type3A_496 = arith.fptosi %broadcast_in_dim3A_478 : vector<128x1xf32> to vector<128x1xi32>
    %mul3A_497 = arith.constant 1024 : i32
    %mul3A_498 = arith.muli %arg0, %mul3A_497 : i32
    %add3A_499 = vector.broadcast %mul3A_498 : i32 to vector<128x1xi32>
    %add3A_500 = arith.addi %convert_element_type3A_496, %add3A_499 : vector<128x1xi32>
    %swap3A_501 = arith.constant 0 : index
    %swap3A_502 = arith.constant 0 : index
    %swap3A_503 = arith.constant 0 : index
    %swap3A_504 = arith.constant 11 : index
    %swap3A_505 = vector.load %arg5[%swap3A_501, %swap3A_502, %swap3A_503, %swap3A_504] : memref<1x1x128x16xi32, #tpu.memory_space<vmem>>, vector<1x1x128x1xi32>
    %swap3A_506 = vector.shape_cast %swap3A_505 : vector<1x1x128x1xi32> to vector<128x1xi32>
    %swap3A_507 = vector.shape_cast %add3A_500 : vector<128x1xi32> to vector<1x1x128x1xi32>
    tpu.vector_store %arg5[%swap3A_501, %swap3A_502, %swap3A_503, %swap3A_504], %swap3A_507 {strides = array<i32>} : memref<1x1x128x16xi32, #tpu.memory_space<vmem>>, vector<1x1x128x1xi32>,
    %reduce_min3A_508 = arith.constant dense<0x7F800000> : vector<128xf32>
    %reduce_min3A_509 = vector.multi_reduction <minimumf>, %select_n3A_483, %reduce_min3A_508 [1] : vector<128x1024xf32> to vector<128xf32>
    %broadcast_in_dim3A_510 = vector.shape_cast %reduce_min3A_509 : vector<128xf32> to vector<128x1xf32>
    %eq3A_511 = vector.broadcast %broadcast_in_dim3A_510 : vector<128x1xf32> to vector<128x1024xf32>
    %eq3A_512 = arith.cmpf oeq, %select_n3A_483, %eq3A_511 : vector<128x1024xf32>
    %jit3A_513 = arith.constant 1.024000e+03 : f32
    %broadcast_in_dim3A_514 = vector.broadcast %jit3A_513 : f32 to vector<128x1024xf32>
    %select_n3A_515 = arith.select %eq3A_512, %convert_element_type3A, %broadcast_in_dim3A_514 : vector<128x1024xi1>, vector<128x1024xf32>
    %reduce_min3A_516 = arith.constant dense<0x7F800000> : vector<128xf32>
    %reduce_min3A_517 = vector.multi_reduction <minimumf>, %select_n3A_515, %reduce_min3A_516 [1] : vector<128x1024xf32> to vector<128xf32>
    %broadcast_in_dim3A_518 = vector.shape_cast %reduce_min3A_517 : vector<128xf32> to vector<128x1xf32>
    %eq3A_519 = vector.broadcast %broadcast_in_dim3A_518 : vector<128x1xf32> to vector<128x1024xf32>
    %eq3A_520 = arith.cmpf oeq, %convert_element_type3A, %eq3A_519 : vector<128x1024xf32>
    %jit3A_521 = arith.constant 3.000000e+38 : f32
    %broadcast_in_dim3A_522 = vector.broadcast %jit3A_521 : f32 to vector<128x1024xf32>
    %select_n3A_523 = arith.select %eq3A_520, %broadcast_in_dim3A_522, %select_n3A_483 : vector<128x1024xi1>, vector<128x1024xf32>
    %convert_element_type3A_524 = arith.extui %eq3A_520 : vector<128x1024xi1> to vector<128x1024xi32>
    %convert_element_type3A_525 = arith.sitofp %convert_element_type3A_524 : vector<128x1024xi32> to vector<128x1024xf32>
    %dot_general3A_526 = arith.constant dense<0.000000e+00> : vector<128x8xf32>
    %dot_general3A_527 = tpu.matmul %convert_element_type3A_525, %get3A_13, %dot_general3A_526 {dimension_numbers = #tpu.dot_dimension_numbers<[1], [0], [0], [1], [0, 0, 1, 1], [], []>, transpose_lhs_hint = false} : vector<128x1024xf32>, vector<1024x8xf32>, vector<128x8xf32> -> vector<128x8xf32>
    %sub3A_528 = arith.subf %concatenate3A, %dot_general3A_527 : vector<128x8xf32>
    %swap3A_529 = arith.constant 0 : index
    %swap3A_530 = arith.constant 0 : index
    %swap3A_531 = arith.constant 0 : index
    %swap3A_532 = arith.constant 96 : index
    %swap3A_533 = vector.load %arg6[%swap3A_529, %swap3A_530, %swap3A_531, %swap3A_532] : memref<1x1x128x128xf32, #tpu.memory_space<vmem>>, vector<1x1x128x8xf32>
    %swap3A_534 = vector.shape_cast %swap3A_533 : vector<1x1x128x8xf32> to vector<128x8xf32>
    %swap3A_535 = vector.shape_cast %sub3A_528 : vector<128x8xf32> to vector<1x1x128x8xf32>
    tpu.vector_store %arg6[%swap3A_529, %swap3A_530, %swap3A_531, %swap3A_532], %swap3A_535 {strides = array<i32>} : memref<1x1x128x128xf32, #tpu.memory_space<vmem>>, vector<1x1x128x8xf32>,
    %convert_element_type3A_536 = arith.fptosi %broadcast_in_dim3A_518 : vector<128x1xf32> to vector<128x1xi32>
    %mul3A_537 = arith.constant 1024 : i32
    %mul3A_538 = arith.muli %arg0, %mul3A_537 : i32
    %add3A_539 = vector.broadcast %mul3A_538 : i32 to vector<128x1xi32>
    %add3A_540 = arith.addi %convert_element_type3A_536, %add3A_539 : vector<128x1xi32>
    %swap3A_541 = arith.constant 0 : index
    %swap3A_542 = arith.constant 0 : index
    %swap3A_543 = arith.constant 0 : index
    %swap3A_544 = arith.constant 12 : index
    %swap3A_545 = vector.load %arg5[%swap3A_541, %swap3A_542, %swap3A_543, %swap3A_544] : memref<1x1x128x16xi32, #tpu.memory_space<vmem>>, vector<1x1x128x1xi32>
    %swap3A_546 = vector.shape_cast %swap3A_545 : vector<1x1x128x1xi32> to vector<128x1xi32>
    %swap3A_547 = vector.shape_cast %add3A_540 : vector<128x1xi32> to vector<1x1x128x1xi32>
    tpu.vector_store %arg5[%swap3A_541, %swap3A_542, %swap3A_543, %swap3A_544], %swap3A_547 {strides = array<i32>} : memref<1x1x128x16xi32, #tpu.memory_space<vmem>>, vector<1x1x128x1xi32>,
    %reduce_min3A_548 = arith.constant dense<0x7F800000> : vector<128xf32>
    %reduce_min3A_549 = vector.multi_reduction <minimumf>, %select_n3A_523, %reduce_min3A_548 [1] : vector<128x1024xf32> to vector<128xf32>
    %broadcast_in_dim3A_550 = vector.shape_cast %reduce_min3A_549 : vector<128xf32> to vector<128x1xf32>
    %eq3A_551 = vector.broadcast %broadcast_in_dim3A_550 : vector<128x1xf32> to vector<128x1024xf32>
    %eq3A_552 = arith.cmpf oeq, %select_n3A_523, %eq3A_551 : vector<128x1024xf32>
    %jit3A_553 = arith.constant 1.024000e+03 : f32
    %broadcast_in_dim3A_554 = vector.broadcast %jit3A_553 : f32 to vector<128x1024xf32>
    %select_n3A_555 = arith.select %eq3A_552, %convert_element_type3A, %broadcast_in_dim3A_554 : vector<128x1024xi1>, vector<128x1024xf32>
    %reduce_min3A_556 = arith.constant dense<0x7F800000> : vector<128xf32>
    %reduce_min3A_557 = vector.multi_reduction <minimumf>, %select_n3A_555, %reduce_min3A_556 [1] : vector<128x1024xf32> to vector<128xf32>
    %broadcast_in_dim3A_558 = vector.shape_cast %reduce_min3A_557 : vector<128xf32> to vector<128x1xf32>
    %eq3A_559 = vector.broadcast %broadcast_in_dim3A_558 : vector<128x1xf32> to vector<128x1024xf32>
    %eq3A_560 = arith.cmpf oeq, %convert_element_type3A, %eq3A_559 : vector<128x1024xf32>
    %jit3A_561 = arith.constant 3.000000e+38 : f32
    %broadcast_in_dim3A_562 = vector.broadcast %jit3A_561 : f32 to vector<128x1024xf32>
    %select_n3A_563 = arith.select %eq3A_560, %broadcast_in_dim3A_562, %select_n3A_523 : vector<128x1024xi1>, vector<128x1024xf32>
    %convert_element_type3A_564 = arith.extui %eq3A_560 : vector<128x1024xi1> to vector<128x1024xi32>
    %convert_element_type3A_565 = arith.sitofp %convert_element_type3A_564 : vector<128x1024xi32> to vector<128x1024xf32>
    %dot_general3A_566 = arith.constant dense<0.000000e+00> : vector<128x8xf32>
    %dot_general3A_567 = tpu.matmul %convert_element_type3A_565, %get3A_13, %dot_general3A_566 {dimension_numbers = #tpu.dot_dimension_numbers<[1], [0], [0], [1], [0, 0, 1, 1], [], []>, transpose_lhs_hint = false} : vector<128x1024xf32>, vector<1024x8xf32>, vector<128x8xf32> -> vector<128x8xf32>
    %sub3A_568 = arith.subf %concatenate3A, %dot_general3A_567 : vector<128x8xf32>
    %swap3A_569 = arith.constant 0 : index
    %swap3A_570 = arith.constant 0 : index
    %swap3A_571 = arith.constant 0 : index
    %swap3A_572 = arith.constant 104 : index
    %swap3A_573 = vector.load %arg6[%swap3A_569, %swap3A_570, %swap3A_571, %swap3A_572] : memref<1x1x128x128xf32, #tpu.memory_space<vmem>>, vector<1x1x128x8xf32>
    %swap3A_574 = vector.shape_cast %swap3A_573 : vector<1x1x128x8xf32> to vector<128x8xf32>
    %swap3A_575 = vector.shape_cast %sub3A_568 : vector<128x8xf32> to vector<1x1x128x8xf32>
    tpu.vector_store %arg6[%swap3A_569, %swap3A_570, %swap3A_571, %swap3A_572], %swap3A_575 {strides = array<i32>} : memref<1x1x128x128xf32, #tpu.memory_space<vmem>>, vector<1x1x128x8xf32>,
    %convert_element_type3A_576 = arith.fptosi %broadcast_in_dim3A_558 : vector<128x1xf32> to vector<128x1xi32>
    %mul3A_577 = arith.constant 1024 : i32
    %mul3A_578 = arith.muli %arg0, %mul3A_577 : i32
    %add3A_579 = vector.broadcast %mul3A_578 : i32 to vector<128x1xi32>
    %add3A_580 = arith.addi %convert_element_type3A_576, %add3A_579 : vector<128x1xi32>
    %swap3A_581 = arith.constant 0 : index
    %swap3A_582 = arith.constant 0 : index
    %swap3A_583 = arith.constant 0 : index
    %swap3A_584 = arith.constant 13 : index
    %swap3A_585 = vector.load %arg5[%swap3A_581, %swap3A_582, %swap3A_583, %swap3A_584] : memref<1x1x128x16xi32, #tpu.memory_space<vmem>>, vector<1x1x128x1xi32>
    %swap3A_586 = vector.shape_cast %swap3A_585 : vector<1x1x128x1xi32> to vector<128x1xi32>
    %swap3A_587 = vector.shape_cast %add3A_580 : vector<128x1xi32> to vector<1x1x128x1xi32>
    tpu.vector_store %arg5[%swap3A_581, %swap3A_582, %swap3A_583, %swap3A_584], %swap3A_587 {strides = array<i32>} : memref<1x1x128x16xi32, #tpu.memory_space<vmem>>, vector<1x1x128x1xi32>,
    %reduce_min3A_588 = arith.constant dense<0x7F800000> : vector<128xf32>
    %reduce_min3A_589 = vector.multi_reduction <minimumf>, %select_n3A_563, %reduce_min3A_588 [1] : vector<128x1024xf32> to vector<128xf32>
    %broadcast_in_dim3A_590 = vector.shape_cast %reduce_min3A_589 : vector<128xf32> to vector<128x1xf32>
    %eq3A_591 = vector.broadcast %broadcast_in_dim3A_590 : vector<128x1xf32> to vector<128x1024xf32>
    %eq3A_592 = arith.cmpf oeq, %select_n3A_563, %eq3A_591 : vector<128x1024xf32>
    %jit3A_593 = arith.constant 1.024000e+03 : f32
    %broadcast_in_dim3A_594 = vector.broadcast %jit3A_593 : f32 to vector<128x1024xf32>
    %select_n3A_595 = arith.select %eq3A_592, %convert_element_type3A, %broadcast_in_dim3A_594 : vector<128x1024xi1>, vector<128x1024xf32>
    %reduce_min3A_596 = arith.constant dense<0x7F800000> : vector<128xf32>
    %reduce_min3A_597 = vector.multi_reduction <minimumf>, %select_n3A_595, %reduce_min3A_596 [1] : vector<128x1024xf32> to vector<128xf32>
    %broadcast_in_dim3A_598 = vector.shape_cast %reduce_min3A_597 : vector<128xf32> to vector<128x1xf32>
    %eq3A_599 = vector.broadcast %broadcast_in_dim3A_598 : vector<128x1xf32> to vector<128x1024xf32>
    %eq3A_600 = arith.cmpf oeq, %convert_element_type3A, %eq3A_599 : vector<128x1024xf32>
    %jit3A_601 = arith.constant 3.000000e+38 : f32
    %broadcast_in_dim3A_602 = vector.broadcast %jit3A_601 : f32 to vector<128x1024xf32>
    %select_n3A_603 = arith.select %eq3A_600, %broadcast_in_dim3A_602, %select_n3A_563 : vector<128x1024xi1>, vector<128x1024xf32>
    %convert_element_type3A_604 = arith.extui %eq3A_600 : vector<128x1024xi1> to vector<128x1024xi32>
    %convert_element_type3A_605 = arith.sitofp %convert_element_type3A_604 : vector<128x1024xi32> to vector<128x1024xf32>
    %dot_general3A_606 = arith.constant dense<0.000000e+00> : vector<128x8xf32>
    %dot_general3A_607 = tpu.matmul %convert_element_type3A_605, %get3A_13, %dot_general3A_606 {dimension_numbers = #tpu.dot_dimension_numbers<[1], [0], [0], [1], [0, 0, 1, 1], [], []>, transpose_lhs_hint = false} : vector<128x1024xf32>, vector<1024x8xf32>, vector<128x8xf32> -> vector<128x8xf32>
    %sub3A_608 = arith.subf %concatenate3A, %dot_general3A_607 : vector<128x8xf32>
    %swap3A_609 = arith.constant 0 : index
    %swap3A_610 = arith.constant 0 : index
    %swap3A_611 = arith.constant 0 : index
    %swap3A_612 = arith.constant 112 : index
    %swap3A_613 = vector.load %arg6[%swap3A_609, %swap3A_610, %swap3A_611, %swap3A_612] : memref<1x1x128x128xf32, #tpu.memory_space<vmem>>, vector<1x1x128x8xf32>
    %swap3A_614 = vector.shape_cast %swap3A_613 : vector<1x1x128x8xf32> to vector<128x8xf32>
    %swap3A_615 = vector.shape_cast %sub3A_608 : vector<128x8xf32> to vector<1x1x128x8xf32>
    tpu.vector_store %arg6[%swap3A_609, %swap3A_610, %swap3A_611, %swap3A_612], %swap3A_615 {strides = array<i32>} : memref<1x1x128x128xf32, #tpu.memory_space<vmem>>, vector<1x1x128x8xf32>,
    %convert_element_type3A_616 = arith.fptosi %broadcast_in_dim3A_598 : vector<128x1xf32> to vector<128x1xi32>
    %mul3A_617 = arith.constant 1024 : i32
    %mul3A_618 = arith.muli %arg0, %mul3A_617 : i32
    %add3A_619 = vector.broadcast %mul3A_618 : i32 to vector<128x1xi32>
    %add3A_620 = arith.addi %convert_element_type3A_616, %add3A_619 : vector<128x1xi32>
    %swap3A_621 = arith.constant 0 : index
    %swap3A_622 = arith.constant 0 : index
    %swap3A_623 = arith.constant 0 : index
    %swap3A_624 = arith.constant 14 : index
    %swap3A_625 = vector.load %arg5[%swap3A_621, %swap3A_622, %swap3A_623, %swap3A_624] : memref<1x1x128x16xi32, #tpu.memory_space<vmem>>, vector<1x1x128x1xi32>
    %swap3A_626 = vector.shape_cast %swap3A_625 : vector<1x1x128x1xi32> to vector<128x1xi32>
    %swap3A_627 = vector.shape_cast %add3A_620 : vector<128x1xi32> to vector<1x1x128x1xi32>
    tpu.vector_store %arg5[%swap3A_621, %swap3A_622, %swap3A_623, %swap3A_624], %swap3A_627 {strides = array<i32>} : memref<1x1x128x16xi32, #tpu.memory_space<vmem>>, vector<1x1x128x1xi32>,
    %reduce_min3A_628 = arith.constant dense<0x7F800000> : vector<128xf32>
    %reduce_min3A_629 = vector.multi_reduction <minimumf>, %select_n3A_603, %reduce_min3A_628 [1] : vector<128x1024xf32> to vector<128xf32>
    %broadcast_in_dim3A_630 = vector.shape_cast %reduce_min3A_629 : vector<128xf32> to vector<128x1xf32>
    %eq3A_631 = vector.broadcast %broadcast_in_dim3A_630 : vector<128x1xf32> to vector<128x1024xf32>
    %eq3A_632 = arith.cmpf oeq, %select_n3A_603, %eq3A_631 : vector<128x1024xf32>
    %jit3A_633 = arith.constant 1.024000e+03 : f32
    %broadcast_in_dim3A_634 = vector.broadcast %jit3A_633 : f32 to vector<128x1024xf32>
    %select_n3A_635 = arith.select %eq3A_632, %convert_element_type3A, %broadcast_in_dim3A_634 : vector<128x1024xi1>, vector<128x1024xf32>
    %reduce_min3A_636 = arith.constant dense<0x7F800000> : vector<128xf32>
    %reduce_min3A_637 = vector.multi_reduction <minimumf>, %select_n3A_635, %reduce_min3A_636 [1] : vector<128x1024xf32> to vector<128xf32>
    %broadcast_in_dim3A_638 = vector.shape_cast %reduce_min3A_637 : vector<128xf32> to vector<128x1xf32>
    %eq3A_639 = vector.broadcast %broadcast_in_dim3A_638 : vector<128x1xf32> to vector<128x1024xf32>
    %eq3A_640 = arith.cmpf oeq, %convert_element_type3A, %eq3A_639 : vector<128x1024xf32>
    %convert_element_type3A_641 = arith.extui %eq3A_640 : vector<128x1024xi1> to vector<128x1024xi32>
    %convert_element_type3A_642 = arith.sitofp %convert_element_type3A_641 : vector<128x1024xi32> to vector<128x1024xf32>
    %dot_general3A_643 = arith.constant dense<0.000000e+00> : vector<128x8xf32>
    %dot_general3A_644 = tpu.matmul %convert_element_type3A_642, %get3A_13, %dot_general3A_643 {dimension_numbers = #tpu.dot_dimension_numbers<[1], [0], [0], [1], [0, 0, 1, 1], [], []>, transpose_lhs_hint = false} : vector<128x1024xf32>, vector<1024x8xf32>, vector<128x8xf32> -> vector<128x8xf32>
    %sub3A_645 = arith.subf %concatenate3A, %dot_general3A_644 : vector<128x8xf32>
    %swap3A_646 = arith.constant 0 : index
    %swap3A_647 = arith.constant 0 : index
    %swap3A_648 = arith.constant 0 : index
    %swap3A_649 = arith.constant 120 : index
    %swap3A_650 = vector.load %arg6[%swap3A_646, %swap3A_647, %swap3A_648, %swap3A_649] : memref<1x1x128x128xf32, #tpu.memory_space<vmem>>, vector<1x1x128x8xf32>
    %swap3A_651 = vector.shape_cast %swap3A_650 : vector<1x1x128x8xf32> to vector<128x8xf32>
    %swap3A_652 = vector.shape_cast %sub3A_645 : vector<128x8xf32> to vector<1x1x128x8xf32>
    tpu.vector_store %arg6[%swap3A_646, %swap3A_647, %swap3A_648, %swap3A_649], %swap3A_652 {strides = array<i32>} : memref<1x1x128x128xf32, #tpu.memory_space<vmem>>, vector<1x1x128x8xf32>,
    %convert_element_type3A_653 = arith.fptosi %broadcast_in_dim3A_638 : vector<128x1xf32> to vector<128x1xi32>
    %mul3A_654 = arith.constant 1024 : i32
    %mul3A_655 = arith.muli %arg0, %mul3A_654 : i32
    %add3A_656 = vector.broadcast %mul3A_655 : i32 to vector<128x1xi32>
    %add3A_657 = arith.addi %convert_element_type3A_653, %add3A_656 : vector<128x1xi32>
    %swap3A_658 = arith.constant 0 : index
    %swap3A_659 = arith.constant 0 : index
    %swap3A_660 = arith.constant 0 : index
    %swap3A_661 = arith.constant 15 : index
    %swap3A_662 = vector.load %arg5[%swap3A_658, %swap3A_659, %swap3A_660, %swap3A_661] : memref<1x1x128x16xi32, #tpu.memory_space<vmem>>, vector<1x1x128x1xi32>
    %swap3A_663 = vector.shape_cast %swap3A_662 : vector<1x1x128x1xi32> to vector<128x1xi32>
    %swap3A_664 = vector.shape_cast %add3A_657 : vector<128x1xi32> to vector<1x1x128x1xi32>
    tpu.vector_store %arg5[%swap3A_658, %swap3A_659, %swap3A_660, %swap3A_661], %swap3A_664 {strides = array<i32>} : memref<1x1x128x16xi32, #tpu.memory_space<vmem>>, vector<1x1x128x1xi32>,
    return
  }
  func.func @transform_0(%arg0: i32, %arg1: i32) -> (i32, i32, i32) {
    %c0_i32 = arith.constant 0 : i32
    %c0_i32_0 = arith.constant 0 : i32
    return %arg0, %arg1, %c0_i32 : i32, i32, i32
  }
  func.func @transform_1(%arg0: i32, %arg1: i32) -> (i32, i32, i32) {
    %c0_i32 = arith.constant 0 : i32
    %c0_i32_0 = arith.constant 0 : i32
    %c0_i32_1 = arith.constant 0 : i32
    return %arg0, %c0_i32, %c0_i32_0 : i32, i32, i32
  }
  func.func @transform_2(%arg0: i32, %arg1: i32) -> (i32, i32, i32) {
    %c0_i32 = arith.constant 0 : i32
    %c0_i32_0 = arith.constant 0 : i32
    %c0_i32_1 = arith.constant 0 : i32
    return %arg0, %c0_i32, %c0_i32_0 : i32, i32, i32
  }
  func.func @transform_3(%arg0: i32, %arg1: i32) -> (i32, i32, i32, i32) {
    %c0_i32 = arith.constant 0 : i32
    %c0_i32_0 = arith.constant 0 : i32
    %c0_i32_1 = arith.constant 0 : i32
    return %arg0, %arg1, %c0_i32, %c0_i32_0 : i32, i32, i32, i32
  }
  func.func @transform_4(%arg0: i32, %arg1: i32) -> (i32, i32, i32, i32) {
    %c0_i32 = arith.constant 0 : i32
    %c0_i32_0 = arith.constant 0 : i32
    %c0_i32_1 = arith.constant 0 : i32
    return %arg0, %arg1, %c0_i32, %c0_i32_0 : i32, i32, i32, i32
  }
}

module attributes {stable_mosaic.version = 14 : i64} {
  func.func @_attn(%arg0: i32, %arg1: memref<1x2048x128xf32, #tpu.memory_space<vmem>>, %arg2: memref<1x128x128xf32, #tpu.memory_space<vmem>>, %arg3: memref<1x1x256xf32, #tpu.memory_space<vmem>>, %arg4: memref<8x256xf32, #tpu.memory_space<vmem>>, %arg5: memref<1x256xf32, #tpu.memory_space<vmem>>, %arg6: memref<256x256xf32, #tpu.memory_space<vmem>>, %arg7: memref<1x256xf32, #tpu.memory_space<vmem>>, %arg8: memref<256x256xf32, #tpu.memory_space<vmem>>, %arg9: memref<1x256xf32, #tpu.memory_space<vmem>>, %arg10: memref<256x256xf32, #tpu.memory_space<vmem>>, %arg11: memref<1x256xf32, #tpu.memory_space<vmem>>, %arg12: memref<256x256xf32, #tpu.memory_space<vmem>>, %arg13: memref<256x256xf32, #tpu.memory_space<vmem>>, %arg14: memref<256x256xf32, #tpu.memory_space<vmem>>, %arg15: memref<128x512xf32, #tpu.memory_space<vmem>>, %arg16: memref<128x256xf32, #tpu.memory_space<vmem>>) attributes {dimension_semantics = [#tpu.dimension_semantics<arbitrary>], iteration_bounds = array<i64: 8>, scalar_prefetch = 0 : i64, scratch_operands = 0 : i64, tpu.core_type = #tpu.core_type<tc>, window_params = [{transform_indices = @transform_0, window_bounds = array<i64: 1, 2048, 128>}, {transform_indices = @transform_1, window_bounds = array<i64: 1, 128, 128>}, {pipeline_mode = #tpu.pipeline_mode<synchronous>, transform_indices = @transform_2, window_bounds = array<i64: 1, 1, 256>}, {pipeline_mode = #tpu.pipeline_mode<synchronous>, transform_indices = @transform_3, window_bounds = array<i64: 8, 256>}, {pipeline_mode = #tpu.pipeline_mode<synchronous>, transform_indices = @transform_4, window_bounds = array<i64: 1, 256>}, {pipeline_mode = #tpu.pipeline_mode<synchronous>, transform_indices = @transform_5, window_bounds = array<i64: 256, 256>}, {pipeline_mode = #tpu.pipeline_mode<synchronous>, transform_indices = @transform_6, window_bounds = array<i64: 1, 256>}, {pipeline_mode = #tpu.pipeline_mode<synchronous>, transform_indices = @transform_7, window_bounds = array<i64: 256, 256>}, {pipeline_mode = #tpu.pipeline_mode<synchronous>, transform_indices = @transform_8, window_bounds = array<i64: 1, 256>}, {pipeline_mode = #tpu.pipeline_mode<synchronous>, transform_indices = @transform_9, window_bounds = array<i64: 256, 256>}, {pipeline_mode = #tpu.pipeline_mode<synchronous>, transform_indices = @transform_10, window_bounds = array<i64: 1, 256>}, {pipeline_mode = #tpu.pipeline_mode<synchronous>, transform_indices = @transform_11, window_bounds = array<i64: 256, 256>}, {pipeline_mode = #tpu.pipeline_mode<synchronous>, transform_indices = @transform_12, window_bounds = array<i64: 256, 256>}, {pipeline_mode = #tpu.pipeline_mode<synchronous>, transform_indices = @transform_13, window_bounds = array<i64: 256, 256>}, {pipeline_mode = #tpu.pipeline_mode<synchronous>, transform_indices = @transform_14, window_bounds = array<i64: 128, 512>}, {transform_indices = @transform_15, window_bounds = array<i64: 128, 256>}]} {
    %get3A = arith.constant 0 : index
    %get3A_0 = arith.constant 0 : index
    %get3A_1 = arith.constant 0 : index
    %get3A_2 = vector.load %arg1[%get3A, %get3A_0, %get3A_1] : memref<1x2048x128xf32, #tpu.memory_space<vmem>>, vector<1x2048x128xf32>
    %get3A_3 = vector.shape_cast %get3A_2 : vector<1x2048x128xf32> to vector<2048x128xf32>
    %convert_element_type3A = arith.truncf %get3A_3 : vector<2048x128xf32> to vector<2048x128xbf16>
    %get3A_4 = arith.constant 0 : index
    %get3A_5 = arith.constant 0 : index
    %get3A_6 = vector.load %arg15[%get3A_4, %get3A_5] : memref<128x512xf32, #tpu.memory_space<vmem>>, vector<128x512xf32>
    %convert_element_type3A_7 = arith.truncf %get3A_6 : vector<128x512xf32> to vector<128x512xbf16>
    %dot_general3A = arith.constant dense<0.000000e+00> : vector<2048x512xf32>
    %dot_general3A_8 = tpu.matmul %convert_element_type3A, %convert_element_type3A_7, %dot_general3A {dimension_numbers = #tpu.dot_dimension_numbers<[1], [0], [0], [1], [0, 0, 1, 1], [], []>, transpose_lhs_hint = false} : vector<2048x128xbf16>, vector<128x512xbf16>, vector<2048x512xf32> -> vector<2048x512xf32>
    %slice3A = vector.extract_strided_slice %dot_general3A_8 {offsets = [0, 0], sizes = [2048, 256], strides = [1, 1]} : vector<2048x512xf32> to vector<2048x256xf32>
    %slice3A_9 = vector.extract_strided_slice %dot_general3A_8 {offsets = [0, 256], sizes = [2048, 256], strides = [1, 1]} : vector<2048x512xf32> to vector<2048x256xf32>
    %get3A_10 = arith.constant 0 : index
    %get3A_11 = arith.constant 0 : index
    %get3A_12 = arith.constant 0 : index
    %get3A_13 = vector.load %arg2[%get3A_10, %get3A_11, %get3A_12] : memref<1x128x128xf32, #tpu.memory_space<vmem>>, vector<1x128x128xf32>
    %get3A_14 = vector.shape_cast %get3A_13 : vector<1x128x128xf32> to vector<128x128xf32>
    %slice3A_15 = vector.extract_strided_slice %get3A_14 {offsets = [0, 0], sizes = [128, 8], strides = [1, 1]} : vector<128x128xf32> to vector<128x8xf32>
    %broadcast_in_dim3A = vector.shape_cast %slice3A_15 : vector<128x8xf32> to vector<1x128x8xf32>
    %slice3A_16 = vector.extract_strided_slice %get3A_14 {offsets = [0, 8], sizes = [128, 8], strides = [1, 1]} : vector<128x128xf32> to vector<128x8xf32>
    %broadcast_in_dim3A_17 = vector.shape_cast %slice3A_16 : vector<128x8xf32> to vector<1x128x8xf32>
    %slice3A_18 = vector.extract_strided_slice %get3A_14 {offsets = [0, 16], sizes = [128, 8], strides = [1, 1]} : vector<128x128xf32> to vector<128x8xf32>
    %broadcast_in_dim3A_19 = vector.shape_cast %slice3A_18 : vector<128x8xf32> to vector<1x128x8xf32>
    %slice3A_20 = vector.extract_strided_slice %get3A_14 {offsets = [0, 24], sizes = [128, 8], strides = [1, 1]} : vector<128x128xf32> to vector<128x8xf32>
    %broadcast_in_dim3A_21 = vector.shape_cast %slice3A_20 : vector<128x8xf32> to vector<1x128x8xf32>
    %slice3A_22 = vector.extract_strided_slice %get3A_14 {offsets = [0, 32], sizes = [128, 8], strides = [1, 1]} : vector<128x128xf32> to vector<128x8xf32>
    %broadcast_in_dim3A_23 = vector.shape_cast %slice3A_22 : vector<128x8xf32> to vector<1x128x8xf32>
    %slice3A_24 = vector.extract_strided_slice %get3A_14 {offsets = [0, 40], sizes = [128, 8], strides = [1, 1]} : vector<128x128xf32> to vector<128x8xf32>
    %broadcast_in_dim3A_25 = vector.shape_cast %slice3A_24 : vector<128x8xf32> to vector<1x128x8xf32>
    %slice3A_26 = vector.extract_strided_slice %get3A_14 {offsets = [0, 48], sizes = [128, 8], strides = [1, 1]} : vector<128x128xf32> to vector<128x8xf32>
    %broadcast_in_dim3A_27 = vector.shape_cast %slice3A_26 : vector<128x8xf32> to vector<1x128x8xf32>
    %slice3A_28 = vector.extract_strided_slice %get3A_14 {offsets = [0, 56], sizes = [128, 8], strides = [1, 1]} : vector<128x128xf32> to vector<128x8xf32>
    %broadcast_in_dim3A_29 = vector.shape_cast %slice3A_28 : vector<128x8xf32> to vector<1x128x8xf32>
    %slice3A_30 = vector.extract_strided_slice %get3A_14 {offsets = [0, 64], sizes = [128, 8], strides = [1, 1]} : vector<128x128xf32> to vector<128x8xf32>
    %broadcast_in_dim3A_31 = vector.shape_cast %slice3A_30 : vector<128x8xf32> to vector<1x128x8xf32>
    %slice3A_32 = vector.extract_strided_slice %get3A_14 {offsets = [0, 72], sizes = [128, 8], strides = [1, 1]} : vector<128x128xf32> to vector<128x8xf32>
    %broadcast_in_dim3A_33 = vector.shape_cast %slice3A_32 : vector<128x8xf32> to vector<1x128x8xf32>
    %slice3A_34 = vector.extract_strided_slice %get3A_14 {offsets = [0, 80], sizes = [128, 8], strides = [1, 1]} : vector<128x128xf32> to vector<128x8xf32>
    %broadcast_in_dim3A_35 = vector.shape_cast %slice3A_34 : vector<128x8xf32> to vector<1x128x8xf32>
    %slice3A_36 = vector.extract_strided_slice %get3A_14 {offsets = [0, 88], sizes = [128, 8], strides = [1, 1]} : vector<128x128xf32> to vector<128x8xf32>
    %broadcast_in_dim3A_37 = vector.shape_cast %slice3A_36 : vector<128x8xf32> to vector<1x128x8xf32>
    %slice3A_38 = vector.extract_strided_slice %get3A_14 {offsets = [0, 96], sizes = [128, 8], strides = [1, 1]} : vector<128x128xf32> to vector<128x8xf32>
    %broadcast_in_dim3A_39 = vector.shape_cast %slice3A_38 : vector<128x8xf32> to vector<1x128x8xf32>
    %slice3A_40 = vector.extract_strided_slice %get3A_14 {offsets = [0, 104], sizes = [128, 8], strides = [1, 1]} : vector<128x128xf32> to vector<128x8xf32>
    %broadcast_in_dim3A_41 = vector.shape_cast %slice3A_40 : vector<128x8xf32> to vector<1x128x8xf32>
    %slice3A_42 = vector.extract_strided_slice %get3A_14 {offsets = [0, 112], sizes = [128, 8], strides = [1, 1]} : vector<128x128xf32> to vector<128x8xf32>
    %broadcast_in_dim3A_43 = vector.shape_cast %slice3A_42 : vector<128x8xf32> to vector<1x128x8xf32>
    %slice3A_44 = vector.extract_strided_slice %get3A_14 {offsets = [0, 120], sizes = [128, 8], strides = [1, 1]} : vector<128x128xf32> to vector<128x8xf32>
    %broadcast_in_dim3A_45 = vector.shape_cast %slice3A_44 : vector<128x8xf32> to vector<1x128x8xf32>
    %concatenate3A = tpu.concatenate %broadcast_in_dim3A, %broadcast_in_dim3A_17, %broadcast_in_dim3A_19, %broadcast_in_dim3A_21, %broadcast_in_dim3A_23, %broadcast_in_dim3A_25, %broadcast_in_dim3A_27, %broadcast_in_dim3A_29, %broadcast_in_dim3A_31, %broadcast_in_dim3A_33, %broadcast_in_dim3A_35, %broadcast_in_dim3A_37, %broadcast_in_dim3A_39, %broadcast_in_dim3A_41, %broadcast_in_dim3A_43, %broadcast_in_dim3A_45 in 0 : vector<1x128x8xf32>, vector<1x128x8xf32>, vector<1x128x8xf32>, vector<1x128x8xf32>, vector<1x128x8xf32>, vector<1x128x8xf32>, vector<1x128x8xf32>, vector<1x128x8xf32>, vector<1x128x8xf32>, vector<1x128x8xf32>, vector<1x128x8xf32>, vector<1x128x8xf32>, vector<1x128x8xf32>, vector<1x128x8xf32>, vector<1x128x8xf32>, vector<1x128x8xf32> -> vector<16x128x8xf32>
    %reshape3A = vector.shape_cast %concatenate3A : vector<16x128x8xf32> to vector<2048x8xf32>
    %get3A_46 = arith.constant 0 : index
    %get3A_47 = arith.constant 0 : index
    %get3A_48 = vector.load %arg4[%get3A_46, %get3A_47] : memref<8x256xf32, #tpu.memory_space<vmem>>, vector<8x256xf32>
    %dot_general3A_49 = arith.constant dense<0.000000e+00> : vector<2048x256xf32>
    %dot_general3A_50 = tpu.matmul %reshape3A, %get3A_48, %dot_general3A_49 {dimension_numbers = #tpu.dot_dimension_numbers<[1], [0], [0], [1], [0, 0, 1, 1], [], []>, transpose_lhs_hint = false} : vector<2048x8xf32>, vector<8x256xf32>, vector<2048x256xf32> -> vector<2048x256xf32>
    %get3A_51 = arith.constant 0 : index
    %get3A_52 = arith.constant 0 : index
    %get3A_53 = vector.load %arg5[%get3A_51, %get3A_52] : memref<1x256xf32, #tpu.memory_space<vmem>>, vector<1x256xf32>
    %add3A = vector.broadcast %get3A_53 : vector<1x256xf32> to vector<2048x256xf32>
    %add3A_54 = arith.addf %dot_general3A_50, %add3A : vector<2048x256xf32>
    %max3A = arith.constant 0.000000e+00 : f32
    %max3A_55 = vector.broadcast %max3A : f32 to vector<2048x256xf32>
    %max3A_56 = arith.maximumf %add3A_54, %max3A_55 : vector<2048x256xf32>
    %convert_element_type3A_57 = arith.truncf %max3A_56 : vector<2048x256xf32> to vector<2048x256xbf16>
    %get3A_58 = arith.constant 0 : index
    %get3A_59 = arith.constant 0 : index
    %get3A_60 = vector.load %arg6[%get3A_58, %get3A_59] : memref<256x256xf32, #tpu.memory_space<vmem>>, vector<256x256xf32>
    %convert_element_type3A_61 = arith.truncf %get3A_60 : vector<256x256xf32> to vector<256x256xbf16>
    %dot_general3A_62 = arith.constant dense<0.000000e+00> : vector<2048x256xf32>
    %dot_general3A_63 = tpu.matmul %convert_element_type3A_57, %convert_element_type3A_61, %dot_general3A_62 {dimension_numbers = #tpu.dot_dimension_numbers<[1], [0], [0], [1], [0, 0, 1, 1], [], []>, transpose_lhs_hint = false} : vector<2048x256xbf16>, vector<256x256xbf16>, vector<2048x256xf32> -> vector<2048x256xf32>
    %get3A_64 = arith.constant 0 : index
    %get3A_65 = arith.constant 0 : index
    %get3A_66 = vector.load %arg7[%get3A_64, %get3A_65] : memref<1x256xf32, #tpu.memory_space<vmem>>, vector<1x256xf32>
    %add3A_67 = vector.broadcast %get3A_66 : vector<1x256xf32> to vector<2048x256xf32>
    %add3A_68 = arith.addf %dot_general3A_63, %add3A_67 : vector<2048x256xf32>
    %get3A_69 = arith.constant 0 : index
    %get3A_70 = arith.constant 0 : index
    %get3A_71 = arith.constant 0 : index
    %get3A_72 = vector.load %arg3[%get3A_69, %get3A_70, %get3A_71] : memref<1x1x256xf32, #tpu.memory_space<vmem>>, vector<1x1x256xf32>
    %get3A_73 = vector.shape_cast %get3A_72 : vector<1x1x256xf32> to vector<1x256xf32>
    %get3A_74 = arith.constant 0 : index
    %get3A_75 = arith.constant 0 : index
    %get3A_76 = vector.load %arg14[%get3A_74, %get3A_75] : memref<256x256xf32, #tpu.memory_space<vmem>>, vector<256x256xf32>
    %dot_general3A_77 = arith.constant dense<0.000000e+00> : vector<1x256xf32>
    %dot_general3A_78 = tpu.matmul %get3A_73, %get3A_76, %dot_general3A_77 {dimension_numbers = #tpu.dot_dimension_numbers<[1], [0], [0], [1], [0, 0, 1, 1], [], []>, transpose_lhs_hint = false} : vector<1x256xf32>, vector<256x256xf32>, vector<1x256xf32> -> vector<1x256xf32>
    %get3A_79 = arith.constant 0 : index
    %get3A_80 = arith.constant 0 : index
    %get3A_81 = vector.load %arg12[%get3A_79, %get3A_80] : memref<256x256xf32, #tpu.memory_space<vmem>>, vector<256x256xf32>
    %dot_general3A_82 = arith.constant dense<0.000000e+00> : vector<1x256xf32>
    %dot_general3A_83 = tpu.matmul %get3A_73, %get3A_81, %dot_general3A_82 {dimension_numbers = #tpu.dot_dimension_numbers<[1], [0], [0], [1], [0, 0, 1, 1], [], []>, transpose_lhs_hint = false} : vector<1x256xf32>, vector<256x256xf32>, vector<1x256xf32> -> vector<1x256xf32>
    %get3A_84 = arith.constant 0 : index
    %get3A_85 = arith.constant 0 : index
    %get3A_86 = vector.load %arg13[%get3A_84, %get3A_85] : memref<256x256xf32, #tpu.memory_space<vmem>>, vector<256x256xf32>
    %dot_general3A_87 = arith.constant dense<0.000000e+00> : vector<1x256xf32>
    %dot_general3A_88 = tpu.matmul %get3A_73, %get3A_86, %dot_general3A_87 {dimension_numbers = #tpu.dot_dimension_numbers<[1], [0], [0], [1], [0, 0, 1, 1], [], []>, transpose_lhs_hint = false} : vector<1x256xf32>, vector<256x256xf32>, vector<1x256xf32> -> vector<1x256xf32>
    %sub3A = vector.broadcast %dot_general3A_78 : vector<1x256xf32> to vector<2048x256xf32>
    %sub3A_89 = arith.subf %sub3A, %slice3A : vector<2048x256xf32>
    %add3A_90 = arith.addf %sub3A_89, %add3A_68 : vector<2048x256xf32>
    %convert_element_type3A_91 = arith.truncf %add3A_90 : vector<2048x256xf32> to vector<2048x256xbf16>
    %get3A_92 = arith.constant 0 : index
    %get3A_93 = arith.constant 0 : index
    %get3A_94 = vector.load %arg8[%get3A_92, %get3A_93] : memref<256x256xf32, #tpu.memory_space<vmem>>, vector<256x256xf32>
    %convert_element_type3A_95 = arith.truncf %get3A_94 : vector<256x256xf32> to vector<256x256xbf16>
    %dot_general3A_96 = arith.constant dense<0.000000e+00> : vector<2048x256xf32>
    %dot_general3A_97 = tpu.matmul %convert_element_type3A_91, %convert_element_type3A_95, %dot_general3A_96 {dimension_numbers = #tpu.dot_dimension_numbers<[1], [0], [0], [1], [0, 0, 1, 1], [], []>, transpose_lhs_hint = false} : vector<2048x256xbf16>, vector<256x256xbf16>, vector<2048x256xf32> -> vector<2048x256xf32>
    %get3A_98 = arith.constant 0 : index
    %get3A_99 = arith.constant 0 : index
    %get3A_100 = vector.load %arg9[%get3A_98, %get3A_99] : memref<1x256xf32, #tpu.memory_space<vmem>>, vector<1x256xf32>
    %add3A_101 = vector.broadcast %get3A_100 : vector<1x256xf32> to vector<2048x256xf32>
    %add3A_102 = arith.addf %dot_general3A_97, %add3A_101 : vector<2048x256xf32>
    %max3A_103 = arith.constant 0.000000e+00 : f32
    %max3A_104 = vector.broadcast %max3A_103 : f32 to vector<2048x256xf32>
    %max3A_105 = arith.maximumf %add3A_102, %max3A_104 : vector<2048x256xf32>
    %convert_element_type3A_106 = arith.truncf %max3A_105 : vector<2048x256xf32> to vector<2048x256xbf16>
    %get3A_107 = arith.constant 0 : index
    %get3A_108 = arith.constant 0 : index
    %get3A_109 = vector.load %arg10[%get3A_107, %get3A_108] : memref<256x256xf32, #tpu.memory_space<vmem>>, vector<256x256xf32>
    %convert_element_type3A_110 = arith.truncf %get3A_109 : vector<256x256xf32> to vector<256x256xbf16>
    %dot_general3A_111 = arith.constant dense<0.000000e+00> : vector<2048x256xf32>
    %dot_general3A_112 = tpu.matmul %convert_element_type3A_106, %convert_element_type3A_110, %dot_general3A_111 {dimension_numbers = #tpu.dot_dimension_numbers<[1], [0], [0], [1], [0, 0, 1, 1], [], []>, transpose_lhs_hint = false} : vector<2048x256xbf16>, vector<256x256xbf16>, vector<2048x256xf32> -> vector<2048x256xf32>
    %get3A_113 = arith.constant 0 : index
    %get3A_114 = arith.constant 0 : index
    %get3A_115 = vector.load %arg11[%get3A_113, %get3A_114] : memref<1x256xf32, #tpu.memory_space<vmem>>, vector<1x256xf32>
    %add3A_116 = vector.broadcast %get3A_115 : vector<1x256xf32> to vector<2048x256xf32>
    %add3A_117 = arith.addf %dot_general3A_112, %add3A_116 : vector<2048x256xf32>
    %sub3A_118 = arith.subf %dot_general3A_78, %dot_general3A_83 : vector<1x256xf32>
    %get3A_119 = arith.constant 0 : index
    %get3A_120 = arith.constant 0 : index
    %get3A_121 = vector.load %arg8[%get3A_119, %get3A_120] : memref<256x256xf32, #tpu.memory_space<vmem>>, vector<256x256xf32>
    %dot_general3A_122 = arith.constant dense<0.000000e+00> : vector<1x256xf32>
    %dot_general3A_123 = tpu.matmul %sub3A_118, %get3A_121, %dot_general3A_122 {dimension_numbers = #tpu.dot_dimension_numbers<[1], [0], [0], [1], [0, 0, 1, 1], [], []>, transpose_lhs_hint = false} : vector<1x256xf32>, vector<256x256xf32>, vector<1x256xf32> -> vector<1x256xf32>
    %get3A_124 = arith.constant 0 : index
    %get3A_125 = arith.constant 0 : index
    %get3A_126 = vector.load %arg9[%get3A_124, %get3A_125] : memref<1x256xf32, #tpu.memory_space<vmem>>, vector<1x256xf32>
    %add3A_127 = arith.addf %dot_general3A_123, %get3A_126 : vector<1x256xf32>
    %max3A_128 = arith.constant 0.000000e+00 : f32
    %max3A_129 = vector.broadcast %max3A_128 : f32 to vector<1x256xf32>
    %max3A_130 = arith.maximumf %add3A_127, %max3A_129 : vector<1x256xf32>
    %get3A_131 = arith.constant 0 : index
    %get3A_132 = arith.constant 0 : index
    %get3A_133 = vector.load %arg10[%get3A_131, %get3A_132] : memref<256x256xf32, #tpu.memory_space<vmem>>, vector<256x256xf32>
    %dot_general3A_134 = arith.constant dense<0.000000e+00> : vector<1x256xf32>
    %dot_general3A_135 = tpu.matmul %max3A_130, %get3A_133, %dot_general3A_134 {dimension_numbers = #tpu.dot_dimension_numbers<[1], [0], [0], [1], [0, 0, 1, 1], [], []>, transpose_lhs_hint = false} : vector<1x256xf32>, vector<256x256xf32>, vector<1x256xf32> -> vector<1x256xf32>
    %get3A_136 = arith.constant 0 : index
    %get3A_137 = arith.constant 0 : index
    %get3A_138 = vector.load %arg11[%get3A_136, %get3A_137] : memref<1x256xf32, #tpu.memory_space<vmem>>, vector<1x256xf32>
    %add3A_139 = arith.addf %dot_general3A_135, %get3A_138 : vector<1x256xf32>
    %reshape3A_140 = vector.shape_cast %add3A_117 : vector<2048x256xf32> to vector<16x128x256xf32>
    %add3A_141 = arith.addf %slice3A_9, %add3A_68 : vector<2048x256xf32>
    %reshape3A_142 = vector.shape_cast %add3A_141 : vector<2048x256xf32> to vector<16x128x256xf32>
    %reduce_max3A = arith.constant dense<0xFF800000> : vector<128x256xf32>
    %reduce_max3A_143 = vector.multi_reduction <maximumf>, %reshape3A_140, %reduce_max3A [0] : vector<16x128x256xf32> to vector<128x256xf32>
    %max3A_144 = vector.broadcast %add3A_139 : vector<1x256xf32> to vector<128x256xf32>
    %max3A_145 = arith.maximumf %reduce_max3A_143, %max3A_144 : vector<128x256xf32>
    %broadcast_in_dim3A_146 = vector.shape_cast %max3A_145 : vector<128x256xf32> to vector<1x128x256xf32>
    %sub3A_147 = vector.broadcast %broadcast_in_dim3A_146 : vector<1x128x256xf32> to vector<16x128x256xf32>
    %sub3A_148 = arith.subf %reshape3A_140, %sub3A_147 : vector<16x128x256xf32>
    %exp3A = math.exp %sub3A_148 : vector<16x128x256xf32>
    %reduce_sum3A = arith.constant dense<0.000000e+00> : vector<128x256xf32>
    %reduce_sum3A_149 = vector.multi_reduction <add>, %exp3A, %reduce_sum3A [0] : vector<16x128x256xf32> to vector<128x256xf32>
    %mul3A = arith.mulf %exp3A, %reshape3A_142 : vector<16x128x256xf32>
    %reduce_sum3A_150 = arith.constant dense<0.000000e+00> : vector<128x256xf32>
    %reduce_sum3A_151 = vector.multi_reduction <add>, %mul3A, %reduce_sum3A_150 [0] : vector<16x128x256xf32> to vector<128x256xf32>
    %sub3A_152 = vector.broadcast %add3A_139 : vector<1x256xf32> to vector<128x256xf32>
    %sub3A_153 = arith.subf %sub3A_152, %max3A_145 : vector<128x256xf32>
    %exp3A_154 = math.exp %sub3A_153 : vector<128x256xf32>
    %add3A_155 = arith.addf %reduce_sum3A_149, %exp3A_154 : vector<128x256xf32>
    %mul3A_156 = vector.broadcast %dot_general3A_88 : vector<1x256xf32> to vector<128x256xf32>
    %mul3A_157 = arith.mulf %exp3A_154, %mul3A_156 : vector<128x256xf32>
    %add3A_158 = arith.addf %reduce_sum3A_151, %mul3A_157 : vector<128x256xf32>
    %div3A = arith.divf %add3A_158, %add3A_155 : vector<128x256xf32>
    %swap3A = arith.constant 0 : index
    %swap3A_159 = arith.constant 0 : index
    %swap3A_160 = vector.load %arg16[%swap3A, %swap3A_159] : memref<128x256xf32, #tpu.memory_space<vmem>>, vector<128x256xf32>
    tpu.vector_store %arg16[%swap3A, %swap3A_159], %div3A {strides = array<i32>} : memref<128x256xf32, #tpu.memory_space<vmem>>, vector<128x256xf32>,
    return
  }
  func.func @transform_0(%arg0: i32) -> (i32, i32, i32) {
    %c0_i32 = arith.constant 0 : i32
    %c0_i32_0 = arith.constant 0 : i32
    %c0_i32_1 = arith.constant 0 : i32
    return %arg0, %c0_i32, %c0_i32_0 : i32, i32, i32
  }
  func.func @transform_1(%arg0: i32) -> (i32, i32, i32) {
    %c0_i32 = arith.constant 0 : i32
    %c0_i32_0 = arith.constant 0 : i32
    %c0_i32_1 = arith.constant 0 : i32
    return %arg0, %c0_i32, %c0_i32_0 : i32, i32, i32
  }
  func.func @transform_2(%arg0: i32) -> (i32, i32, i32) {
    %c0_i32 = arith.constant 0 : i32
    %c0_i32_0 = arith.constant 0 : i32
    %c0_i32_1 = arith.constant 0 : i32
    %c0_i32_2 = arith.constant 0 : i32
    return %c0_i32, %c0_i32_0, %c0_i32_1 : i32, i32, i32
  }
  func.func @transform_3(%arg0: i32) -> (i32, i32) {
    %c0_i32 = arith.constant 0 : i32
    %c0_i32_0 = arith.constant 0 : i32
    %c0_i32_1 = arith.constant 0 : i32
    return %c0_i32, %c0_i32_0 : i32, i32
  }
  func.func @transform_4(%arg0: i32) -> (i32, i32) {
    %c0_i32 = arith.constant 0 : i32
    %c0_i32_0 = arith.constant 0 : i32
    %c0_i32_1 = arith.constant 0 : i32
    return %c0_i32, %c0_i32_0 : i32, i32
  }
  func.func @transform_5(%arg0: i32) -> (i32, i32) {
    %c0_i32 = arith.constant 0 : i32
    %c0_i32_0 = arith.constant 0 : i32
    %c0_i32_1 = arith.constant 0 : i32
    return %c0_i32, %c0_i32_0 : i32, i32
  }
  func.func @transform_6(%arg0: i32) -> (i32, i32) {
    %c0_i32 = arith.constant 0 : i32
    %c0_i32_0 = arith.constant 0 : i32
    %c0_i32_1 = arith.constant 0 : i32
    return %c0_i32, %c0_i32_0 : i32, i32
  }
  func.func @transform_7(%arg0: i32) -> (i32, i32) {
    %c0_i32 = arith.constant 0 : i32
    %c0_i32_0 = arith.constant 0 : i32
    %c0_i32_1 = arith.constant 0 : i32
    return %c0_i32, %c0_i32_0 : i32, i32
  }
  func.func @transform_8(%arg0: i32) -> (i32, i32) {
    %c0_i32 = arith.constant 0 : i32
    %c0_i32_0 = arith.constant 0 : i32
    %c0_i32_1 = arith.constant 0 : i32
    return %c0_i32, %c0_i32_0 : i32, i32
  }
  func.func @transform_9(%arg0: i32) -> (i32, i32) {
    %c0_i32 = arith.constant 0 : i32
    %c0_i32_0 = arith.constant 0 : i32
    %c0_i32_1 = arith.constant 0 : i32
    return %c0_i32, %c0_i32_0 : i32, i32
  }
  func.func @transform_10(%arg0: i32) -> (i32, i32) {
    %c0_i32 = arith.constant 0 : i32
    %c0_i32_0 = arith.constant 0 : i32
    %c0_i32_1 = arith.constant 0 : i32
    return %c0_i32, %c0_i32_0 : i32, i32
  }
  func.func @transform_11(%arg0: i32) -> (i32, i32) {
    %c0_i32 = arith.constant 0 : i32
    %c0_i32_0 = arith.constant 0 : i32
    %c0_i32_1 = arith.constant 0 : i32
    return %c0_i32, %c0_i32_0 : i32, i32
  }
  func.func @transform_12(%arg0: i32) -> (i32, i32) {
    %c0_i32 = arith.constant 0 : i32
    %c0_i32_0 = arith.constant 0 : i32
    %c0_i32_1 = arith.constant 0 : i32
    return %c0_i32, %c0_i32_0 : i32, i32
  }
  func.func @transform_13(%arg0: i32) -> (i32, i32) {
    %c0_i32 = arith.constant 0 : i32
    %c0_i32_0 = arith.constant 0 : i32
    %c0_i32_1 = arith.constant 0 : i32
    return %c0_i32, %c0_i32_0 : i32, i32
  }
  func.func @transform_14(%arg0: i32) -> (i32, i32) {
    %c0_i32 = arith.constant 0 : i32
    %c0_i32_0 = arith.constant 0 : i32
    %c0_i32_1 = arith.constant 0 : i32
    return %c0_i32, %c0_i32_0 : i32, i32
  }
  func.func @transform_15(%arg0: i32) -> (i32, i32) {
    %c0_i32 = arith.constant 0 : i32
    %c0_i32_0 = arith.constant 0 : i32
    return %arg0, %c0_i32 : i32, i32
  }
}

</mosaic_0001>

<sc_bundles>
// kernel: kernel.11.cloned.1.call-start
scs
__scs_entry_jumppad:
0x0: {  	(pc) =	sbr.rel $0x88, $3  }
0x1: {  	(tag) =	ssettag $0x0;
	lr =	simm.s32 $0x1  }
0x2: {  	[smem:$0x3F90] =	sst lr;
	_ =	strace $0xD0000000  }
0x3: {  	_ = 	snop  }
0x4: {  	_ = 	snop  }
0x5: {  	_ = 	snop  }
0x6: {  	_ = 	snop  }
0x7: {  	_ = 	snop  }
__scs_overlays_trampoline_lowered:
0x8: {  	[smem:$0x3F9F] =	sst s0  }
0x9: {  	[smem:$0x3FA0] =	sst s1  }
0xa: {  	[smem:$0x3FA1] =	sst s2  }
0xb: {  	[smem:$0x3FA2] =	sst s3  }
0xc: {  	[smem:$0x3FA3] =	sst s4  }
0xd: {  	[smem:$0x3FA4] =	sst s5  }
0xe: {  	[smem:$0x3FA5] =	sst s6  }
0xf: {  	[smem:$0x3FA6] =	sst s7  }
0x10: {  	[smem:$0x3FA7] =	sst s8  }
0x11: {  	[smem:$0x3FA8] =	sst s9;
	s0 =	simm.s32 @!p0 $0x0  }
0x12: {  	s1 =	sld [smem:$0x3F8E];
	s0 =	simm.s32 @p0 $0x1  }
0x13: {  	[smem:$0x3FA9] =	sst s0;
	s0 =	simm.s32 @!p1 $0x0  }
0x14: {  	s2 =	sld [smem:$0x3F8D];
	s0 =	simm.s32 @p1 $0x1  }
0x15: {  	[smem:$0x3FAA] =	sst s0;
	s0 =	simm.s32 @!p2 $0x0  }
0x16: {  	s3 =	sld [smem:$0x3FDB];
	s0 =	simm.s32 @p2 $0x1  }
0x17: {  	s4 =	simm.s32 $0x1BF5;
	[smem:$0x3FAC] =	sst s0  }
0x18: {  	s0 =	sld [smem:$0x3F8F];
	_ =	swait.ge [sflag:s4], $0x0  }
0x19: {  	s7 =	sld [smem:$0x3F90]  }
0x1a: {  	s8 =	sadd.s32 $0xFFFFE003, lr  }
0x1b: {  	s9 =	sadd.s32 $0xFFFFFEF7, lr;
	s5 =	simm.s32 $0xFFFFFFFF;
	p2 =	slt.u32 s8, $0xFFFFF086  }
0x1c: {  	p1 =	slt.u32 s9, $0xF7A;
	s5 =	simm.s32 @!p2 $0x0  }
0x1d: {  	s5 =	simm.s32 @p1 $0x1;
	p0 =	seq.s32 s7, s2  }
0x1e: {  	s7 =	smul.u32 @!p0 $0xF7A, s2;
	p2 =	seq.s32 @!p0 s5, $0x0  }
0x1f: {  	s9 =	smul.u32 $0xF7A, s1;
	s8 =	simm.s32 @!p0 $0x1BF5;
	p2 =	por !p2, p0  }
0x20: {  	[sflag:s8] =	ssyncset.s32 @!p0 $0xFFFFF086;
	s6 =	sadd.s32 @!p0 s3, s7;
	s7 =	simm.s32 @!p0 $0x108  }
0x21: {  	s3 =	sadd.s32 s3, s9;
	s6 =	sadd.s32 @!p0 $0x88, s6;
	s7 =	simm.s32 @p2 $0x1082  }
0x22: {  	[simem:s7], [sflag:s8] =	dma.local @!p0 [hbm:s6], $0xF7A  }
0x23: {  	s9 =	sor.u32 $0xD0000000, s2;
	s6 =	simm.s32 $0x108;
	_ =	swait.ge @!p0 [sflag:s8], $0x0  }
0x24: {  	s3 =	sadd.s32 $0x88, s3;
	s6 =	simm.s32 @!p1 $0x1082;
	[sflag:s4] =	ssyncset.s32 $0xFFFFF086  }
0x25: {  	[simem:s6], [sflag:s4] =	dma.local [hbm:s3], $0xF7A  }
0x26: {  	[smem:$0x3F90] =	sst s1;
	(tag) =	ssettag s2;
	_ =	strace s9  }
0x27: {  	s1 =	sld [smem:$0x3FA0]  }
0x28: {  	s2 =	sld [smem:$0x3FA1]  }
0x29: {  	s4 =	sld [smem:$0x3FA3]  }
0x2a: {  	p0 =	seq.s32 s5, $0x0;
	s5 =	sld [smem:$0x3FA4]  }
0x2b: {  	s6 =	sld [smem:$0x3FA5]  }
0x2c: {  	s7 =	sld [smem:$0x3FA6]  }
0x2d: {  	s3 =	simm.s32 $0x108;
	s8 =	sld [smem:$0x3FA7]  }
0x2e: {  	s3 =	simm.s32 @!p0 $0x1082;
	s9 =	sld [smem:$0x3FA8]  }
0x2f: {  	lr =	sadd.s32 s0, s3;
	s0 =	sld [smem:$0x3F9F]  }
0x30: {  	s3 =	sld [smem:$0x3FA2]  }
0x31: {  	[smem:$0x3FAB] =	sst s10  }
0x32: {  	s10 =	sld [smem:$0x3FA9];
	_ =	sdelay $0x3  }
0x33: {  	p0 =	seq.s32 s10, $0x1;
	s10 =	sld [smem:$0x3FAB];
	_ =	sdelay $0x3  }
0x34: {  	[smem:$0x3FAB] =	sst s10  }
0x35: {  	s10 =	sld [smem:$0x3FAA];
	_ =	sdelay $0x3  }
0x36: {  	p1 =	seq.s32 s10, $0x1;
	s10 =	sld [smem:$0x3FAB];
	_ =	sdelay $0x3  }
0x37: {  	[smem:$0x3FAB] =	sst s10  }
0x38: {  	s10 =	sld [smem:$0x3FAC]  }
0x39: {  	_ = 	snop;
	(pc) =	sbr.ind lr, $3  }
0x3a: {  	_ = 	snop  }
0x3b: {  	_ = 	snop  }
0x3c: {  	p2 =	seq.s32 s10, $0x1;
	s10 =	sld [smem:$0x3FAB]  }
0x3d: {  	_ =	shalt  }
0x3e: {  	_ =	shalt  }
0x3f: {  	_ =	shalt  }
0x40: {  	_ =	shalt  }
0x41: {  	_ =	shalt  }
0x42: {  	_ =	shalt  }
0x43: {  	_ =	shalt  }
0x44: {  	_ =	shalt  }
0x45: {  	_ =	shalt  }
0x46: {  	_ =	shalt  }
0x47: {  	_ =	shalt  }
0x48: {  	_ =	shalt  }
0x49: {  	_ =	shalt  }
0x4a: {  	_ =	shalt  }
0x4b: {  	_ =	shalt  }
0x4c: {  	_ =	shalt  }
0x4d: {  	_ =	shalt  }
0x4e: {  	_ =	shalt  }
0x4f: {  	_ =	shalt  }
0x50: {  	_ =	shalt  }
0x51: {  	_ =	shalt  }
0x52: {  	_ =	shalt  }
0x53: {  	_ =	shalt  }
0x54: {  	_ =	shalt  }
0x55: {  	_ =	shalt  }
0x56: {  	_ =	shalt  }
0x57: {  	_ =	shalt  }
0x58: {  	_ =	shalt  }
0x59: {  	_ =	shalt  }
0x5a: {  	_ =	shalt  }
0x5b: {  	_ =	shalt  }
0x5c: {  	_ =	shalt  }
0x5d: {  	_ =	shalt  }
0x5e: {  	_ =	shalt  }
0x5f: {  	_ =	shalt  }
0x60: {  	_ =	shalt  }
0x61: {  	_ =	shalt  }
0x62: {  	_ =	shalt  }
0x63: {  	_ =	shalt  }
0x64: {  	_ =	shalt  }
0x65: {  	_ =	shalt  }
0x66: {  	_ =	shalt  }
0x67: {  	_ =	shalt  }
0x68: {  	_ =	shalt  }
0x69: {  	_ =	shalt  }
0x6a: {  	_ =	shalt  }
0x6b: {  	_ =	shalt  }
0x6c: {  	_ =	shalt  }
0x6d: {  	_ =	shalt  }
0x6e: {  	_ =	shalt  }
0x6f: {  	_ =	shalt  }
0x70: {  	_ =	shalt  }
0x71: {  	_ =	shalt  }
0x72: {  	_ =	shalt  }
0x73: {  	_ =	shalt  }
0x74: {  	_ =	shalt  }
0x75: {  	_ =	shalt  }
0x76: {  	_ =	shalt  }
0x77: {  	_ =	shalt  }
0x78: {  	_ =	shalt  }
0x79: {  	_ =	shalt  }
0x7a: {  	_ =	shalt  }
0x7b: {  	_ =	shalt  }
0x7c: {  	_ =	shalt  }
0x7d: {  	_ =	shalt  }
0x7e: {  	_ =	shalt  }
0x7f: {  	_ =	shalt  }
0x80: {  	_ =	shalt  }
0x81: {  	_ =	shalt  }
0x82: {  	_ =	shalt  }
0x83: {  	_ =	shalt  }
0x84: {  	_ =	shalt  }
0x85: {  	_ =	shalt  }
0x86: {  	_ =	shalt  }
0x87: {  	_ =	shalt  }
.Lfunc_end0:
.L_simem_size_0:
called_computation_lowered:
.L_overlay_start_0:
0x88: {  	s2 =	sld [smem:$0x3FD9]  }
0x89: {  	s3 =	sld [smem:$0x3FFE];
	_ =	sdelay $0x1  }
0x8a: {  	s1 =	srdreg.scid  }
0x8b: {  	s0 =	sand.u32 $0x1, s1  }
0x8c: {  	s17 =	sshll.u32 s0, $0xA;
	s2 =	sadd.s32 s3, s2  }
0x8d: {  	s2 =	sadd.s32 s2, s17  }
0x8e: {  	[smem:$0x3FB7] =	sst s2  }
0x8f: {  	_ = 	snop  }
0x90: {  	s18 =	sld [smem:$0x3FC6];
	(tm) =	ssettm $0x1  }
0x91: {  	s19 =	sld [smem:$0x3FFB];
	_ =	sdelay $0x3  }
0x92: {  	_ =	strace s19  }
0x93: {  	s2 =	sld [smem:$0x3FFC];
	_ =	sdelay $0x3  }
0x94: {  	_ =	strace s2  }
0x95: {  	s2 =	sld [smem:$0x3FFD];
	_ =	sdelay $0x3  }
0x96: {  	_ =	strace s2  }
0x97: {  	_ =	strace $0x8FFFFFFF  }
0x98: {  	s20 =	sld [smem:$0x3FDB];
	_ =	sdelay $0x1  }
0x99: {  	s4 =	simm.s32 $_scs_section_size  }
0x9a: {  	s5 =	simm.s32 $_size__tile_overlayer_lowered;
	s6 =	simm.s32 $_tile_overlayer_lowered  }
0x9b: {  	s7 =	simm.s32 $0x1BFF;
	s21 =	sshll.u32 s6, $0x1;
	s4 =	sadd.s32 s4, s20  }
0x9c: {  	s22 =	simm.s32 $0x0;
	s5 =	sshll.u32 s5, $0x1;
	s6 =	sadd.s32 s21, s4  }
0x9d: {  	[timem:s22], [sflag:s7] =	dma.local [hbm:s6], s5  }
0x9e: {  	_ =	swait.ge [sflag:s7], s5  }
0x9f: {  	s5 =	ssub.s32 $0x0, s5;
	[sflag:s7] =	ssyncset.done $0x0  }
0xa0: {  	[sflag:s7] =	ssyncadd.s32 s5;
	_ =	sdelay $0x1  }
0xa1: {  	s23 =	simm.s32 $0x1B8B  }
0xa2: {  	_ =	swait.ge [sflag:s23], $0x1  }
0xa3: {  	[sflag:s23] =	ssyncset.done $0x0  }
0xa4: {  	[sflag:s23] =	ssyncadd.s32 $0xFFFFFFFF  }
0xa5: {  	s5 =	sld [smem:$0x0]  }
0xa6: {  	s6 =	sand.u32 $0xFFFFFFFE, s1  }
0xa7: {  	p0 =	sne.s32 s1, s6  }
0xa8: {  	s6 =	sshll.u32 @p0 s6, $0xE  }
0xa9: {  	s6 =	sadd.s32 @p0 $0x11B8D, s6;
	s7 =	sshll.u32 @p0 s5, $0x11  }
0xaa: {  	s6 =	sor.u32 @p0 s7, s6  }
0xab: {  	[sflag:s6] =	ssyncadd.remote.s32 @p0 $0x1;
	_ =	sdelay $0x1  }
0xac: {  	s6 =	simm.s32 @p0 $0x1B8D  }
0xad: {  	_ =	swait.eq @p0 [sflag:s6], $0x1  }
0xae: {  	[sflag:s6] =	ssyncadd.s32 @p0 $0xFFFFFFFF  }
0xaf: {  	s7 =	sshll.u32 @!p0 s1, $0xE  }
0xb0: {  	s7 =	sor.u32 @!p0 $0x4000, s7;
	s6 =	simm.s32 @!p0 $0x1B8D  }
0xb1: {  	s5 =	sshll.u32 @!p0 s5, $0x11;
	s7 =	sadd.s32 @!p0 $0x11B8D, s7;
	_ =	swait.eq @!p0 [sflag:s6], $0x1  }
0xb2: {  	s5 =	sor.u32 @!p0 s5, s7;
	[sflag:s6] =	ssyncadd.s32 @!p0 $0xFFFFFFFF  }
0xb3: {  	s25 =	simm.s32 $0x1B8E;
	s24 =	sld [smem:$0x3FFE];
	[sflag:s5] =	ssyncadd.remote.s32 @!p0 $0x1  }
0xb4: {  	s26 =	simm.s32 $execute0_lowered;
	[smem:$0x3FD2] =	sst s25  }
0xb5: {  	s6 =	sshll.u32 s26, $0x1;
	_ =	strace $0x8000004F;
	[dreg:$0x1] =	wrdreg $0xFFFFFFFF  }
0xb6: {  	s28 =	simm.s32 $_size_execute0_lowered;
	s4 =	sadd.s32 s4, s6;
	[dreg:$0x0] =	wrdreg $0x0  }
0xb7: {  	s6 =	sshll.u32 s28, $0x1;
	[dreg:$0x2] =	wrdreg s4  }
0xb8: {  	[dreg:$0x3] =	wrdreg s6  }
0xb9: {  	[dreg:$0x4] =	wrdreg $0xC0  }
0xba: {  	_ =	task [dreg:s22], $0x5FFFF  }
0xbb: {  	[dreg:$0x1] =	wrdreg $0xFFFFFFFF  }
0xbc: {  	[dreg:$0x0] =	wrdreg $0x60  }
0xbd: {  	[dreg:$0x2] =	wrdreg s18  }
0xbe: {  	[dreg:$0x3] =	wrdreg s24  }
0xbf: {  	[dreg:$0x4] =	wrdreg $0x9  }
0xc0: {  	_ =	task.clear_ibuf [dreg:s22], $0x5FFFF;
	_ =	strace $0x9000004F  }
0xc1: {  	s29 =	simm.s32 $0x9;
	_ =	strace $0x80000051  }
0xc2: {  	_ =	swait.ge [sflag:s29], $0x1  }
0xc3: {  	[sflag:s29] =	ssyncadd.s32 $0xFFFFFFFF  }
0xc4: {  	_ =	strace $0x90000051  }
0xc5: {  	_ =	sfence  }
0xc6: {  	s30 =	sld [smem:$0x0];
	_ =	sdelay $0x2  }
0xc7: {  	s31 =	sshll.u32 s1, $0xD;
	s1 =	sshrl.u32 s1, $0x2  }
0xc8: {  	s4 =	sand.u32 $0x4000, s31;
	s1 =	sadd.s32 s1, s30  }
0xc9: {  	s0 =	sor.u32 s4, s0;
	s1 =	sshll.u32 s1, $0x11  }
0xca: {  	s0 =	sor.u32 s1, s0  }
0xcb: {  	s0 =	sadd.s32 $0x8F2B, s0  }
0xcc: {  	[sflag:s0] =	ssyncadd.remote.s32 $0x1  }
0xcd: {  	_ =	sfence.sel $0xFFFF  }
0xce: {  	[dreg:$0x0] =	wrdreg $0xFFFFFFFF;
	(pc) =	sbr.abs _section_cstart, $3  }
0xcf: {  	[dreg:$0x1] =	wrdreg $0xFFFFFFFF  }
0xd0: {  	_ =	task.clear_ibuf [dreg:s22], $0x2FFFF;
	_ =	strace $0x9FFFFFFF  }
0xd1: {  	(tm) =	ssettm $0x7FFFFFFF  }
tec
execute0_lowered:
.L_overlay_start_1:
0x0: {  	(tag) =	ssettag $0x1  }
0x1: {  	s1 =	srdreg.scid  }
0x2: {  	s2 =	rddreg [dreg:$0x0];
	s0 =	stileid.u32;
	s14 =	sand.u32 $0x1, s1  }
0x3: {  	s8 =	rddreg [dreg:$0x1];
	s4 =	sshll.u32 s0, $0xA;
	s5 =	sshll.u32 s14, $0x9  }
0x4: {  	s3 =	simm.s32 $0x0;
	s1 =	rddreg [dreg:$0x2];
	s13 =	sor.u32 s5, s4  }
0x5: {  	[smem:$0x7FF] =	sst s3;
	s15 =	sadd.s32 $0xC4C00, s8;
	s4 =	sshrl.u32 s13, $0x3  }
0x6: {  	_ =	strace $0x80000050;
	s5 =	sadd.s32 s15, s4;
	s4 =	simm.s32 $0x2  }
0x7: {  	[tilespmem:s3], [sflag:$0x2] =	stream.linear.gather [hbm4b:s5+s3], $0x80, $0x38;
	[tilespmem:$0x4080] =	vst v63  }
0x8: {  	_ =	swait.ge [sflag:s4], $0x80  }
0x9: {  	[sflag:s4] =	ssyncset.done $0x0  }
0xa: {  	s6 =	simm.s32 $0x80;
	s7 =	simm.s32 $0x1;
	[sflag:s4] =	ssyncadd.s32 $0xFFFFFF80  }
0xb: {  	[tilespmem:s6], [sflag:$0x1] =	stream.indirect.gather [hbm4b:s2+s6], $0x80, s3, s6, $0xb8;
	[tilespmem:$0x4080] =	vst v63  }
0xc: {  	_ =	swait.ge [sflag:s7], $0x4000  }
0xd: {  	s16 =	sadd.s32 $0xC5400, s8;
	s29 =	sshll.u32 s13, $0x4;
	[sflag:s7] =	ssyncset.done $0x0  }
0xe: {  	s8 =	sadd.s32 s16, s29;
	[sflag:s7] =	ssyncadd.s32 $0xFFFFC000  }
0xf: {  	[hbm4b:s8+s3] =	stream.linear.scatter [tilespmem:s6], [sflag:$0x2], $0x4000, $0x38;
	[tilespmem:$0x4080] =	vst v63  }
0x10: {  	s10 =	sor.u32 $0x80, s13;
	_ =	swait.ge [sflag:s4], $0x4000  }
0x11: {  	s9 =	sshrl.u32 s10, $0x3;
	[sflag:s4] =	ssyncset.done $0x0  }
0x12: {  	s9 =	sadd.s32 s15, s9;
	[sflag:s4] =	ssyncadd.s32 $0xFFFFC000  }
0x13: {  	[tilespmem:s3], [sflag:$0x2] =	stream.linear.gather [hbm4b:s9+s3], $0x80, $0x38;
	[tilespmem:$0x4080] =	vst v63  }
0x14: {  	_ =	swait.ge [sflag:s4], $0x80  }
0x15: {  	[sflag:s4] =	ssyncset.done $0x0  }
0x16: {  	[sflag:s4] =	ssyncadd.s32 $0xFFFFFF80  }
0x17: {  	[tilespmem:s6], [sflag:$0x1] =	stream.indirect.gather [hbm4b:s2+s6], $0x80, s3, s6, $0xb8;
	[tilespmem:$0x4080] =	vst v63  }
0x18: {  	_ =	swait.ge [sflag:s7], $0x4000  }
0x19: {  	s10 =	sshll.u32 s10, $0x4;
	[sflag:s7] =	ssyncset.done $0x0  }
0x1a: {  	s10 =	sadd.s32 s16, s10;
	[sflag:s7] =	ssyncadd.s32 $0xFFFFC000  }
0x1b: {  	[hbm4b:s10+s3] =	stream.linear.scatter [tilespmem:s6], [sflag:$0x2], $0x4000, $0x38;
	[tilespmem:$0x4080] =	vst v63  }
0x1c: {  	s12 =	sor.u32 $0x100, s13;
	_ =	swait.ge [sflag:s4], $0x4000  }
0x1d: {  	s11 =	sshrl.u32 s12, $0x3;
	[sflag:s4] =	ssyncset.done $0x0  }
0x1e: {  	s11 =	sadd.s32 s15, s11;
	[sflag:s4] =	ssyncadd.s32 $0xFFFFC000  }
0x1f: {  	[tilespmem:s3], [sflag:$0x2] =	stream.linear.gather [hbm4b:s11+s3], $0x80, $0x38;
	[tilespmem:$0x4080] =	vst v63  }
0x20: {  	_ =	swait.ge [sflag:s4], $0x80  }
0x21: {  	[sflag:s4] =	ssyncset.done $0x0  }
0x22: {  	[sflag:s4] =	ssyncadd.s32 $0xFFFFFF80  }
0x23: {  	[tilespmem:s6], [sflag:$0x1] =	stream.indirect.gather [hbm4b:s2+s6], $0x80, s3, s6, $0xb8;
	[tilespmem:$0x4080] =	vst v63  }
0x24: {  	_ =	swait.ge [sflag:s7], $0x4000  }
0x25: {  	s12 =	sshll.u32 s12, $0x4;
	[sflag:s7] =	ssyncset.done $0x0  }
0x26: {  	s12 =	sadd.s32 s16, s12;
	[sflag:s7] =	ssyncadd.s32 $0xFFFFC000  }
0x27: {  	[hbm4b:s12+s3] =	stream.linear.scatter [tilespmem:s6], [sflag:$0x2], $0x4000, $0x38;
	[tilespmem:$0x4080] =	vst v63  }
0x28: {  	s17 =	sor.u32 $0x180, s13;
	_ =	swait.ge [sflag:s4], $0x4000  }
0x29: {  	s13 =	sshrl.u32 s17, $0x3;
	[sflag:s4] =	ssyncset.done $0x0  }
0x2a: {  	s14 =	ssub.s32 $0x2, s14;
	s13 =	sadd.s32 s15, s13;
	[sflag:s4] =	ssyncadd.s32 $0xFFFFC000  }
0x2b: {  	[tilespmem:s3], [sflag:$0x2] =	stream.linear.gather [hbm4b:s13+s3], $0x80, $0x38;
	[tilespmem:$0x4080] =	vst v63  }
0x2c: {  	s30 =	sshrl.u32 s14, $0x1;
	_ =	swait.ge [sflag:s4], $0x80  }
0x2d: {  	s15 =	ssub.s32 s14, s30;
	[sflag:s4] =	ssyncset.done $0x0  }
0x2e: {  	s15 =	smax.u32 s15, $0x1;
	[sflag:s4] =	ssyncadd.s32 $0xFFFFFF80  }
0x2f: {  	[tilespmem:s6], [sflag:$0x1] =	stream.indirect.gather [hbm4b:s2+s6], $0x80, s3, s6, $0xb8;
	[tilespmem:$0x4080] =	vst v63  }
0x30: {  	p0 =	sne.s32 s15, $0x1;
	_ =	swait.ge [sflag:s7], $0x4000  }
.Ltmp0:
0x31: {  	s31 =	sshll.u32 s17, $0x4;
	[sflag:s7] =	ssyncset.done $0x0;
	(pc) =	sbr.rel @!p0 .LBB2_2-.Ltmp0, $4  }
0x32: {  	s14 =	sadd.s32 s16, s31;
	[sflag:s7] =	ssyncadd.s32 $0xFFFFC000  }
0x33: {  	[hbm4b:s14+s3] =	stream.linear.scatter [tilespmem:s6], [sflag:$0x2], $0x4000, $0x38;
	[tilespmem:$0x4080] =	vst v63  }
0x34: {  	_ =	swait.ge [sflag:s4], $0x4000  }
0x35: {  	s15 =	sadd.s32 $0xFFFFFFFF, s15;
	[sflag:s4] =	ssyncset.done $0x0  }
.LBB2_1:
0x36: {  	p0 =	sne.s32 s15, $0x1;
	s15 =	sadd.s32 $0xFFFFFFFF, s15;
	[sflag:s4] =	ssyncadd.s32 $0xFFFFC000  }
0x37: {  	[tilespmem:s3], [sflag:$0x2] =	stream.linear.gather [hbm4b:s5+s3], $0x80, $0x38;
	[tilespmem:$0x4080] =	vst v63  }
0x38: {  	_ =	swait.ge [sflag:s4], $0x80  }
0x39: {  	[sflag:s4] =	ssyncset.done $0x0  }
0x3a: {  	[sflag:s4] =	ssyncadd.s32 $0xFFFFFF80  }
0x3b: {  	[tilespmem:s6], [sflag:$0x1] =	stream.indirect.gather [hbm4b:s2+s6], $0x80, s3, s6, $0xb8;
	[tilespmem:$0x4080] =	vst v63  }
0x3c: {  	_ =	swait.ge [sflag:s7], $0x4000  }
0x3d: {  	[sflag:s7] =	ssyncset.done $0x0  }
0x3e: {  	[sflag:s7] =	ssyncadd.s32 $0xFFFFC000  }
0x3f: {  	[hbm4b:s8+s3] =	stream.linear.scatter [tilespmem:s6], [sflag:$0x2], $0x4000, $0x38;
	[tilespmem:$0x4080] =	vst v63  }
0x40: {  	_ =	swait.ge [sflag:s4], $0x4000  }
0x41: {  	[sflag:s4] =	ssyncset.done $0x0  }
0x42: {  	[sflag:s4] =	ssyncadd.s32 $0xFFFFC000  }
0x43: {  	[tilespmem:s3], [sflag:$0x2] =	stream.linear.gather [hbm4b:s9+s3], $0x80, $0x38;
	[tilespmem:$0x4080] =	vst v63  }
0x44: {  	_ =	swait.ge [sflag:s4], $0x80  }
0x45: {  	[sflag:s4] =	ssyncset.done $0x0  }
0x46: {  	[sflag:s4] =	ssyncadd.s32 $0xFFFFFF80  }
0x47: {  	[tilespmem:s6], [sflag:$0x1] =	stream.indirect.gather [hbm4b:s2+s6], $0x80, s3, s6, $0xb8;
	[tilespmem:$0x4080] =	vst v63  }
0x48: {  	_ =	swait.ge [sflag:s7], $0x4000  }
0x49: {  	[sflag:s7] =	ssyncset.done $0x0  }
0x4a: {  	[sflag:s7] =	ssyncadd.s32 $0xFFFFC000  }
0x4b: {  	[hbm4b:s10+s3] =	stream.linear.scatter [tilespmem:s6], [sflag:$0x2], $0x4000, $0x38;
	[tilespmem:$0x4080] =	vst v63  }
0x4c: {  	_ =	swait.ge [sflag:s4], $0x4000  }
0x4d: {  	[sflag:s4] =	ssyncset.done $0x0  }
0x4e: {  	[sflag:s4] =	ssyncadd.s32 $0xFFFFC000  }
0x4f: {  	[tilespmem:s3], [sflag:$0x2] =	stream.linear.gather [hbm4b:s11+s3], $0x80, $0x38;
	[tilespmem:$0x4080] =	vst v63  }
0x50: {  	_ =	swait.ge [sflag:s4], $0x80  }
0x51: {  	[sflag:s4] =	ssyncset.done $0x0  }
0x52: {  	[sflag:s4] =	ssyncadd.s32 $0xFFFFFF80  }
0x53: {  	[tilespmem:s6], [sflag:$0x1] =	stream.indirect.gather [hbm4b:s2+s6], $0x80, s3, s6, $0xb8;
	[tilespmem:$0x4080] =	vst v63  }
0x54: {  	_ =	swait.ge [sflag:s7], $0x4000  }
0x55: {  	[sflag:s7] =	ssyncset.done $0x0  }
0x56: {  	[sflag:s7] =	ssyncadd.s32 $0xFFFFC000  }
0x57: {  	[hbm4b:s12+s3] =	stream.linear.scatter [tilespmem:s6], [sflag:$0x2], $0x4000, $0x38;
	[tilespmem:$0x4080] =	vst v63  }
0x58: {  	_ =	swait.ge [sflag:s4], $0x4000  }
0x59: {  	[sflag:s4] =	ssyncset.done $0x0  }
0x5a: {  	[sflag:s4] =	ssyncadd.s32 $0xFFFFC000  }
0x5b: {  	[tilespmem:s3], [sflag:$0x2] =	stream.linear.gather [hbm4b:s13+s3], $0x80, $0x38;
	[tilespmem:$0x4080] =	vst v63  }
0x5c: {  	_ =	swait.ge [sflag:s4], $0x80  }
0x5d: {  	[sflag:s4] =	ssyncset.done $0x0  }
0x5e: {  	[sflag:s4] =	ssyncadd.s32 $0xFFFFFF80  }
0x5f: {  	[tilespmem:s6], [sflag:$0x1] =	stream.indirect.gather [hbm4b:s2+s6], $0x80, s3, s6, $0xb8;
	[tilespmem:$0x4080] =	vst v63  }
0x60: {  	_ =	swait.ge [sflag:s7], $0x4000  }
.Ltmp1:
0x61: {  	[sflag:s7] =	ssyncset.done $0x0;
	(pc) =	sbr.rel @p0 .LBB2_1-.Ltmp1, $4  }
0x62: {  	[sflag:s7] =	ssyncadd.s32 $0xFFFFC000  }
0x63: {  	[hbm4b:s14+s3] =	stream.linear.scatter [tilespmem:s6], [sflag:$0x2], $0x4000, $0x38;
	[tilespmem:$0x4080] =	vst v63  }
0x64: {  	_ =	swait.ge [sflag:s4], $0x4000  }
0x65: {  	[sflag:s4] =	ssyncset.done $0x0  }
.LBB2_2:
0x66: {  	[sflag:s4] =	ssyncadd.s32 $0xFFFFC000  }
0x67: {  	_ =	sfence.sel $0x180000  }
0x68: {  	[bflag:$0x0] =	sbarrier.arrive $0xFFFF  }
0x69: {  	p0 =	sne.s32 s0, $0x0;
	_ =	strace $0x90000050  }
0x6a: {  	s0 =	sadd.s32 @!p0 $0x100000, s1;
	[bflag:$0x2] =	sbarrier.arrive $0xFFFF  }
0x6b: {  	[sflag:s0] =	ssyncadd.tile.s32 @!p0 $0x1;
	_ =	shalt  }
.Lfunc_end2:
_tile_overlayer_lowered:
.L_overlay_start_2:
0x6c: {  	(tag) =	ssettag $0x2  }
0x6d: {  	s0 =	rddreg [dreg:$0x0];
	s2 =	stileid.u32  }
0x6e: {  	s1 =	rddreg [dreg:$0x1];
	p0 =	sne.s32 s2, $0x0  }
0x6f: {  	s3 =	rddreg [dreg:$0x2];
	[bflag:$0x3] =	sbarrier.arrive $0xFFFF;
	s2 =	simm.s32 @!p0 $0x1C02  }
0x70: {  	[timem:s3], [sflag:s2] =	dma.local @!p0 [hbm:s0], s1  }
0x71: {  	s0 =	simm.s32 @!p0 $0x2  }
0x72: {  	_ =	swait.ge @!p0 [sflag:s0], s1  }
0x73: {  	s1 =	ssub.s32 @!p0 $0x0, s1;
	[sflag:s0] =	ssyncset.done @!p0 $0x0  }
0x74: {  	[sflag:s0] =	ssyncadd.s32 @!p0 s1  }
0x75: {  	[bflag:$0x3] =	sbarrier.arrive $0xFFFF  }
0x76: {  	_ =	shalt  }

// kernel: kernel.14.cloned.1.call-start
scs
__scs_entry_jumppad:
0x0: {  	(pc) =	sbr.rel $0x88, $3  }
0x1: {  	(tag) =	ssettag $0x0;
	lr =	simm.s32 $0x1  }
0x2: {  	[smem:$0x3F90] =	sst lr;
	_ =	strace $0xD0000000  }
0x3: {  	_ = 	snop  }
0x4: {  	_ = 	snop  }
0x5: {  	_ = 	snop  }
0x6: {  	_ = 	snop  }
0x7: {  	_ = 	snop  }
__scs_overlays_trampoline_lowered:
0x8: {  	[smem:$0x3F9F] =	sst s0  }
0x9: {  	[smem:$0x3FA0] =	sst s1  }
0xa: {  	[smem:$0x3FA1] =	sst s2  }
0xb: {  	[smem:$0x3FA2] =	sst s3  }
0xc: {  	[smem:$0x3FA3] =	sst s4  }
0xd: {  	[smem:$0x3FA4] =	sst s5  }
0xe: {  	[smem:$0x3FA5] =	sst s6  }
0xf: {  	[smem:$0x3FA6] =	sst s7  }
0x10: {  	[smem:$0x3FA7] =	sst s8  }
0x11: {  	[smem:$0x3FA8] =	sst s9;
	s0 =	simm.s32 @!p0 $0x0  }
0x12: {  	s1 =	sld [smem:$0x3F8E];
	s0 =	simm.s32 @p0 $0x1  }
0x13: {  	[smem:$0x3FA9] =	sst s0;
	s0 =	simm.s32 @!p1 $0x0  }
0x14: {  	s2 =	sld [smem:$0x3F8D];
	s0 =	simm.s32 @p1 $0x1  }
0x15: {  	[smem:$0x3FAA] =	sst s0;
	s0 =	simm.s32 @!p2 $0x0  }
0x16: {  	s3 =	sld [smem:$0x3FDB];
	s0 =	simm.s32 @p2 $0x1  }
0x17: {  	s4 =	simm.s32 $0x1BF5;
	[smem:$0x3FAC] =	sst s0  }
0x18: {  	s0 =	sld [smem:$0x3F8F];
	_ =	swait.ge [sflag:s4], $0x0  }
0x19: {  	s7 =	sld [smem:$0x3F90]  }
0x1a: {  	s8 =	sadd.s32 $0xFFFFE003, lr  }
0x1b: {  	s9 =	sadd.s32 $0xFFFFFEF7, lr;
	s5 =	simm.s32 $0xFFFFFFFF;
	p2 =	slt.u32 s8, $0xFFFFF086  }
0x1c: {  	p1 =	slt.u32 s9, $0xF7A;
	s5 =	simm.s32 @!p2 $0x0  }
0x1d: {  	s5 =	simm.s32 @p1 $0x1;
	p0 =	seq.s32 s7, s2  }
0x1e: {  	s7 =	smul.u32 @!p0 $0xF7A, s2;
	p2 =	seq.s32 @!p0 s5, $0x0  }
0x1f: {  	s9 =	smul.u32 $0xF7A, s1;
	s8 =	simm.s32 @!p0 $0x1BF5;
	p2 =	por !p2, p0  }
0x20: {  	[sflag:s8] =	ssyncset.s32 @!p0 $0xFFFFF086;
	s6 =	sadd.s32 @!p0 s3, s7;
	s7 =	simm.s32 @!p0 $0x108  }
0x21: {  	s3 =	sadd.s32 s3, s9;
	s6 =	sadd.s32 @!p0 $0x88, s6;
	s7 =	simm.s32 @p2 $0x1082  }
0x22: {  	[simem:s7], [sflag:s8] =	dma.local @!p0 [hbm:s6], $0xF7A  }
0x23: {  	s9 =	sor.u32 $0xD0000000, s2;
	s6 =	simm.s32 $0x108;
	_ =	swait.ge @!p0 [sflag:s8], $0x0  }
0x24: {  	s3 =	sadd.s32 $0x88, s3;
	s6 =	simm.s32 @!p1 $0x1082;
	[sflag:s4] =	ssyncset.s32 $0xFFFFF086  }
0x25: {  	[simem:s6], [sflag:s4] =	dma.local [hbm:s3], $0xF7A  }
0x26: {  	[smem:$0x3F90] =	sst s1;
	(tag) =	ssettag s2;
	_ =	strace s9  }
0x27: {  	s1 =	sld [smem:$0x3FA0]  }
0x28: {  	s2 =	sld [smem:$0x3FA1]  }
0x29: {  	s4 =	sld [smem:$0x3FA3]  }
0x2a: {  	p0 =	seq.s32 s5, $0x0;
	s5 =	sld [smem:$0x3FA4]  }
0x2b: {  	s6 =	sld [smem:$0x3FA5]  }
0x2c: {  	s7 =	sld [smem:$0x3FA6]  }
0x2d: {  	s3 =	simm.s32 $0x108;
	s8 =	sld [smem:$0x3FA7]  }
0x2e: {  	s3 =	simm.s32 @!p0 $0x1082;
	s9 =	sld [smem:$0x3FA8]  }
0x2f: {  	lr =	sadd.s32 s0, s3;
	s0 =	sld [smem:$0x3F9F]  }
0x30: {  	s3 =	sld [smem:$0x3FA2]  }
0x31: {  	[smem:$0x3FAB] =	sst s10  }
0x32: {  	s10 =	sld [smem:$0x3FA9];
	_ =	sdelay $0x3  }
0x33: {  	p0 =	seq.s32 s10, $0x1;
	s10 =	sld [smem:$0x3FAB];
	_ =	sdelay $0x3  }
0x34: {  	[smem:$0x3FAB] =	sst s10  }
0x35: {  	s10 =	sld [smem:$0x3FAA];
	_ =	sdelay $0x3  }
0x36: {  	p1 =	seq.s32 s10, $0x1;
	s10 =	sld [smem:$0x3FAB];
	_ =	sdelay $0x3  }
0x37: {  	[smem:$0x3FAB] =	sst s10  }
0x38: {  	s10 =	sld [smem:$0x3FAC]  }
0x39: {  	_ = 	snop;
	(pc) =	sbr.ind lr, $3  }
0x3a: {  	_ = 	snop  }
0x3b: {  	_ = 	snop  }
0x3c: {  	p2 =	seq.s32 s10, $0x1;
	s10 =	sld [smem:$0x3FAB]  }
0x3d: {  	_ =	shalt  }
0x3e: {  	_ =	shalt  }
0x3f: {  	_ =	shalt  }
0x40: {  	_ =	shalt  }
0x41: {  	_ =	shalt  }
0x42: {  	_ =	shalt  }
0x43: {  	_ =	shalt  }
0x44: {  	_ =	shalt  }
0x45: {  	_ =	shalt  }
0x46: {  	_ =	shalt  }
0x47: {  	_ =	shalt  }
0x48: {  	_ =	shalt  }
0x49: {  	_ =	shalt  }
0x4a: {  	_ =	shalt  }
0x4b: {  	_ =	shalt  }
0x4c: {  	_ =	shalt  }
0x4d: {  	_ =	shalt  }
0x4e: {  	_ =	shalt  }
0x4f: {  	_ =	shalt  }
0x50: {  	_ =	shalt  }
0x51: {  	_ =	shalt  }
0x52: {  	_ =	shalt  }
0x53: {  	_ =	shalt  }
0x54: {  	_ =	shalt  }
0x55: {  	_ =	shalt  }
0x56: {  	_ =	shalt  }
0x57: {  	_ =	shalt  }
0x58: {  	_ =	shalt  }
0x59: {  	_ =	shalt  }
0x5a: {  	_ =	shalt  }
0x5b: {  	_ =	shalt  }
0x5c: {  	_ =	shalt  }
0x5d: {  	_ =	shalt  }
0x5e: {  	_ =	shalt  }
0x5f: {  	_ =	shalt  }
0x60: {  	_ =	shalt  }
0x61: {  	_ =	shalt  }
0x62: {  	_ =	shalt  }
0x63: {  	_ =	shalt  }
0x64: {  	_ =	shalt  }
0x65: {  	_ =	shalt  }
0x66: {  	_ =	shalt  }
0x67: {  	_ =	shalt  }
0x68: {  	_ =	shalt  }
0x69: {  	_ =	shalt  }
0x6a: {  	_ =	shalt  }
0x6b: {  	_ =	shalt  }
0x6c: {  	_ =	shalt  }
0x6d: {  	_ =	shalt  }
0x6e: {  	_ =	shalt  }
0x6f: {  	_ =	shalt  }
0x70: {  	_ =	shalt  }
0x71: {  	_ =	shalt  }
0x72: {  	_ =	shalt  }
0x73: {  	_ =	shalt  }
0x74: {  	_ =	shalt  }
0x75: {  	_ =	shalt  }
0x76: {  	_ =	shalt  }
0x77: {  	_ =	shalt  }
0x78: {  	_ =	shalt  }
0x79: {  	_ =	shalt  }
0x7a: {  	_ =	shalt  }
0x7b: {  	_ =	shalt  }
0x7c: {  	_ =	shalt  }
0x7d: {  	_ =	shalt  }
0x7e: {  	_ =	shalt  }
0x7f: {  	_ =	shalt  }
0x80: {  	_ =	shalt  }
0x81: {  	_ =	shalt  }
0x82: {  	_ =	shalt  }
0x83: {  	_ =	shalt  }
0x84: {  	_ =	shalt  }
0x85: {  	_ =	shalt  }
0x86: {  	_ =	shalt  }
0x87: {  	_ =	shalt  }
.Lfunc_end0:
.L_simem_size_0:
called_computation.1_lowered:
.L_overlay_start_0:
0x88: {  	s2 =	sld [smem:$0x3FD9]  }
0x89: {  	s3 =	sld [smem:$0x3FFE];
	_ =	sdelay $0x1  }
0x8a: {  	s1 =	srdreg.scid  }
0x8b: {  	s0 =	sand.u32 $0x1, s1  }
0x8c: {  	s17 =	sshll.u32 s0, $0xA;
	s2 =	sadd.s32 s3, s2  }
0x8d: {  	s2 =	sadd.s32 s2, s17  }
0x8e: {  	[smem:$0x3FB7] =	sst s2  }
0x8f: {  	_ = 	snop  }
0x90: {  	s2 =	sld [smem:$0x3FC6];
	(tm) =	ssettm $0x1  }
0x91: {  	s18 =	sld [smem:$0x3FFB];
	_ =	sdelay $0x3  }
0x92: {  	_ =	strace s18  }
0x93: {  	s3 =	sld [smem:$0x3FFC];
	_ =	sdelay $0x3  }
0x94: {  	_ =	strace s3  }
0x95: {  	s3 =	sld [smem:$0x3FFD];
	_ =	sdelay $0x3  }
0x96: {  	_ =	strace s3  }
0x97: {  	_ =	strace $0x8FFFFFFF  }
0x98: {  	s19 =	sld [smem:$0x3FDB];
	_ =	sdelay $0x1  }
0x99: {  	s4 =	simm.s32 $_scs_section_size  }
0x9a: {  	s5 =	simm.s32 $_size__tile_overlayer_lowered;
	s6 =	simm.s32 $_tile_overlayer_lowered  }
0x9b: {  	s22 =	simm.s32 $0x1BFF;
	s21 =	sshll.u32 s6, $0x1;
	s3 =	sadd.s32 s4, s19  }
0x9c: {  	s7 =	simm.s32 $0x0;
	s20 =	sshll.u32 s5, $0x1;
	s5 =	sadd.s32 s21, s3  }
0x9d: {  	[timem:s7], [sflag:s22] =	dma.local [hbm:s5], s20  }
0x9e: {  	_ =	swait.ge [sflag:s22], s20  }
0x9f: {  	s4 =	ssub.s32 $0x0, s20;
	[sflag:s22] =	ssyncset.done $0x0  }
0xa0: {  	[sflag:s22] =	ssyncadd.s32 s4;
	_ =	sdelay $0x1  }
0xa1: {  	s23 =	simm.s32 $0x1B8B  }
0xa2: {  	_ =	swait.ge [sflag:s23], $0x1  }
0xa3: {  	[sflag:s23] =	ssyncset.done $0x0  }
0xa4: {  	s25 =	simm.s32 $0x1B8E;
	s24 =	sld [smem:$0x3FFE];
	[sflag:s23] =	ssyncadd.s32 $0xFFFFFFFF  }
0xa5: {  	s26 =	simm.s32 $execute0_lowered;
	[smem:$0x3FD2] =	sst s25  }
0xa6: {  	s5 =	sshll.u32 s26, $0x1;
	_ =	strace $0x80000046;
	[dreg:$0x1] =	wrdreg $0xFFFFFFFF  }
0xa7: {  	s28 =	simm.s32 $_size_execute0_lowered;
	s3 =	sadd.s32 s3, s5;
	[dreg:$0x0] =	wrdreg $0x0  }
0xa8: {  	s5 =	sshll.u32 s28, $0x1;
	[dreg:$0x2] =	wrdreg s3  }
0xa9: {  	[dreg:$0x3] =	wrdreg s5  }
0xaa: {  	[dreg:$0x4] =	wrdreg $0xC0  }
0xab: {  	_ =	task [dreg:s7], $0x5FFFF  }
0xac: {  	[dreg:$0x1] =	wrdreg $0xFFFFFFFF  }
0xad: {  	[dreg:$0x0] =	wrdreg $0x60  }
0xae: {  	[dreg:$0x2] =	wrdreg s2  }
0xaf: {  	[dreg:$0x3] =	wrdreg s24  }
0xb0: {  	[dreg:$0x4] =	wrdreg $0xA  }
0xb1: {  	_ =	task.clear_ibuf [dreg:s7], $0x5FFFF;
	_ =	strace $0x90000046  }
0xb2: {  	s29 =	simm.s32 $0xA;
	_ =	strace $0x80000048  }
0xb3: {  	_ =	swait.ge [sflag:s29], $0x1  }
0xb4: {  	[sflag:s29] =	ssyncadd.s32 $0xFFFFFFFF  }
0xb5: {  	_ =	strace $0x90000048  }
0xb6: {  	_ =	sfence  }
0xb7: {  	s30 =	sld [smem:$0x0];
	_ =	sdelay $0x2  }
0xb8: {  	s31 =	sshll.u32 s1, $0xD;
	s1 =	sshrl.u32 s1, $0x2  }
0xb9: {  	s3 =	sand.u32 $0x4000, s31;
	s1 =	sadd.s32 s1, s30  }
0xba: {  	s0 =	sor.u32 s3, s0;
	s1 =	sshll.u32 s1, $0x11  }
0xbb: {  	s0 =	sor.u32 s1, s0  }
0xbc: {  	s0 =	sadd.s32 $0x8F2B, s0  }
0xbd: {  	[sflag:s0] =	ssyncadd.remote.s32 $0x1  }
0xbe: {  	_ =	sfence.sel $0xFFFF  }
0xbf: {  	[dreg:$0x0] =	wrdreg $0xFFFFFFFF;
	(pc) =	sbr.abs _section_cstart, $3  }
0xc0: {  	[dreg:$0x1] =	wrdreg $0xFFFFFFFF  }
0xc1: {  	_ =	task.clear_ibuf [dreg:s7], $0x2FFFF;
	_ =	strace $0x9FFFFFFF  }
0xc2: {  	(tm) =	ssettm $0x7FFFFFFF  }
0xc3: {  	_ =	shalt  }
tec
execute0_lowered:
.L_overlay_start_1:
0x0: {  	(tag) =	ssettag $0x1  }
0x1: {  	s1 =	srdreg.scid  }
0x2: {  	s2 =	rddreg [dreg:$0x0];
	s0 =	stileid.u32;
	s14 =	sand.u32 $0x1, s1  }
0x3: {  	s8 =	rddreg [dreg:$0x1];
	s4 =	sshll.u32 s0, $0xA;
	s5 =	sshll.u32 s14, $0x9  }
0x4: {  	s3 =	simm.s32 $0x0;
	s1 =	rddreg [dreg:$0x2];
	s13 =	sor.u32 s5, s4  }
0x5: {  	[smem:$0x7FF] =	sst s3;
	s15 =	sadd.s32 $0x3C00, s8;
	s4 =	sshrl.u32 s13, $0x3  }
0x6: {  	_ =	strace $0x80000047;
	s5 =	sadd.s32 s15, s4;
	s4 =	simm.s32 $0x2  }
0x7: {  	[tilespmem:s3], [sflag:$0x2] =	stream.linear.gather [hbm4b:s5+s3], $0x80, $0x38;
	[tilespmem:$0x4080] =	vst v63  }
0x8: {  	_ =	swait.ge [sflag:s4], $0x80  }
0x9: {  	[sflag:s4] =	ssyncset.done $0x0  }
0xa: {  	s6 =	simm.s32 $0x80;
	s7 =	simm.s32 $0x1;
	[sflag:s4] =	ssyncadd.s32 $0xFFFFFF80  }
0xb: {  	[tilespmem:s6], [sflag:$0x1] =	stream.indirect.gather [hbm4b:s2+s6], $0x80, s3, s6, $0xb8;
	[tilespmem:$0x4080] =	vst v63  }
0xc: {  	_ =	swait.ge [sflag:s7], $0x4000  }
0xd: {  	s16 =	sadd.s32 $0x4400, s8;
	s29 =	sshll.u32 s13, $0x4;
	[sflag:s7] =	ssyncset.done $0x0  }
0xe: {  	s8 =	sadd.s32 s16, s29;
	[sflag:s7] =	ssyncadd.s32 $0xFFFFC000  }
0xf: {  	[hbm4b:s8+s3] =	stream.linear.scatter [tilespmem:s6], [sflag:$0x2], $0x4000, $0x38;
	[tilespmem:$0x4080] =	vst v63  }
0x10: {  	s10 =	sor.u32 $0x80, s13;
	_ =	swait.ge [sflag:s4], $0x4000  }
0x11: {  	s9 =	sshrl.u32 s10, $0x3;
	[sflag:s4] =	ssyncset.done $0x0  }
0x12: {  	s9 =	sadd.s32 s15, s9;
	[sflag:s4] =	ssyncadd.s32 $0xFFFFC000  }
0x13: {  	[tilespmem:s3], [sflag:$0x2] =	stream.linear.gather [hbm4b:s9+s3], $0x80, $0x38;
	[tilespmem:$0x4080] =	vst v63  }
0x14: {  	_ =	swait.ge [sflag:s4], $0x80  }
0x15: {  	[sflag:s4] =	ssyncset.done $0x0  }
0x16: {  	[sflag:s4] =	ssyncadd.s32 $0xFFFFFF80  }
0x17: {  	[tilespmem:s6], [sflag:$0x1] =	stream.indirect.gather [hbm4b:s2+s6], $0x80, s3, s6, $0xb8;
	[tilespmem:$0x4080] =	vst v63  }
0x18: {  	_ =	swait.ge [sflag:s7], $0x4000  }
0x19: {  	s10 =	sshll.u32 s10, $0x4;
	[sflag:s7] =	ssyncset.done $0x0  }
0x1a: {  	s10 =	sadd.s32 s16, s10;
	[sflag:s7] =	ssyncadd.s32 $0xFFFFC000  }
0x1b: {  	[hbm4b:s10+s3] =	stream.linear.scatter [tilespmem:s6], [sflag:$0x2], $0x4000, $0x38;
	[tilespmem:$0x4080] =	vst v63  }
0x1c: {  	s12 =	sor.u32 $0x100, s13;
	_ =	swait.ge [sflag:s4], $0x4000  }
0x1d: {  	s11 =	sshrl.u32 s12, $0x3;
	[sflag:s4] =	ssyncset.done $0x0  }
0x1e: {  	s11 =	sadd.s32 s15, s11;
	[sflag:s4] =	ssyncadd.s32 $0xFFFFC000  }
0x1f: {  	[tilespmem:s3], [sflag:$0x2] =	stream.linear.gather [hbm4b:s11+s3], $0x80, $0x38;
	[tilespmem:$0x4080] =	vst v63  }
0x20: {  	_ =	swait.ge [sflag:s4], $0x80  }
0x21: {  	[sflag:s4] =	ssyncset.done $0x0  }
0x22: {  	[sflag:s4] =	ssyncadd.s32 $0xFFFFFF80  }
0x23: {  	[tilespmem:s6], [sflag:$0x1] =	stream.indirect.gather [hbm4b:s2+s6], $0x80, s3, s6, $0xb8;
	[tilespmem:$0x4080] =	vst v63  }
0x24: {  	_ =	swait.ge [sflag:s7], $0x4000  }
0x25: {  	s12 =	sshll.u32 s12, $0x4;
	[sflag:s7] =	ssyncset.done $0x0  }
0x26: {  	s12 =	sadd.s32 s16, s12;
	[sflag:s7] =	ssyncadd.s32 $0xFFFFC000  }
0x27: {  	[hbm4b:s12+s3] =	stream.linear.scatter [tilespmem:s6], [sflag:$0x2], $0x4000, $0x38;
	[tilespmem:$0x4080] =	vst v63  }
0x28: {  	s17 =	sor.u32 $0x180, s13;
	_ =	swait.ge [sflag:s4], $0x4000  }
0x29: {  	s13 =	sshrl.u32 s17, $0x3;
	[sflag:s4] =	ssyncset.done $0x0  }
0x2a: {  	s14 =	ssub.s32 $0x2, s14;
	s13 =	sadd.s32 s15, s13;
	[sflag:s4] =	ssyncadd.s32 $0xFFFFC000  }
0x2b: {  	[tilespmem:s3], [sflag:$0x2] =	stream.linear.gather [hbm4b:s13+s3], $0x80, $0x38;
	[tilespmem:$0x4080] =	vst v63  }
0x2c: {  	s30 =	sshrl.u32 s14, $0x1;
	_ =	swait.ge [sflag:s4], $0x80  }
0x2d: {  	s15 =	ssub.s32 s14, s30;
	[sflag:s4] =	ssyncset.done $0x0  }
0x2e: {  	s15 =	smax.u32 s15, $0x1;
	[sflag:s4] =	ssyncadd.s32 $0xFFFFFF80  }
0x2f: {  	[tilespmem:s6], [sflag:$0x1] =	stream.indirect.gather [hbm4b:s2+s6], $0x80, s3, s6, $0xb8;
	[tilespmem:$0x4080] =	vst v63  }
0x30: {  	p0 =	sne.s32 s15, $0x1;
	_ =	swait.ge [sflag:s7], $0x4000  }
.Ltmp0:
0x31: {  	s31 =	sshll.u32 s17, $0x4;
	[sflag:s7] =	ssyncset.done $0x0;
	(pc) =	sbr.rel @!p0 .LBB2_2-.Ltmp0, $4  }
0x32: {  	s14 =	sadd.s32 s16, s31;
	[sflag:s7] =	ssyncadd.s32 $0xFFFFC000  }
0x33: {  	[hbm4b:s14+s3] =	stream.linear.scatter [tilespmem:s6], [sflag:$0x2], $0x4000, $0x38;
	[tilespmem:$0x4080] =	vst v63  }
0x34: {  	_ =	swait.ge [sflag:s4], $0x4000  }
0x35: {  	s15 =	sadd.s32 $0xFFFFFFFF, s15;
	[sflag:s4] =	ssyncset.done $0x0  }
.LBB2_1:
0x36: {  	p0 =	sne.s32 s15, $0x1;
	s15 =	sadd.s32 $0xFFFFFFFF, s15;
	[sflag:s4] =	ssyncadd.s32 $0xFFFFC000  }
0x37: {  	[tilespmem:s3], [sflag:$0x2] =	stream.linear.gather [hbm4b:s5+s3], $0x80, $0x38;
	[tilespmem:$0x4080] =	vst v63  }
0x38: {  	_ =	swait.ge [sflag:s4], $0x80  }
0x39: {  	[sflag:s4] =	ssyncset.done $0x0  }
0x3a: {  	[sflag:s4] =	ssyncadd.s32 $0xFFFFFF80  }
0x3b: {  	[tilespmem:s6], [sflag:$0x1] =	stream.indirect.gather [hbm4b:s2+s6], $0x80, s3, s6, $0xb8;
	[tilespmem:$0x4080] =	vst v63  }
0x3c: {  	_ =	swait.ge [sflag:s7], $0x4000  }
0x3d: {  	[sflag:s7] =	ssyncset.done $0x0  }
0x3e: {  	[sflag:s7] =	ssyncadd.s32 $0xFFFFC000  }
0x3f: {  	[hbm4b:s8+s3] =	stream.linear.scatter [tilespmem:s6], [sflag:$0x2], $0x4000, $0x38;
	[tilespmem:$0x4080] =	vst v63  }
0x40: {  	_ =	swait.ge [sflag:s4], $0x4000  }
0x41: {  	[sflag:s4] =	ssyncset.done $0x0  }
0x42: {  	[sflag:s4] =	ssyncadd.s32 $0xFFFFC000  }
0x43: {  	[tilespmem:s3], [sflag:$0x2] =	stream.linear.gather [hbm4b:s9+s3], $0x80, $0x38;
	[tilespmem:$0x4080] =	vst v63  }
0x44: {  	_ =	swait.ge [sflag:s4], $0x80  }
0x45: {  	[sflag:s4] =	ssyncset.done $0x0  }
0x46: {  	[sflag:s4] =	ssyncadd.s32 $0xFFFFFF80  }
0x47: {  	[tilespmem:s6], [sflag:$0x1] =	stream.indirect.gather [hbm4b:s2+s6], $0x80, s3, s6, $0xb8;
	[tilespmem:$0x4080] =	vst v63  }
0x48: {  	_ =	swait.ge [sflag:s7], $0x4000  }
0x49: {  	[sflag:s7] =	ssyncset.done $0x0  }
0x4a: {  	[sflag:s7] =	ssyncadd.s32 $0xFFFFC000  }
0x4b: {  	[hbm4b:s10+s3] =	stream.linear.scatter [tilespmem:s6], [sflag:$0x2], $0x4000, $0x38;
	[tilespmem:$0x4080] =	vst v63  }
0x4c: {  	_ =	swait.ge [sflag:s4], $0x4000  }
0x4d: {  	[sflag:s4] =	ssyncset.done $0x0  }
0x4e: {  	[sflag:s4] =	ssyncadd.s32 $0xFFFFC000  }
0x4f: {  	[tilespmem:s3], [sflag:$0x2] =	stream.linear.gather [hbm4b:s11+s3], $0x80, $0x38;
	[tilespmem:$0x4080] =	vst v63  }
0x50: {  	_ =	swait.ge [sflag:s4], $0x80  }
0x51: {  	[sflag:s4] =	ssyncset.done $0x0  }
0x52: {  	[sflag:s4] =	ssyncadd.s32 $0xFFFFFF80  }
0x53: {  	[tilespmem:s6], [sflag:$0x1] =	stream.indirect.gather [hbm4b:s2+s6], $0x80, s3, s6, $0xb8;
	[tilespmem:$0x4080] =	vst v63  }
0x54: {  	_ =	swait.ge [sflag:s7], $0x4000  }
0x55: {  	[sflag:s7] =	ssyncset.done $0x0  }
0x56: {  	[sflag:s7] =	ssyncadd.s32 $0xFFFFC000  }
0x57: {  	[hbm4b:s12+s3] =	stream.linear.scatter [tilespmem:s6], [sflag:$0x2], $0x4000, $0x38;
	[tilespmem:$0x4080] =	vst v63  }
0x58: {  	_ =	swait.ge [sflag:s4], $0x4000  }
0x59: {  	[sflag:s4] =	ssyncset.done $0x0  }
0x5a: {  	[sflag:s4] =	ssyncadd.s32 $0xFFFFC000  }
0x5b: {  	[tilespmem:s3], [sflag:$0x2] =	stream.linear.gather [hbm4b:s13+s3], $0x80, $0x38;
	[tilespmem:$0x4080] =	vst v63  }
0x5c: {  	_ =	swait.ge [sflag:s4], $0x80  }
0x5d: {  	[sflag:s4] =	ssyncset.done $0x0  }
0x5e: {  	[sflag:s4] =	ssyncadd.s32 $0xFFFFFF80  }
0x5f: {  	[tilespmem:s6], [sflag:$0x1] =	stream.indirect.gather [hbm4b:s2+s6], $0x80, s3, s6, $0xb8;
	[tilespmem:$0x4080] =	vst v63  }
0x60: {  	_ =	swait.ge [sflag:s7], $0x4000  }
.Ltmp1:
0x61: {  	[sflag:s7] =	ssyncset.done $0x0;
	(pc) =	sbr.rel @p0 .LBB2_1-.Ltmp1, $4  }
0x62: {  	[sflag:s7] =	ssyncadd.s32 $0xFFFFC000  }
0x63: {  	[hbm4b:s14+s3] =	stream.linear.scatter [tilespmem:s6], [sflag:$0x2], $0x4000, $0x38;
	[tilespmem:$0x4080] =	vst v63  }
0x64: {  	_ =	swait.ge [sflag:s4], $0x4000  }
0x65: {  	[sflag:s4] =	ssyncset.done $0x0  }
.LBB2_2:
0x66: {  	[sflag:s4] =	ssyncadd.s32 $0xFFFFC000  }
0x67: {  	_ =	sfence.sel $0x180000  }
0x68: {  	[bflag:$0x0] =	sbarrier.arrive $0xFFFF  }
0x69: {  	p0 =	sne.s32 s0, $0x0;
	_ =	strace $0x90000047  }
0x6a: {  	s0 =	sadd.s32 @!p0 $0x100000, s1;
	[bflag:$0x2] =	sbarrier.arrive $0xFFFF  }
0x6b: {  	[sflag:s0] =	ssyncadd.tile.s32 @!p0 $0x1;
	_ =	shalt  }
.Lfunc_end2:
_tile_overlayer_lowered:
.L_overlay_start_2:
0x6c: {  	(tag) =	ssettag $0x2  }
0x6d: {  	s0 =	rddreg [dreg:$0x0];
	s2 =	stileid.u32  }
0x6e: {  	s1 =	rddreg [dreg:$0x1];
	p0 =	sne.s32 s2, $0x0  }
0x6f: {  	s3 =	rddreg [dreg:$0x2];
	[bflag:$0x3] =	sbarrier.arrive $0xFFFF;
	s2 =	simm.s32 @!p0 $0x1C02  }
0x70: {  	[timem:s3], [sflag:s2] =	dma.local @!p0 [hbm:s0], s1  }
0x71: {  	s0 =	simm.s32 @!p0 $0x2  }
0x72: {  	_ =	swait.ge @!p0 [sflag:s0], s1  }
0x73: {  	s1 =	ssub.s32 @!p0 $0x0, s1;
	[sflag:s0] =	ssyncset.done @!p0 $0x0  }
0x74: {  	[sflag:s0] =	ssyncadd.s32 @!p0 s1  }
0x75: {  	[bflag:$0x3] =	sbarrier.arrive $0xFFFF  }
0x76: {  	_ =	shalt  }

// kernel: kernel.17.cloned.1.call-start
scs
__scs_entry_jumppad:
0x0: {  	(pc) =	sbr.rel $0x88, $3  }
0x1: {  	(tag) =	ssettag $0x0;
	lr =	simm.s32 $0x1  }
0x2: {  	[smem:$0x3F90] =	sst lr;
	_ =	strace $0xD0000000  }
0x3: {  	_ = 	snop  }
0x4: {  	_ = 	snop  }
0x5: {  	_ = 	snop  }
0x6: {  	_ = 	snop  }
0x7: {  	_ = 	snop  }
__scs_overlays_trampoline_lowered:
0x8: {  	[smem:$0x3F9F] =	sst s0  }
0x9: {  	[smem:$0x3FA0] =	sst s1  }
0xa: {  	[smem:$0x3FA1] =	sst s2  }
0xb: {  	[smem:$0x3FA2] =	sst s3  }
0xc: {  	[smem:$0x3FA3] =	sst s4  }
0xd: {  	[smem:$0x3FA4] =	sst s5  }
0xe: {  	[smem:$0x3FA5] =	sst s6  }
0xf: {  	[smem:$0x3FA6] =	sst s7  }
0x10: {  	[smem:$0x3FA7] =	sst s8  }
0x11: {  	[smem:$0x3FA8] =	sst s9;
	s0 =	simm.s32 @!p0 $0x0  }
0x12: {  	s1 =	sld [smem:$0x3F8E];
	s0 =	simm.s32 @p0 $0x1  }
0x13: {  	[smem:$0x3FA9] =	sst s0;
	s0 =	simm.s32 @!p1 $0x0  }
0x14: {  	s2 =	sld [smem:$0x3F8D];
	s0 =	simm.s32 @p1 $0x1  }
0x15: {  	[smem:$0x3FAA] =	sst s0;
	s0 =	simm.s32 @!p2 $0x0  }
0x16: {  	s3 =	sld [smem:$0x3FDB];
	s0 =	simm.s32 @p2 $0x1  }
0x17: {  	s4 =	simm.s32 $0x1BF5;
	[smem:$0x3FAC] =	sst s0  }
0x18: {  	s0 =	sld [smem:$0x3F8F];
	_ =	swait.ge [sflag:s4], $0x0  }
0x19: {  	s7 =	sld [smem:$0x3F90]  }
0x1a: {  	s8 =	sadd.s32 $0xFFFFE003, lr  }
0x1b: {  	s9 =	sadd.s32 $0xFFFFFEF7, lr;
	s5 =	simm.s32 $0xFFFFFFFF;
	p2 =	slt.u32 s8, $0xFFFFF086  }
0x1c: {  	p1 =	slt.u32 s9, $0xF7A;
	s5 =	simm.s32 @!p2 $0x0  }
0x1d: {  	s5 =	simm.s32 @p1 $0x1;
	p0 =	seq.s32 s7, s2  }
0x1e: {  	s7 =	smul.u32 @!p0 $0xF7A, s2;
	p2 =	seq.s32 @!p0 s5, $0x0  }
0x1f: {  	s9 =	smul.u32 $0xF7A, s1;
	s8 =	simm.s32 @!p0 $0x1BF5;
	p2 =	por !p2, p0  }
0x20: {  	[sflag:s8] =	ssyncset.s32 @!p0 $0xFFFFF086;
	s6 =	sadd.s32 @!p0 s3, s7;
	s7 =	simm.s32 @!p0 $0x108  }
0x21: {  	s3 =	sadd.s32 s3, s9;
	s6 =	sadd.s32 @!p0 $0x88, s6;
	s7 =	simm.s32 @p2 $0x1082  }
0x22: {  	[simem:s7], [sflag:s8] =	dma.local @!p0 [hbm:s6], $0xF7A  }
0x23: {  	s9 =	sor.u32 $0xD0000000, s2;
	s6 =	simm.s32 $0x108;
	_ =	swait.ge @!p0 [sflag:s8], $0x0  }
0x24: {  	s3 =	sadd.s32 $0x88, s3;
	s6 =	simm.s32 @!p1 $0x1082;
	[sflag:s4] =	ssyncset.s32 $0xFFFFF086  }
0x25: {  	[simem:s6], [sflag:s4] =	dma.local [hbm:s3], $0xF7A  }
0x26: {  	[smem:$0x3F90] =	sst s1;
	(tag) =	ssettag s2;
	_ =	strace s9  }
0x27: {  	s1 =	sld [smem:$0x3FA0]  }
0x28: {  	s2 =	sld [smem:$0x3FA1]  }
0x29: {  	s4 =	sld [smem:$0x3FA3]  }
0x2a: {  	p0 =	seq.s32 s5, $0x0;
	s5 =	sld [smem:$0x3FA4]  }
0x2b: {  	s6 =	sld [smem:$0x3FA5]  }
0x2c: {  	s7 =	sld [smem:$0x3FA6]  }
0x2d: {  	s3 =	simm.s32 $0x108;
	s8 =	sld [smem:$0x3FA7]  }
0x2e: {  	s3 =	simm.s32 @!p0 $0x1082;
	s9 =	sld [smem:$0x3FA8]  }
0x2f: {  	lr =	sadd.s32 s0, s3;
	s0 =	sld [smem:$0x3F9F]  }
0x30: {  	s3 =	sld [smem:$0x3FA2]  }
0x31: {  	[smem:$0x3FAB] =	sst s10  }
0x32: {  	s10 =	sld [smem:$0x3FA9];
	_ =	sdelay $0x3  }
0x33: {  	p0 =	seq.s32 s10, $0x1;
	s10 =	sld [smem:$0x3FAB];
	_ =	sdelay $0x3  }
0x34: {  	[smem:$0x3FAB] =	sst s10  }
0x35: {  	s10 =	sld [smem:$0x3FAA];
	_ =	sdelay $0x3  }
0x36: {  	p1 =	seq.s32 s10, $0x1;
	s10 =	sld [smem:$0x3FAB];
	_ =	sdelay $0x3  }
0x37: {  	[smem:$0x3FAB] =	sst s10  }
0x38: {  	s10 =	sld [smem:$0x3FAC]  }
0x39: {  	_ = 	snop;
	(pc) =	sbr.ind lr, $3  }
0x3a: {  	_ = 	snop  }
0x3b: {  	_ = 	snop  }
0x3c: {  	p2 =	seq.s32 s10, $0x1;
	s10 =	sld [smem:$0x3FAB]  }
0x3d: {  	_ =	shalt  }
0x3e: {  	_ =	shalt  }
0x3f: {  	_ =	shalt  }
0x40: {  	_ =	shalt  }
0x41: {  	_ =	shalt  }
0x42: {  	_ =	shalt  }
0x43: {  	_ =	shalt  }
0x44: {  	_ =	shalt  }
0x45: {  	_ =	shalt  }
0x46: {  	_ =	shalt  }
0x47: {  	_ =	shalt  }
0x48: {  	_ =	shalt  }
0x49: {  	_ =	shalt  }
0x4a: {  	_ =	shalt  }
0x4b: {  	_ =	shalt  }
0x4c: {  	_ =	shalt  }
0x4d: {  	_ =	shalt  }
0x4e: {  	_ =	shalt  }
0x4f: {  	_ =	shalt  }
0x50: {  	_ =	shalt  }
0x51: {  	_ =	shalt  }
0x52: {  	_ =	shalt  }
0x53: {  	_ =	shalt  }
0x54: {  	_ =	shalt  }
0x55: {  	_ =	shalt  }
0x56: {  	_ =	shalt  }
0x57: {  	_ =	shalt  }
0x58: {  	_ =	shalt  }
0x59: {  	_ =	shalt  }
0x5a: {  	_ =	shalt  }
0x5b: {  	_ =	shalt  }
0x5c: {  	_ =	shalt  }
0x5d: {  	_ =	shalt  }
0x5e: {  	_ =	shalt  }
0x5f: {  	_ =	shalt  }
0x60: {  	_ =	shalt  }
0x61: {  	_ =	shalt  }
0x62: {  	_ =	shalt  }
0x63: {  	_ =	shalt  }
0x64: {  	_ =	shalt  }
0x65: {  	_ =	shalt  }
0x66: {  	_ =	shalt  }
0x67: {  	_ =	shalt  }
0x68: {  	_ =	shalt  }
0x69: {  	_ =	shalt  }
0x6a: {  	_ =	shalt  }
0x6b: {  	_ =	shalt  }
0x6c: {  	_ =	shalt  }
0x6d: {  	_ =	shalt  }
0x6e: {  	_ =	shalt  }
0x6f: {  	_ =	shalt  }
0x70: {  	_ =	shalt  }
0x71: {  	_ =	shalt  }
0x72: {  	_ =	shalt  }
0x73: {  	_ =	shalt  }
0x74: {  	_ =	shalt  }
0x75: {  	_ =	shalt  }
0x76: {  	_ =	shalt  }
0x77: {  	_ =	shalt  }
0x78: {  	_ =	shalt  }
0x79: {  	_ =	shalt  }
0x7a: {  	_ =	shalt  }
0x7b: {  	_ =	shalt  }
0x7c: {  	_ =	shalt  }
0x7d: {  	_ =	shalt  }
0x7e: {  	_ =	shalt  }
0x7f: {  	_ =	shalt  }
0x80: {  	_ =	shalt  }
0x81: {  	_ =	shalt  }
0x82: {  	_ =	shalt  }
0x83: {  	_ =	shalt  }
0x84: {  	_ =	shalt  }
0x85: {  	_ =	shalt  }
0x86: {  	_ =	shalt  }
0x87: {  	_ =	shalt  }
.Lfunc_end0:
.L_simem_size_0:
called_computation.2_lowered:
.L_overlay_start_0:
0x88: {  	s2 =	sld [smem:$0x3FD9]  }
0x89: {  	s3 =	sld [smem:$0x3FFE];
	_ =	sdelay $0x1  }
0x8a: {  	s1 =	srdreg.scid  }
0x8b: {  	s0 =	sand.u32 $0x1, s1  }
0x8c: {  	s17 =	sshll.u32 s0, $0xA;
	s2 =	sadd.s32 s3, s2  }
0x8d: {  	s2 =	sadd.s32 s2, s17  }
0x8e: {  	[smem:$0x3FB7] =	sst s2  }
0x8f: {  	_ = 	snop  }
0x90: {  	s18 =	sld [smem:$0x3FC6];
	(tm) =	ssettm $0x1  }
0x91: {  	s19 =	sld [smem:$0x3FFB];
	_ =	sdelay $0x3  }
0x92: {  	_ =	strace s19  }
0x93: {  	s2 =	sld [smem:$0x3FFC];
	_ =	sdelay $0x3  }
0x94: {  	_ =	strace s2  }
0x95: {  	s2 =	sld [smem:$0x3FFD];
	_ =	sdelay $0x3  }
0x96: {  	_ =	strace s2  }
0x97: {  	_ =	strace $0x8FFFFFFF  }
0x98: {  	s20 =	sld [smem:$0x3FDB];
	_ =	sdelay $0x1  }
0x99: {  	s4 =	simm.s32 $_scs_section_size  }
0x9a: {  	s5 =	simm.s32 $_size__tile_overlayer_lowered;
	s6 =	simm.s32 $_tile_overlayer_lowered  }
0x9b: {  	s7 =	simm.s32 $0x1BFF;
	s21 =	sshll.u32 s6, $0x1;
	s4 =	sadd.s32 s4, s20  }
0x9c: {  	s22 =	simm.s32 $0x0;
	s5 =	sshll.u32 s5, $0x1;
	s6 =	sadd.s32 s21, s4  }
0x9d: {  	[timem:s22], [sflag:s7] =	dma.local [hbm:s6], s5  }
0x9e: {  	_ =	swait.ge [sflag:s7], s5  }
0x9f: {  	s5 =	ssub.s32 $0x0, s5;
	[sflag:s7] =	ssyncset.done $0x0  }
0xa0: {  	[sflag:s7] =	ssyncadd.s32 s5;
	_ =	sdelay $0x1  }
0xa1: {  	s23 =	simm.s32 $0x1B8B  }
0xa2: {  	_ =	swait.ge [sflag:s23], $0x1  }
0xa3: {  	[sflag:s23] =	ssyncset.done $0x0  }
0xa4: {  	[sflag:s23] =	ssyncadd.s32 $0xFFFFFFFF  }
0xa5: {  	s5 =	sld [smem:$0x0]  }
0xa6: {  	s6 =	sand.u32 $0xFFFFFFFE, s1  }
0xa7: {  	p0 =	sne.s32 s1, s6  }
0xa8: {  	s6 =	sshll.u32 @p0 s6, $0xE  }
0xa9: {  	s6 =	sadd.s32 @p0 $0x11B8D, s6;
	s7 =	sshll.u32 @p0 s5, $0x11  }
0xaa: {  	s6 =	sor.u32 @p0 s7, s6  }
0xab: {  	[sflag:s6] =	ssyncadd.remote.s32 @p0 $0x1;
	_ =	sdelay $0x1  }
0xac: {  	s6 =	simm.s32 @p0 $0x1B8D  }
0xad: {  	_ =	swait.eq @p0 [sflag:s6], $0x1  }
0xae: {  	[sflag:s6] =	ssyncadd.s32 @p0 $0xFFFFFFFF  }
0xaf: {  	s7 =	sshll.u32 @!p0 s1, $0xE  }
0xb0: {  	s7 =	sor.u32 @!p0 $0x4000, s7;
	s6 =	simm.s32 @!p0 $0x1B8D  }
0xb1: {  	s5 =	sshll.u32 @!p0 s5, $0x11;
	s7 =	sadd.s32 @!p0 $0x11B8D, s7;
	_ =	swait.eq @!p0 [sflag:s6], $0x1  }
0xb2: {  	s5 =	sor.u32 @!p0 s5, s7;
	[sflag:s6] =	ssyncadd.s32 @!p0 $0xFFFFFFFF  }
0xb3: {  	s25 =	simm.s32 $0x1B8E;
	s24 =	sld [smem:$0x3FFE];
	[sflag:s5] =	ssyncadd.remote.s32 @!p0 $0x1  }
0xb4: {  	s26 =	simm.s32 $execute0_lowered;
	[smem:$0x3FD2] =	sst s25  }
0xb5: {  	s6 =	sshll.u32 s26, $0x1;
	_ =	strace $0x80000049;
	[dreg:$0x1] =	wrdreg $0xFFFFFFFF  }
0xb6: {  	s28 =	simm.s32 $_size_execute0_lowered;
	s4 =	sadd.s32 s4, s6;
	[dreg:$0x0] =	wrdreg $0x0  }
0xb7: {  	s6 =	sshll.u32 s28, $0x1;
	[dreg:$0x2] =	wrdreg s4  }
0xb8: {  	[dreg:$0x3] =	wrdreg s6  }
0xb9: {  	[dreg:$0x4] =	wrdreg $0xC0  }
0xba: {  	_ =	task [dreg:s22], $0x5FFFF  }
0xbb: {  	[dreg:$0x1] =	wrdreg $0xFFFFFFFF  }
0xbc: {  	[dreg:$0x0] =	wrdreg $0x60  }
0xbd: {  	[dreg:$0x2] =	wrdreg s18  }
0xbe: {  	[dreg:$0x3] =	wrdreg s24  }
0xbf: {  	[dreg:$0x4] =	wrdreg $0xB  }
0xc0: {  	_ =	task.clear_ibuf [dreg:s22], $0x5FFFF;
	_ =	strace $0x90000049  }
0xc1: {  	s29 =	simm.s32 $0xB;
	_ =	strace $0x8000004B  }
0xc2: {  	_ =	swait.ge [sflag:s29], $0x1  }
0xc3: {  	[sflag:s29] =	ssyncadd.s32 $0xFFFFFFFF  }
0xc4: {  	_ =	strace $0x9000004B  }
0xc5: {  	_ =	sfence  }
0xc6: {  	s30 =	sld [smem:$0x0];
	_ =	sdelay $0x2  }
0xc7: {  	s31 =	sshll.u32 s1, $0xD;
	s1 =	sshrl.u32 s1, $0x2  }
0xc8: {  	s4 =	sand.u32 $0x4000, s31;
	s1 =	sadd.s32 s1, s30  }
0xc9: {  	s0 =	sor.u32 s4, s0;
	s1 =	sshll.u32 s1, $0x11  }
0xca: {  	s0 =	sor.u32 s1, s0  }
0xcb: {  	s0 =	sadd.s32 $0x8F2B, s0  }
0xcc: {  	[sflag:s0] =	ssyncadd.remote.s32 $0x1  }
0xcd: {  	_ =	sfence.sel $0xFFFF  }
0xce: {  	[dreg:$0x0] =	wrdreg $0xFFFFFFFF;
	(pc) =	sbr.abs _section_cstart, $3  }
0xcf: {  	[dreg:$0x1] =	wrdreg $0xFFFFFFFF  }
0xd0: {  	_ =	task.clear_ibuf [dreg:s22], $0x2FFFF;
	_ =	strace $0x9FFFFFFF  }
0xd1: {  	(tm) =	ssettm $0x7FFFFFFF  }
tec
execute0_lowered:
.L_overlay_start_1:
0x0: {  	(tag) =	ssettag $0x1  }
0x1: {  	s1 =	srdreg.scid  }
0x2: {  	s2 =	rddreg [dreg:$0x0];
	s0 =	stileid.u32;
	s14 =	sand.u32 $0x1, s1  }
0x3: {  	s8 =	rddreg [dreg:$0x1];
	s4 =	sshll.u32 s0, $0xA;
	s5 =	sshll.u32 s14, $0x9  }
0x4: {  	s3 =	simm.s32 $0x0;
	s1 =	rddreg [dreg:$0x2];
	s13 =	sor.u32 s5, s4  }
0x5: {  	[smem:$0x7FF] =	sst s3;
	s15 =	sadd.s32 $0x44400, s8;
	s4 =	sshrl.u32 s13, $0x3  }
0x6: {  	_ =	strace $0x8000004A;
	s5 =	sadd.s32 s15, s4;
	s4 =	simm.s32 $0x2  }
0x7: {  	[tilespmem:s3], [sflag:$0x2] =	stream.linear.gather [hbm4b:s5+s3], $0x80, $0x38;
	[tilespmem:$0x4080] =	vst v63  }
0x8: {  	_ =	swait.ge [sflag:s4], $0x80  }
0x9: {  	[sflag:s4] =	ssyncset.done $0x0  }
0xa: {  	s6 =	simm.s32 $0x80;
	s7 =	simm.s32 $0x1;
	[sflag:s4] =	ssyncadd.s32 $0xFFFFFF80  }
0xb: {  	[tilespmem:s6], [sflag:$0x1] =	stream.indirect.gather [hbm4b:s2+s6], $0x80, s3, s6, $0xb8;
	[tilespmem:$0x4080] =	vst v63  }
0xc: {  	_ =	swait.ge [sflag:s7], $0x4000  }
0xd: {  	s16 =	sadd.s32 $0x44C00, s8;
	s29 =	sshll.u32 s13, $0x4;
	[sflag:s7] =	ssyncset.done $0x0  }
0xe: {  	s8 =	sadd.s32 s16, s29;
	[sflag:s7] =	ssyncadd.s32 $0xFFFFC000  }
0xf: {  	[hbm4b:s8+s3] =	stream.linear.scatter [tilespmem:s6], [sflag:$0x2], $0x4000, $0x38;
	[tilespmem:$0x4080] =	vst v63  }
0x10: {  	s10 =	sor.u32 $0x80, s13;
	_ =	swait.ge [sflag:s4], $0x4000  }
0x11: {  	s9 =	sshrl.u32 s10, $0x3;
	[sflag:s4] =	ssyncset.done $0x0  }
0x12: {  	s9 =	sadd.s32 s15, s9;
	[sflag:s4] =	ssyncadd.s32 $0xFFFFC000  }
0x13: {  	[tilespmem:s3], [sflag:$0x2] =	stream.linear.gather [hbm4b:s9+s3], $0x80, $0x38;
	[tilespmem:$0x4080] =	vst v63  }
0x14: {  	_ =	swait.ge [sflag:s4], $0x80  }
0x15: {  	[sflag:s4] =	ssyncset.done $0x0  }
0x16: {  	[sflag:s4] =	ssyncadd.s32 $0xFFFFFF80  }
0x17: {  	[tilespmem:s6], [sflag:$0x1] =	stream.indirect.gather [hbm4b:s2+s6], $0x80, s3, s6, $0xb8;
	[tilespmem:$0x4080] =	vst v63  }
0x18: {  	_ =	swait.ge [sflag:s7], $0x4000  }
0x19: {  	s10 =	sshll.u32 s10, $0x4;
	[sflag:s7] =	ssyncset.done $0x0  }
0x1a: {  	s10 =	sadd.s32 s16, s10;
	[sflag:s7] =	ssyncadd.s32 $0xFFFFC000  }
0x1b: {  	[hbm4b:s10+s3] =	stream.linear.scatter [tilespmem:s6], [sflag:$0x2], $0x4000, $0x38;
	[tilespmem:$0x4080] =	vst v63  }
0x1c: {  	s12 =	sor.u32 $0x100, s13;
	_ =	swait.ge [sflag:s4], $0x4000  }
0x1d: {  	s11 =	sshrl.u32 s12, $0x3;
	[sflag:s4] =	ssyncset.done $0x0  }
0x1e: {  	s11 =	sadd.s32 s15, s11;
	[sflag:s4] =	ssyncadd.s32 $0xFFFFC000  }
0x1f: {  	[tilespmem:s3], [sflag:$0x2] =	stream.linear.gather [hbm4b:s11+s3], $0x80, $0x38;
	[tilespmem:$0x4080] =	vst v63  }
0x20: {  	_ =	swait.ge [sflag:s4], $0x80  }
0x21: {  	[sflag:s4] =	ssyncset.done $0x0  }
0x22: {  	[sflag:s4] =	ssyncadd.s32 $0xFFFFFF80  }
0x23: {  	[tilespmem:s6], [sflag:$0x1] =	stream.indirect.gather [hbm4b:s2+s6], $0x80, s3, s6, $0xb8;
	[tilespmem:$0x4080] =	vst v63  }
0x24: {  	_ =	swait.ge [sflag:s7], $0x4000  }
0x25: {  	s12 =	sshll.u32 s12, $0x4;
	[sflag:s7] =	ssyncset.done $0x0  }
0x26: {  	s12 =	sadd.s32 s16, s12;
	[sflag:s7] =	ssyncadd.s32 $0xFFFFC000  }
0x27: {  	[hbm4b:s12+s3] =	stream.linear.scatter [tilespmem:s6], [sflag:$0x2], $0x4000, $0x38;
	[tilespmem:$0x4080] =	vst v63  }
0x28: {  	s17 =	sor.u32 $0x180, s13;
	_ =	swait.ge [sflag:s4], $0x4000  }
0x29: {  	s13 =	sshrl.u32 s17, $0x3;
	[sflag:s4] =	ssyncset.done $0x0  }
0x2a: {  	s14 =	ssub.s32 $0x2, s14;
	s13 =	sadd.s32 s15, s13;
	[sflag:s4] =	ssyncadd.s32 $0xFFFFC000  }
0x2b: {  	[tilespmem:s3], [sflag:$0x2] =	stream.linear.gather [hbm4b:s13+s3], $0x80, $0x38;
	[tilespmem:$0x4080] =	vst v63  }
0x2c: {  	s30 =	sshrl.u32 s14, $0x1;
	_ =	swait.ge [sflag:s4], $0x80  }
0x2d: {  	s15 =	ssub.s32 s14, s30;
	[sflag:s4] =	ssyncset.done $0x0  }
0x2e: {  	s15 =	smax.u32 s15, $0x1;
	[sflag:s4] =	ssyncadd.s32 $0xFFFFFF80  }
0x2f: {  	[tilespmem:s6], [sflag:$0x1] =	stream.indirect.gather [hbm4b:s2+s6], $0x80, s3, s6, $0xb8;
	[tilespmem:$0x4080] =	vst v63  }
0x30: {  	p0 =	sne.s32 s15, $0x1;
	_ =	swait.ge [sflag:s7], $0x4000  }
.Ltmp0:
0x31: {  	s31 =	sshll.u32 s17, $0x4;
	[sflag:s7] =	ssyncset.done $0x0;
	(pc) =	sbr.rel @!p0 .LBB2_2-.Ltmp0, $4  }
0x32: {  	s14 =	sadd.s32 s16, s31;
	[sflag:s7] =	ssyncadd.s32 $0xFFFFC000  }
0x33: {  	[hbm4b:s14+s3] =	stream.linear.scatter [tilespmem:s6], [sflag:$0x2], $0x4000, $0x38;
	[tilespmem:$0x4080] =	vst v63  }
0x34: {  	_ =	swait.ge [sflag:s4], $0x4000  }
0x35: {  	s15 =	sadd.s32 $0xFFFFFFFF, s15;
	[sflag:s4] =	ssyncset.done $0x0  }
.LBB2_1:
0x36: {  	p0 =	sne.s32 s15, $0x1;
	s15 =	sadd.s32 $0xFFFFFFFF, s15;
	[sflag:s4] =	ssyncadd.s32 $0xFFFFC000  }
0x37: {  	[tilespmem:s3], [sflag:$0x2] =	stream.linear.gather [hbm4b:s5+s3], $0x80, $0x38;
	[tilespmem:$0x4080] =	vst v63  }
0x38: {  	_ =	swait.ge [sflag:s4], $0x80  }
0x39: {  	[sflag:s4] =	ssyncset.done $0x0  }
0x3a: {  	[sflag:s4] =	ssyncadd.s32 $0xFFFFFF80  }
0x3b: {  	[tilespmem:s6], [sflag:$0x1] =	stream.indirect.gather [hbm4b:s2+s6], $0x80, s3, s6, $0xb8;
	[tilespmem:$0x4080] =	vst v63  }
0x3c: {  	_ =	swait.ge [sflag:s7], $0x4000  }
0x3d: {  	[sflag:s7] =	ssyncset.done $0x0  }
0x3e: {  	[sflag:s7] =	ssyncadd.s32 $0xFFFFC000  }
0x3f: {  	[hbm4b:s8+s3] =	stream.linear.scatter [tilespmem:s6], [sflag:$0x2], $0x4000, $0x38;
	[tilespmem:$0x4080] =	vst v63  }
0x40: {  	_ =	swait.ge [sflag:s4], $0x4000  }
0x41: {  	[sflag:s4] =	ssyncset.done $0x0  }
0x42: {  	[sflag:s4] =	ssyncadd.s32 $0xFFFFC000  }
0x43: {  	[tilespmem:s3], [sflag:$0x2] =	stream.linear.gather [hbm4b:s9+s3], $0x80, $0x38;
	[tilespmem:$0x4080] =	vst v63  }
0x44: {  	_ =	swait.ge [sflag:s4], $0x80  }
0x45: {  	[sflag:s4] =	ssyncset.done $0x0  }
0x46: {  	[sflag:s4] =	ssyncadd.s32 $0xFFFFFF80  }
0x47: {  	[tilespmem:s6], [sflag:$0x1] =	stream.indirect.gather [hbm4b:s2+s6], $0x80, s3, s6, $0xb8;
	[tilespmem:$0x4080] =	vst v63  }
0x48: {  	_ =	swait.ge [sflag:s7], $0x4000  }
0x49: {  	[sflag:s7] =	ssyncset.done $0x0  }
0x4a: {  	[sflag:s7] =	ssyncadd.s32 $0xFFFFC000  }
0x4b: {  	[hbm4b:s10+s3] =	stream.linear.scatter [tilespmem:s6], [sflag:$0x2], $0x4000, $0x38;
	[tilespmem:$0x4080] =	vst v63  }
0x4c: {  	_ =	swait.ge [sflag:s4], $0x4000  }
0x4d: {  	[sflag:s4] =	ssyncset.done $0x0  }
0x4e: {  	[sflag:s4] =	ssyncadd.s32 $0xFFFFC000  }
0x4f: {  	[tilespmem:s3], [sflag:$0x2] =	stream.linear.gather [hbm4b:s11+s3], $0x80, $0x38;
	[tilespmem:$0x4080] =	vst v63  }
0x50: {  	_ =	swait.ge [sflag:s4], $0x80  }
0x51: {  	[sflag:s4] =	ssyncset.done $0x0  }
0x52: {  	[sflag:s4] =	ssyncadd.s32 $0xFFFFFF80  }
0x53: {  	[tilespmem:s6], [sflag:$0x1] =	stream.indirect.gather [hbm4b:s2+s6], $0x80, s3, s6, $0xb8;
	[tilespmem:$0x4080] =	vst v63  }
0x54: {  	_ =	swait.ge [sflag:s7], $0x4000  }
0x55: {  	[sflag:s7] =	ssyncset.done $0x0  }
0x56: {  	[sflag:s7] =	ssyncadd.s32 $0xFFFFC000  }
0x57: {  	[hbm4b:s12+s3] =	stream.linear.scatter [tilespmem:s6], [sflag:$0x2], $0x4000, $0x38;
	[tilespmem:$0x4080] =	vst v63  }
0x58: {  	_ =	swait.ge [sflag:s4], $0x4000  }
0x59: {  	[sflag:s4] =	ssyncset.done $0x0  }
0x5a: {  	[sflag:s4] =	ssyncadd.s32 $0xFFFFC000  }
0x5b: {  	[tilespmem:s3], [sflag:$0x2] =	stream.linear.gather [hbm4b:s13+s3], $0x80, $0x38;
	[tilespmem:$0x4080] =	vst v63  }
0x5c: {  	_ =	swait.ge [sflag:s4], $0x80  }
0x5d: {  	[sflag:s4] =	ssyncset.done $0x0  }
0x5e: {  	[sflag:s4] =	ssyncadd.s32 $0xFFFFFF80  }
0x5f: {  	[tilespmem:s6], [sflag:$0x1] =	stream.indirect.gather [hbm4b:s2+s6], $0x80, s3, s6, $0xb8;
	[tilespmem:$0x4080] =	vst v63  }
0x60: {  	_ =	swait.ge [sflag:s7], $0x4000  }
.Ltmp1:
0x61: {  	[sflag:s7] =	ssyncset.done $0x0;
	(pc) =	sbr.rel @p0 .LBB2_1-.Ltmp1, $4  }
0x62: {  	[sflag:s7] =	ssyncadd.s32 $0xFFFFC000  }
0x63: {  	[hbm4b:s14+s3] =	stream.linear.scatter [tilespmem:s6], [sflag:$0x2], $0x4000, $0x38;
	[tilespmem:$0x4080] =	vst v63  }
0x64: {  	_ =	swait.ge [sflag:s4], $0x4000  }
0x65: {  	[sflag:s4] =	ssyncset.done $0x0  }
.LBB2_2:
0x66: {  	[sflag:s4] =	ssyncadd.s32 $0xFFFFC000  }
0x67: {  	_ =	sfence.sel $0x180000  }
0x68: {  	[bflag:$0x0] =	sbarrier.arrive $0xFFFF  }
0x69: {  	p0 =	sne.s32 s0, $0x0;
	_ =	strace $0x9000004A  }
0x6a: {  	s0 =	sadd.s32 @!p0 $0x100000, s1;
	[bflag:$0x2] =	sbarrier.arrive $0xFFFF  }
0x6b: {  	[sflag:s0] =	ssyncadd.tile.s32 @!p0 $0x1;
	_ =	shalt  }
.Lfunc_end2:
_tile_overlayer_lowered:
.L_overlay_start_2:
0x6c: {  	(tag) =	ssettag $0x2  }
0x6d: {  	s0 =	rddreg [dreg:$0x0];
	s2 =	stileid.u32  }
0x6e: {  	s1 =	rddreg [dreg:$0x1];
	p0 =	sne.s32 s2, $0x0  }
0x6f: {  	s3 =	rddreg [dreg:$0x2];
	[bflag:$0x3] =	sbarrier.arrive $0xFFFF;
	s2 =	simm.s32 @!p0 $0x1C02  }
0x70: {  	[timem:s3], [sflag:s2] =	dma.local @!p0 [hbm:s0], s1  }
0x71: {  	s0 =	simm.s32 @!p0 $0x2  }
0x72: {  	_ =	swait.ge @!p0 [sflag:s0], s1  }
0x73: {  	s1 =	ssub.s32 @!p0 $0x0, s1;
	[sflag:s0] =	ssyncset.done @!p0 $0x0  }
0x74: {  	[sflag:s0] =	ssyncadd.s32 @!p0 s1  }
0x75: {  	[bflag:$0x3] =	sbarrier.arrive $0xFFFF  }
0x76: {  	_ =	shalt  }

// kernel: kernel.20.cloned.1.call-start
scs
__scs_entry_jumppad:
0x0: {  	(pc) =	sbr.rel $0x88, $3  }
0x1: {  	(tag) =	ssettag $0x0;
	lr =	simm.s32 $0x1  }
0x2: {  	[smem:$0x3F90] =	sst lr;
	_ =	strace $0xD0000000  }
0x3: {  	_ = 	snop  }
0x4: {  	_ = 	snop  }
0x5: {  	_ = 	snop  }
0x6: {  	_ = 	snop  }
0x7: {  	_ = 	snop  }
__scs_overlays_trampoline_lowered:
0x8: {  	[smem:$0x3F9F] =	sst s0  }
0x9: {  	[smem:$0x3FA0] =	sst s1  }
0xa: {  	[smem:$0x3FA1] =	sst s2  }
0xb: {  	[smem:$0x3FA2] =	sst s3  }
0xc: {  	[smem:$0x3FA3] =	sst s4  }
0xd: {  	[smem:$0x3FA4] =	sst s5  }
0xe: {  	[smem:$0x3FA5] =	sst s6  }
0xf: {  	[smem:$0x3FA6] =	sst s7  }
0x10: {  	[smem:$0x3FA7] =	sst s8  }
0x11: {  	[smem:$0x3FA8] =	sst s9;
	s0 =	simm.s32 @!p0 $0x0  }
0x12: {  	s1 =	sld [smem:$0x3F8E];
	s0 =	simm.s32 @p0 $0x1  }
0x13: {  	[smem:$0x3FA9] =	sst s0;
	s0 =	simm.s32 @!p1 $0x0  }
0x14: {  	s2 =	sld [smem:$0x3F8D];
	s0 =	simm.s32 @p1 $0x1  }
0x15: {  	[smem:$0x3FAA] =	sst s0;
	s0 =	simm.s32 @!p2 $0x0  }
0x16: {  	s3 =	sld [smem:$0x3FDB];
	s0 =	simm.s32 @p2 $0x1  }
0x17: {  	s4 =	simm.s32 $0x1BF5;
	[smem:$0x3FAC] =	sst s0  }
0x18: {  	s0 =	sld [smem:$0x3F8F];
	_ =	swait.ge [sflag:s4], $0x0  }
0x19: {  	s7 =	sld [smem:$0x3F90]  }
0x1a: {  	s8 =	sadd.s32 $0xFFFFE003, lr  }
0x1b: {  	s9 =	sadd.s32 $0xFFFFFEF7, lr;
	s5 =	simm.s32 $0xFFFFFFFF;
	p2 =	slt.u32 s8, $0xFFFFF086  }
0x1c: {  	p1 =	slt.u32 s9, $0xF7A;
	s5 =	simm.s32 @!p2 $0x0  }
0x1d: {  	s5 =	simm.s32 @p1 $0x1;
	p0 =	seq.s32 s7, s2  }
0x1e: {  	s7 =	smul.u32 @!p0 $0xF7A, s2;
	p2 =	seq.s32 @!p0 s5, $0x0  }
0x1f: {  	s9 =	smul.u32 $0xF7A, s1;
	s8 =	simm.s32 @!p0 $0x1BF5;
	p2 =	por !p2, p0  }
0x20: {  	[sflag:s8] =	ssyncset.s32 @!p0 $0xFFFFF086;
	s6 =	sadd.s32 @!p0 s3, s7;
	s7 =	simm.s32 @!p0 $0x108  }
0x21: {  	s3 =	sadd.s32 s3, s9;
	s6 =	sadd.s32 @!p0 $0x88, s6;
	s7 =	simm.s32 @p2 $0x1082  }
0x22: {  	[simem:s7], [sflag:s8] =	dma.local @!p0 [hbm:s6], $0xF7A  }
0x23: {  	s9 =	sor.u32 $0xD0000000, s2;
	s6 =	simm.s32 $0x108;
	_ =	swait.ge @!p0 [sflag:s8], $0x0  }
0x24: {  	s3 =	sadd.s32 $0x88, s3;
	s6 =	simm.s32 @!p1 $0x1082;
	[sflag:s4] =	ssyncset.s32 $0xFFFFF086  }
0x25: {  	[simem:s6], [sflag:s4] =	dma.local [hbm:s3], $0xF7A  }
0x26: {  	[smem:$0x3F90] =	sst s1;
	(tag) =	ssettag s2;
	_ =	strace s9  }
0x27: {  	s1 =	sld [smem:$0x3FA0]  }
0x28: {  	s2 =	sld [smem:$0x3FA1]  }
0x29: {  	s4 =	sld [smem:$0x3FA3]  }
0x2a: {  	p0 =	seq.s32 s5, $0x0;
	s5 =	sld [smem:$0x3FA4]  }
0x2b: {  	s6 =	sld [smem:$0x3FA5]  }
0x2c: {  	s7 =	sld [smem:$0x3FA6]  }
0x2d: {  	s3 =	simm.s32 $0x108;
	s8 =	sld [smem:$0x3FA7]  }
0x2e: {  	s3 =	simm.s32 @!p0 $0x1082;
	s9 =	sld [smem:$0x3FA8]  }
0x2f: {  	lr =	sadd.s32 s0, s3;
	s0 =	sld [smem:$0x3F9F]  }
0x30: {  	s3 =	sld [smem:$0x3FA2]  }
0x31: {  	[smem:$0x3FAB] =	sst s10  }
0x32: {  	s10 =	sld [smem:$0x3FA9];
	_ =	sdelay $0x3  }
0x33: {  	p0 =	seq.s32 s10, $0x1;
	s10 =	sld [smem:$0x3FAB];
	_ =	sdelay $0x3  }
0x34: {  	[smem:$0x3FAB] =	sst s10  }
0x35: {  	s10 =	sld [smem:$0x3FAA];
	_ =	sdelay $0x3  }
0x36: {  	p1 =	seq.s32 s10, $0x1;
	s10 =	sld [smem:$0x3FAB];
	_ =	sdelay $0x3  }
0x37: {  	[smem:$0x3FAB] =	sst s10  }
0x38: {  	s10 =	sld [smem:$0x3FAC]  }
0x39: {  	_ = 	snop;
	(pc) =	sbr.ind lr, $3  }
0x3a: {  	_ = 	snop  }
0x3b: {  	_ = 	snop  }
0x3c: {  	p2 =	seq.s32 s10, $0x1;
	s10 =	sld [smem:$0x3FAB]  }
0x3d: {  	_ =	shalt  }
0x3e: {  	_ =	shalt  }
0x3f: {  	_ =	shalt  }
0x40: {  	_ =	shalt  }
0x41: {  	_ =	shalt  }
0x42: {  	_ =	shalt  }
0x43: {  	_ =	shalt  }
0x44: {  	_ =	shalt  }
0x45: {  	_ =	shalt  }
0x46: {  	_ =	shalt  }
0x47: {  	_ =	shalt  }
0x48: {  	_ =	shalt  }
0x49: {  	_ =	shalt  }
0x4a: {  	_ =	shalt  }
0x4b: {  	_ =	shalt  }
0x4c: {  	_ =	shalt  }
0x4d: {  	_ =	shalt  }
0x4e: {  	_ =	shalt  }
0x4f: {  	_ =	shalt  }
0x50: {  	_ =	shalt  }
0x51: {  	_ =	shalt  }
0x52: {  	_ =	shalt  }
0x53: {  	_ =	shalt  }
0x54: {  	_ =	shalt  }
0x55: {  	_ =	shalt  }
0x56: {  	_ =	shalt  }
0x57: {  	_ =	shalt  }
0x58: {  	_ =	shalt  }
0x59: {  	_ =	shalt  }
0x5a: {  	_ =	shalt  }
0x5b: {  	_ =	shalt  }
0x5c: {  	_ =	shalt  }
0x5d: {  	_ =	shalt  }
0x5e: {  	_ =	shalt  }
0x5f: {  	_ =	shalt  }
0x60: {  	_ =	shalt  }
0x61: {  	_ =	shalt  }
0x62: {  	_ =	shalt  }
0x63: {  	_ =	shalt  }
0x64: {  	_ =	shalt  }
0x65: {  	_ =	shalt  }
0x66: {  	_ =	shalt  }
0x67: {  	_ =	shalt  }
0x68: {  	_ =	shalt  }
0x69: {  	_ =	shalt  }
0x6a: {  	_ =	shalt  }
0x6b: {  	_ =	shalt  }
0x6c: {  	_ =	shalt  }
0x6d: {  	_ =	shalt  }
0x6e: {  	_ =	shalt  }
0x6f: {  	_ =	shalt  }
0x70: {  	_ =	shalt  }
0x71: {  	_ =	shalt  }
0x72: {  	_ =	shalt  }
0x73: {  	_ =	shalt  }
0x74: {  	_ =	shalt  }
0x75: {  	_ =	shalt  }
0x76: {  	_ =	shalt  }
0x77: {  	_ =	shalt  }
0x78: {  	_ =	shalt  }
0x79: {  	_ =	shalt  }
0x7a: {  	_ =	shalt  }
0x7b: {  	_ =	shalt  }
0x7c: {  	_ =	shalt  }
0x7d: {  	_ =	shalt  }
0x7e: {  	_ =	shalt  }
0x7f: {  	_ =	shalt  }
0x80: {  	_ =	shalt  }
0x81: {  	_ =	shalt  }
0x82: {  	_ =	shalt  }
0x83: {  	_ =	shalt  }
0x84: {  	_ =	shalt  }
0x85: {  	_ =	shalt  }
0x86: {  	_ =	shalt  }
0x87: {  	_ =	shalt  }
.Lfunc_end0:
.L_simem_size_0:
called_computation.3_lowered:
.L_overlay_start_0:
0x88: {  	s2 =	sld [smem:$0x3FD9]  }
0x89: {  	s3 =	sld [smem:$0x3FFE];
	_ =	sdelay $0x1  }
0x8a: {  	s1 =	srdreg.scid  }
0x8b: {  	s0 =	sand.u32 $0x1, s1  }
0x8c: {  	s17 =	sshll.u32 s0, $0xA;
	s2 =	sadd.s32 s3, s2  }
0x8d: {  	s2 =	sadd.s32 s2, s17  }
0x8e: {  	[smem:$0x3FB7] =	sst s2  }
0x8f: {  	_ = 	snop  }
0x90: {  	s18 =	sld [smem:$0x3FC6]  }
0x91: {  	s4 =	sld [smem:$0x3FD0];
	(tm) =	ssettm $0x1  }
0x92: {  	s19 =	sld [smem:$0x3FFB];
	_ =	sdelay $0x3  }
0x93: {  	_ =	strace s19  }
0x94: {  	s2 =	sld [smem:$0x3FFC];
	_ =	sdelay $0x3  }
0x95: {  	_ =	strace s2  }
0x96: {  	s2 =	sld [smem:$0x3FFD];
	_ =	sdelay $0x3  }
0x97: {  	_ =	strace s2  }
0x98: {  	_ =	strace $0x8FFFFFFF  }
0x99: {  	s20 =	sld [smem:$0x3FDB];
	_ =	sdelay $0x1  }
0x9a: {  	s5 =	simm.s32 $_scs_section_size  }
0x9b: {  	s6 =	simm.s32 $_size__tile_overlayer_lowered;
	s7 =	simm.s32 $_tile_overlayer_lowered  }
0x9c: {  	s8 =	simm.s32 $0x1BFF;
	s21 =	sshll.u32 s7, $0x1;
	s5 =	sadd.s32 s5, s20  }
0x9d: {  	s22 =	simm.s32 $0x0;
	s6 =	sshll.u32 s6, $0x1;
	s7 =	sadd.s32 s21, s5  }
0x9e: {  	[timem:s22], [sflag:s8] =	dma.local [hbm:s7], s6  }
0x9f: {  	_ =	swait.ge [sflag:s8], s6  }
0xa0: {  	s6 =	ssub.s32 $0x0, s6;
	[sflag:s8] =	ssyncset.done $0x0  }
0xa1: {  	[sflag:s8] =	ssyncadd.s32 s6;
	_ =	sdelay $0x1  }
0xa2: {  	s23 =	simm.s32 $0x1B8B  }
0xa3: {  	_ =	swait.ge [sflag:s23], $0x1  }
0xa4: {  	[sflag:s23] =	ssyncset.done $0x0  }
0xa5: {  	[sflag:s23] =	ssyncadd.s32 $0xFFFFFFFF  }
0xa6: {  	s6 =	sld [smem:$0x0]  }
0xa7: {  	s7 =	sand.u32 $0xFFFFFFFE, s1  }
0xa8: {  	p0 =	sne.s32 s1, s7  }
0xa9: {  	s7 =	sshll.u32 @p0 s7, $0xE  }
0xaa: {  	s7 =	sadd.s32 @p0 $0x11B8D, s7;
	s8 =	sshll.u32 @p0 s6, $0x11  }
0xab: {  	s7 =	sor.u32 @p0 s8, s7  }
0xac: {  	[sflag:s7] =	ssyncadd.remote.s32 @p0 $0x1;
	_ =	sdelay $0x1  }
0xad: {  	s7 =	simm.s32 @p0 $0x1B8D  }
0xae: {  	_ =	swait.eq @p0 [sflag:s7], $0x1  }
0xaf: {  	[sflag:s7] =	ssyncadd.s32 @p0 $0xFFFFFFFF  }
0xb0: {  	s8 =	sshll.u32 @!p0 s1, $0xE  }
0xb1: {  	s8 =	sor.u32 @!p0 $0x4000, s8;
	s7 =	simm.s32 @!p0 $0x1B8D  }
0xb2: {  	s6 =	sshll.u32 @!p0 s6, $0x11;
	s8 =	sadd.s32 @!p0 $0x11B8D, s8;
	_ =	swait.eq @!p0 [sflag:s7], $0x1  }
0xb3: {  	s6 =	sor.u32 @!p0 s6, s8;
	[sflag:s7] =	ssyncadd.s32 @!p0 $0xFFFFFFFF  }
0xb4: {  	s25 =	simm.s32 $0x1B8E;
	s24 =	sld [smem:$0x3FFE];
	[sflag:s6] =	ssyncadd.remote.s32 @!p0 $0x1  }
0xb5: {  	s26 =	simm.s32 $execute0_lowered;
	[smem:$0x3FD2] =	sst s25  }
0xb6: {  	s7 =	sshll.u32 s26, $0x1;
	_ =	strace $0x8000004C;
	[dreg:$0x1] =	wrdreg $0xFFFFFFFF  }
0xb7: {  	s28 =	simm.s32 $_size_execute0_lowered;
	s5 =	sadd.s32 s5, s7;
	[dreg:$0x0] =	wrdreg $0x0  }
0xb8: {  	s7 =	sshll.u32 s28, $0x1;
	[dreg:$0x2] =	wrdreg s5  }
0xb9: {  	[dreg:$0x3] =	wrdreg s7  }
0xba: {  	[dreg:$0x4] =	wrdreg $0xC0  }
0xbb: {  	_ =	task [dreg:s22], $0x5FFFF  }
0xbc: {  	[dreg:$0x1] =	wrdreg $0xFFFFFFFF  }
0xbd: {  	[dreg:$0x0] =	wrdreg $0x60  }
0xbe: {  	[dreg:$0x2] =	wrdreg s18  }
0xbf: {  	[dreg:$0x3] =	wrdreg s4  }
0xc0: {  	[dreg:$0x4] =	wrdreg s24  }
0xc1: {  	[dreg:$0x5] =	wrdreg $0xC  }
0xc2: {  	_ =	task.clear_ibuf [dreg:s22], $0x6FFFF;
	_ =	strace $0x9000004C  }
0xc3: {  	s29 =	simm.s32 $0xC;
	_ =	strace $0x8000004E  }
0xc4: {  	_ =	swait.ge [sflag:s29], $0x1  }
0xc5: {  	[sflag:s29] =	ssyncadd.s32 $0xFFFFFFFF  }
0xc6: {  	_ =	strace $0x9000004E  }
0xc7: {  	_ =	sfence  }
0xc8: {  	s30 =	sld [smem:$0x0];
	_ =	sdelay $0x2  }
0xc9: {  	s31 =	sshll.u32 s1, $0xD;
	s1 =	sshrl.u32 s1, $0x2  }
0xca: {  	s4 =	sand.u32 $0x4000, s31;
	s1 =	sadd.s32 s1, s30  }
0xcb: {  	s0 =	sor.u32 s4, s0;
	s1 =	sshll.u32 s1, $0x11  }
0xcc: {  	s0 =	sor.u32 s1, s0  }
0xcd: {  	s0 =	sadd.s32 $0x8F2B, s0  }
0xce: {  	[sflag:s0] =	ssyncadd.remote.s32 $0x1  }
0xcf: {  	_ =	sfence.sel $0xFFFF  }
0xd0: {  	[dreg:$0x0] =	wrdreg $0xFFFFFFFF;
	(pc) =	sbr.abs _section_cstart, $3  }
0xd1: {  	[dreg:$0x1] =	wrdreg $0xFFFFFFFF  }
0xd2: {  	_ =	task.clear_ibuf [dreg:s22], $0x2FFFF;
	_ =	strace $0x9FFFFFFF  }
0xd3: {  	(tm) =	ssettm $0x7FFFFFFF  }
tec
execute0_lowered:
.L_overlay_start_1:
0x0: {  	(tag) =	ssettag $0x1  }
0x1: {  	s1 =	rddreg [dreg:$0x0];
	s2 =	srdreg.scid  }
0x2: {  	s13 =	rddreg [dreg:$0x1];
	s0 =	stileid.u32;
	s14 =	sand.u32 $0x1, s2  }
0x3: {  	s8 =	rddreg [dreg:$0x2];
	s4 =	sshll.u32 s0, $0xA;
	s5 =	sshll.u32 s14, $0x9  }
0x4: {  	s3 =	simm.s32 $0x0;
	s2 =	rddreg [dreg:$0x3];
	s15 =	sor.u32 s5, s4  }
0x5: {  	[smem:$0x7FF] =	sst s3;
	s4 =	sshrl.u32 s15, $0x3  }
0x6: {  	_ =	strace $0x8000004D;
	s5 =	sadd.s32 s13, s4;
	s4 =	simm.s32 $0x2  }
0x7: {  	[tilespmem:s3], [sflag:$0x2] =	stream.linear.gather [hbm4b:s5+s3], $0x80, $0x38;
	[tilespmem:$0x4080] =	vst v63  }
0x8: {  	_ =	swait.ge [sflag:s4], $0x80  }
0x9: {  	[sflag:s4] =	ssyncset.done $0x0  }
0xa: {  	s6 =	simm.s32 $0x80;
	s7 =	simm.s32 $0x1;
	[sflag:s4] =	ssyncadd.s32 $0xFFFFFF80  }
0xb: {  	[tilespmem:s6], [sflag:$0x1] =	stream.indirect.gather [hbm4b:s1+s6], $0x80, s3, s6, $0xb8;
	[tilespmem:$0x4080] =	vst v63  }
0xc: {  	_ =	swait.ge [sflag:s7], $0x4000  }
0xd: {  	s16 =	sadd.s32 $0x84C00, s8;
	s28 =	sshll.u32 s15, $0x4;
	[sflag:s7] =	ssyncset.done $0x0  }
0xe: {  	s8 =	sadd.s32 s16, s28;
	[sflag:s7] =	ssyncadd.s32 $0xFFFFC000  }
0xf: {  	[hbm4b:s8+s3] =	stream.linear.scatter [tilespmem:s6], [sflag:$0x2], $0x4000, $0x38;
	[tilespmem:$0x4080] =	vst v63  }
0x10: {  	s10 =	sor.u32 $0x80, s15;
	_ =	swait.ge [sflag:s4], $0x4000  }
0x11: {  	s9 =	sshrl.u32 s10, $0x3;
	[sflag:s4] =	ssyncset.done $0x0  }
0x12: {  	s9 =	sadd.s32 s13, s9;
	[sflag:s4] =	ssyncadd.s32 $0xFFFFC000  }
0x13: {  	[tilespmem:s3], [sflag:$0x2] =	stream.linear.gather [hbm4b:s9+s3], $0x80, $0x38;
	[tilespmem:$0x4080] =	vst v63  }
0x14: {  	_ =	swait.ge [sflag:s4], $0x80  }
0x15: {  	[sflag:s4] =	ssyncset.done $0x0  }
0x16: {  	[sflag:s4] =	ssyncadd.s32 $0xFFFFFF80  }
0x17: {  	[tilespmem:s6], [sflag:$0x1] =	stream.indirect.gather [hbm4b:s1+s6], $0x80, s3, s6, $0xb8;
	[tilespmem:$0x4080] =	vst v63  }
0x18: {  	_ =	swait.ge [sflag:s7], $0x4000  }
0x19: {  	s10 =	sshll.u32 s10, $0x4;
	[sflag:s7] =	ssyncset.done $0x0  }
0x1a: {  	s10 =	sadd.s32 s16, s10;
	[sflag:s7] =	ssyncadd.s32 $0xFFFFC000  }
0x1b: {  	[hbm4b:s10+s3] =	stream.linear.scatter [tilespmem:s6], [sflag:$0x2], $0x4000, $0x38;
	[tilespmem:$0x4080] =	vst v63  }
0x1c: {  	s12 =	sor.u32 $0x100, s15;
	_ =	swait.ge [sflag:s4], $0x4000  }
0x1d: {  	s11 =	sshrl.u32 s12, $0x3;
	[sflag:s4] =	ssyncset.done $0x0  }
0x1e: {  	s11 =	sadd.s32 s13, s11;
	[sflag:s4] =	ssyncadd.s32 $0xFFFFC000  }
0x1f: {  	[tilespmem:s3], [sflag:$0x2] =	stream.linear.gather [hbm4b:s11+s3], $0x80, $0x38;
	[tilespmem:$0x4080] =	vst v63  }
0x20: {  	_ =	swait.ge [sflag:s4], $0x80  }
0x21: {  	[sflag:s4] =	ssyncset.done $0x0  }
0x22: {  	[sflag:s4] =	ssyncadd.s32 $0xFFFFFF80  }
0x23: {  	[tilespmem:s6], [sflag:$0x1] =	stream.indirect.gather [hbm4b:s1+s6], $0x80, s3, s6, $0xb8;
	[tilespmem:$0x4080] =	vst v63  }
0x24: {  	_ =	swait.ge [sflag:s7], $0x4000  }
0x25: {  	s12 =	sshll.u32 s12, $0x4;
	[sflag:s7] =	ssyncset.done $0x0  }
0x26: {  	s12 =	sadd.s32 s16, s12;
	[sflag:s7] =	ssyncadd.s32 $0xFFFFC000  }
0x27: {  	[hbm4b:s12+s3] =	stream.linear.scatter [tilespmem:s6], [sflag:$0x2], $0x4000, $0x38;
	[tilespmem:$0x4080] =	vst v63  }
0x28: {  	s15 =	sor.u32 $0x180, s15;
	_ =	swait.ge [sflag:s4], $0x4000  }
0x29: {  	s17 =	sshrl.u32 s15, $0x3;
	[sflag:s4] =	ssyncset.done $0x0  }
0x2a: {  	s14 =	ssub.s32 $0x2, s14;
	s13 =	sadd.s32 s13, s17;
	[sflag:s4] =	ssyncadd.s32 $0xFFFFC000  }
0x2b: {  	[tilespmem:s3], [sflag:$0x2] =	stream.linear.gather [hbm4b:s13+s3], $0x80, $0x38;
	[tilespmem:$0x4080] =	vst v63  }
0x2c: {  	s29 =	sshrl.u32 s14, $0x1;
	_ =	swait.ge [sflag:s4], $0x80  }
0x2d: {  	s17 =	ssub.s32 s14, s29;
	[sflag:s4] =	ssyncset.done $0x0  }
0x2e: {  	s31 =	smax.u32 s17, $0x1;
	[sflag:s4] =	ssyncadd.s32 $0xFFFFFF80  }
0x2f: {  	[tilespmem:s6], [sflag:$0x1] =	stream.indirect.gather [hbm4b:s1+s6], $0x80, s3, s6, $0xb8;
	[tilespmem:$0x4080] =	vst v63  }
0x30: {  	p0 =	sne.s32 s31, $0x1;
	_ =	swait.ge [sflag:s7], $0x4000  }
.Ltmp0:
0x31: {  	s30 =	sshll.u32 s15, $0x4;
	[sflag:s7] =	ssyncset.done $0x0;
	(pc) =	sbr.rel @!p0 .LBB2_2-.Ltmp0, $4  }
0x32: {  	s14 =	sadd.s32 s16, s30;
	[sflag:s7] =	ssyncadd.s32 $0xFFFFC000  }
0x33: {  	[hbm4b:s14+s3] =	stream.linear.scatter [tilespmem:s6], [sflag:$0x2], $0x4000, $0x38;
	[tilespmem:$0x4080] =	vst v63  }
0x34: {  	_ =	swait.ge [sflag:s4], $0x4000  }
0x35: {  	s15 =	sadd.s32 $0xFFFFFFFF, s31;
	[sflag:s4] =	ssyncset.done $0x0  }
.LBB2_1:
0x36: {  	p0 =	sne.s32 s15, $0x1;
	s15 =	sadd.s32 $0xFFFFFFFF, s15;
	[sflag:s4] =	ssyncadd.s32 $0xFFFFC000  }
0x37: {  	[tilespmem:s3], [sflag:$0x2] =	stream.linear.gather [hbm4b:s5+s3], $0x80, $0x38;
	[tilespmem:$0x4080] =	vst v63  }
0x38: {  	_ =	swait.ge [sflag:s4], $0x80  }
0x39: {  	[sflag:s4] =	ssyncset.done $0x0  }
0x3a: {  	[sflag:s4] =	ssyncadd.s32 $0xFFFFFF80  }
0x3b: {  	[tilespmem:s6], [sflag:$0x1] =	stream.indirect.gather [hbm4b:s1+s6], $0x80, s3, s6, $0xb8;
	[tilespmem:$0x4080] =	vst v63  }
0x3c: {  	_ =	swait.ge [sflag:s7], $0x4000  }
0x3d: {  	[sflag:s7] =	ssyncset.done $0x0  }
0x3e: {  	[sflag:s7] =	ssyncadd.s32 $0xFFFFC000  }
0x3f: {  	[hbm4b:s8+s3] =	stream.linear.scatter [tilespmem:s6], [sflag:$0x2], $0x4000, $0x38;
	[tilespmem:$0x4080] =	vst v63  }
0x40: {  	_ =	swait.ge [sflag:s4], $0x4000  }
0x41: {  	[sflag:s4] =	ssyncset.done $0x0  }
0x42: {  	[sflag:s4] =	ssyncadd.s32 $0xFFFFC000  }
0x43: {  	[tilespmem:s3], [sflag:$0x2] =	stream.linear.gather [hbm4b:s9+s3], $0x80, $0x38;
	[tilespmem:$0x4080] =	vst v63  }
0x44: {  	_ =	swait.ge [sflag:s4], $0x80  }
0x45: {  	[sflag:s4] =	ssyncset.done $0x0  }
0x46: {  	[sflag:s4] =	ssyncadd.s32 $0xFFFFFF80  }
0x47: {  	[tilespmem:s6], [sflag:$0x1] =	stream.indirect.gather [hbm4b:s1+s6], $0x80, s3, s6, $0xb8;
	[tilespmem:$0x4080] =	vst v63  }
0x48: {  	_ =	swait.ge [sflag:s7], $0x4000  }
0x49: {  	[sflag:s7] =	ssyncset.done $0x0  }
0x4a: {  	[sflag:s7] =	ssyncadd.s32 $0xFFFFC000  }
0x4b: {  	[hbm4b:s10+s3] =	stream.linear.scatter [tilespmem:s6], [sflag:$0x2], $0x4000, $0x38;
	[tilespmem:$0x4080] =	vst v63  }
0x4c: {  	_ =	swait.ge [sflag:s4], $0x4000  }
0x4d: {  	[sflag:s4] =	ssyncset.done $0x0  }
0x4e: {  	[sflag:s4] =	ssyncadd.s32 $0xFFFFC000  }
0x4f: {  	[tilespmem:s3], [sflag:$0x2] =	stream.linear.gather [hbm4b:s11+s3], $0x80, $0x38;
	[tilespmem:$0x4080] =	vst v63  }
0x50: {  	_ =	swait.ge [sflag:s4], $0x80  }
0x51: {  	[sflag:s4] =	ssyncset.done $0x0  }
0x52: {  	[sflag:s4] =	ssyncadd.s32 $0xFFFFFF80  }
0x53: {  	[tilespmem:s6], [sflag:$0x1] =	stream.indirect.gather [hbm4b:s1+s6], $0x80, s3, s6, $0xb8;
	[tilespmem:$0x4080] =	vst v63  }
0x54: {  	_ =	swait.ge [sflag:s7], $0x4000  }
0x55: {  	[sflag:s7] =	ssyncset.done $0x0  }
0x56: {  	[sflag:s7] =	ssyncadd.s32 $0xFFFFC000  }
0x57: {  	[hbm4b:s12+s3] =	stream.linear.scatter [tilespmem:s6], [sflag:$0x2], $0x4000, $0x38;
	[tilespmem:$0x4080] =	vst v63  }
0x58: {  	_ =	swait.ge [sflag:s4], $0x4000  }
0x59: {  	[sflag:s4] =	ssyncset.done $0x0  }
0x5a: {  	[sflag:s4] =	ssyncadd.s32 $0xFFFFC000  }
0x5b: {  	[tilespmem:s3], [sflag:$0x2] =	stream.linear.gather [hbm4b:s13+s3], $0x80, $0x38;
	[tilespmem:$0x4080] =	vst v63  }
0x5c: {  	_ =	swait.ge [sflag:s4], $0x80  }
0x5d: {  	[sflag:s4] =	ssyncset.done $0x0  }
0x5e: {  	[sflag:s4] =	ssyncadd.s32 $0xFFFFFF80  }
0x5f: {  	[tilespmem:s6], [sflag:$0x1] =	stream.indirect.gather [hbm4b:s1+s6], $0x80, s3, s6, $0xb8;
	[tilespmem:$0x4080] =	vst v63  }
0x60: {  	_ =	swait.ge [sflag:s7], $0x4000  }
.Ltmp1:
0x61: {  	[sflag:s7] =	ssyncset.done $0x0;
	(pc) =	sbr.rel @p0 .LBB2_1-.Ltmp1, $4  }
0x62: {  	[sflag:s7] =	ssyncadd.s32 $0xFFFFC000  }
0x63: {  	[hbm4b:s14+s3] =	stream.linear.scatter [tilespmem:s6], [sflag:$0x2], $0x4000, $0x38;
	[tilespmem:$0x4080] =	vst v63  }
0x64: {  	_ =	swait.ge [sflag:s4], $0x4000  }
0x65: {  	[sflag:s4] =	ssyncset.done $0x0  }
.LBB2_2:
0x66: {  	[sflag:s4] =	ssyncadd.s32 $0xFFFFC000  }
0x67: {  	_ =	sfence.sel $0x180000  }
0x68: {  	[bflag:$0x0] =	sbarrier.arrive $0xFFFF  }
0x69: {  	p0 =	sne.s32 s0, $0x0;
	_ =	strace $0x9000004D  }
0x6a: {  	s0 =	sadd.s32 @!p0 $0x100000, s2;
	[bflag:$0x2] =	sbarrier.arrive $0xFFFF  }
0x6b: {  	[sflag:s0] =	ssyncadd.tile.s32 @!p0 $0x1;
	_ =	shalt  }
.Lfunc_end2:
_tile_overlayer_lowered:
.L_overlay_start_2:
0x6c: {  	(tag) =	ssettag $0x2  }
0x6d: {  	s0 =	rddreg [dreg:$0x0];
	s2 =	stileid.u32  }
0x6e: {  	s1 =	rddreg [dreg:$0x1];
	p0 =	sne.s32 s2, $0x0  }
0x6f: {  	s3 =	rddreg [dreg:$0x2];
	[bflag:$0x3] =	sbarrier.arrive $0xFFFF;
	s2 =	simm.s32 @!p0 $0x1C02  }
0x70: {  	[timem:s3], [sflag:s2] =	dma.local @!p0 [hbm:s0], s1  }
0x71: {  	s0 =	simm.s32 @!p0 $0x2  }
0x72: {  	_ =	swait.ge @!p0 [sflag:s0], s1  }
0x73: {  	s1 =	ssub.s32 @!p0 $0x0, s1;
	[sflag:s0] =	ssyncset.done @!p0 $0x0  }
0x74: {  	[sflag:s0] =	ssyncadd.s32 @!p0 s1  }
0x75: {  	[bflag:$0x3] =	sbarrier.arrive $0xFFFF  }
0x76: {  	_ =	shalt  }

</sc_bundles>
